<compile_context>
chip_gen: v7x
topology: tpu7x:2x2x1
jax: 0.10.2.dev20260603
libtpu: 0.0.44.dev20260713+nightly
codegen_flags: <defaults>
</compile_context>

<pallas_src>
import jax
import jax.numpy as jnp
from jax import lax
from jax.experimental import pallas as pl
from jax.experimental.pallas import tpu as pltpu
from jax.experimental.pallas import tpu_sc as plsc

N = 10000
D = 256
DH = 128
NC = 2
NS = 16
LANES = 16
CHUNK = 128
NACC = 10112
ZR = NACC // NS
ZFULL = ZR // CHUNK
ZREM = ZR % CHUNK


def _mesh():
    return plsc.VectorSubcoreMesh(core_axis_name="c", subcore_axis_name="s",
                                  num_cores=NC, num_subcores=NS)


def _sc_agg(e_pad):
    n_chunks = e_pad // (NS * CHUNK)
    ept = n_chunks * CHUNK

    assert n_chunks >= 2 and n_chunks % 2 == 0

    def body(tab, src2, dstp, out,
             sidx_a, didx_a, rows_a, sem_a, sem_sa,
             sidx_b, didx_b, rows_b, sem_b, sem_sb, acc):
        c = lax.axis_index("c")
        s = lax.axis_index("s")
        zv = jnp.zeros((LANES,), jnp.float32)

        def zrow(i, carry):
            for j in range(DH // LANES):
                rows_a[i, pl.ds(j * LANES, LANES)] = zv
            return carry
        lax.fori_loop(0, CHUNK, zrow, 0)
        for k in range(ZFULL):
            pltpu.sync_copy(rows_a, acc.at[pl.ds(s * ZR + k * CHUNK, CHUNK)])
        if ZREM:
            pltpu.sync_copy(rows_a.at[pl.ds(0, ZREM)],
                            acc.at[pl.ds(s * ZR + ZFULL * CHUNK, ZREM)])
        plsc.subcore_barrier()

        base = s * ept

        def load_idx(i, sidx, didx, sem):
            off = base + i * CHUNK
            pltpu.async_copy(src2.at[c, pl.ds(off, CHUNK)], sidx, sem)
            pltpu.async_copy(dstp.at[pl.ds(off, CHUNK)], didx, sem)

        def wait_idx(sidx, didx, sem):
            pltpu.make_async_copy(src2.at[c, pl.ds(0, CHUNK)], sidx, sem).wait()
            pltpu.make_async_copy(dstp.at[pl.ds(0, CHUNK)], didx, sem).wait()

        def wait_scat(rows, didx, sem):
            pltpu.make_async_copy(rows, acc.at[didx], sem).wait()

        load_idx(0, sidx_a, didx_a, sem_a)
        wait_idx(sidx_a, didx_a, sem_a)
        pltpu.async_copy(tab.at[sidx_a], rows_a, sem_a)
        load_idx(1, sidx_b, didx_b, sem_b)
        wait_idx(sidx_b, didx_b, sem_b)
        pltpu.async_copy(tab.at[sidx_b], rows_b, sem_b)

        def pair(k, carry):
            i0 = 2 * k

            pltpu.make_async_copy(tab.at[sidx_a], rows_a, sem_a).wait()
            pltpu.async_copy(rows_a, acc.at[didx_a], sem_sa, add=True)

            pltpu.make_async_copy(tab.at[sidx_b], rows_b, sem_b).wait()
            pltpu.async_copy(rows_b, acc.at[didx_b], sem_sb, add=True)

            @pl.when(i0 + 2 < n_chunks)
            def _():
                wait_scat(rows_a, didx_a, sem_sa)
                load_idx(i0 + 2, sidx_a, didx_a, sem_a)
                wait_idx(sidx_a, didx_a, sem_a)
                pltpu.async_copy(tab.at[sidx_a], rows_a, sem_a)

            @pl.when(i0 + 3 < n_chunks)
            def _():
                wait_scat(rows_b, didx_b, sem_sb)
                load_idx(i0 + 3, sidx_b, didx_b, sem_b)
                wait_idx(sidx_b, didx_b, sem_b)
                pltpu.async_copy(tab.at[sidx_b], rows_b, sem_b)
            return carry
        lax.fori_loop(0, n_chunks // 2, pair, 0)
        wait_scat(rows_a, didx_a, sem_sa)
        wait_scat(rows_b, didx_b, sem_sb)
        plsc.subcore_barrier()

        pltpu.sync_copy(acc.at[pl.ds(s * ZR, ZR)], out.at[c, pl.ds(s * ZR, ZR)])

    return pl.kernel(
        body,
        out_type=jax.ShapeDtypeStruct((NC, NACC, DH), jnp.float32),
        mesh=_mesh(),
        scratch_types=(
            pltpu.VMEM((CHUNK,), jnp.int32),
            pltpu.VMEM((CHUNK,), jnp.int32),
            pltpu.VMEM((CHUNK, DH), jnp.float32),
            pltpu.SemaphoreType.DMA,
            pltpu.SemaphoreType.DMA,
            pltpu.VMEM((CHUNK,), jnp.int32),
            pltpu.VMEM((CHUNK,), jnp.int32),
            pltpu.VMEM((CHUNK, DH), jnp.float32),
            pltpu.SemaphoreType.DMA,
            pltpu.SemaphoreType.DMA,
            pltpu.VMEM_SHARED((NACC, DH), jnp.float32),
        ))


def _sc_deg(e_pad):
    n_chunks = e_pad // (NC * NS * CHUNK)
    ept = n_chunks * CHUNK

    assert n_chunks >= 2 and n_chunks % 2 == 0

    def body(dstp, deg_out, didx_a, sem_a, sem_sa, didx_b, sem_b, sem_sb,
             ones, zbuf, deg_acc):
        c = lax.axis_index("c")
        s = lax.axis_index("s")
        zv = jnp.zeros((LANES,), jnp.float32)
        ov = jnp.ones((LANES,), jnp.float32)

        def fill(i, carry):
            for j in range(DH // LANES):
                ones[i, pl.ds(j * LANES, LANES)] = ov
            return carry
        lax.fori_loop(0, CHUNK, fill, 0)

        def zfill(i, carry):
            for j in range(DH // LANES):
                zbuf[i, pl.ds(j * LANES, LANES)] = zv
            return carry
        lax.fori_loop(0, 8, zfill, 0)

        def zero(k, carry):
            pltpu.sync_copy(zbuf, deg_acc.at[pl.ds(s * ZR + k * 8, 8)])
            return carry
        lax.fori_loop(0, ZR // 8, zero, 0)
        plsc.subcore_barrier()

        base = (c * NS + s) * ept

        def load_idx(i, didx, sem):
            pltpu.async_copy(dstp.at[pl.ds(base + i * CHUNK, CHUNK)], didx, sem)
            pltpu.make_async_copy(dstp.at[pl.ds(0, CHUNK)], didx, sem).wait()

        def wait_scat(didx, sem):
            pltpu.make_async_copy(ones, deg_acc.at[didx], sem).wait()

        load_idx(0, didx_a, sem_a)
        load_idx(1, didx_b, sem_b)

        def pair(k, carry):
            i0 = 2 * k
            pltpu.async_copy(ones, deg_acc.at[didx_a], sem_sa, add=True)
            pltpu.async_copy(ones, deg_acc.at[didx_b], sem_sb, add=True)

            @pl.when(i0 + 2 < n_chunks)
            def _():
                wait_scat(didx_a, sem_sa)
                load_idx(i0 + 2, didx_a, sem_a)

            @pl.when(i0 + 3 < n_chunks)
            def _():
                wait_scat(didx_b, sem_sb)
                load_idx(i0 + 3, didx_b, sem_b)
            return carry
        lax.fori_loop(0, n_chunks // 2, pair, 0)
        wait_scat(didx_a, sem_sa)
        wait_scat(didx_b, sem_sb)
        plsc.subcore_barrier()

        pltpu.sync_copy(deg_acc.at[pl.ds(s * ZR, ZR)],
                        deg_out.at[c, pl.ds(s * ZR, ZR)])

    return pl.kernel(
        body,
        out_type=jax.ShapeDtypeStruct((NC, NACC, DH), jnp.float32),
        mesh=_mesh(),
        scratch_types=(
            pltpu.VMEM((CHUNK,), jnp.int32),
            pltpu.SemaphoreType.DMA,
            pltpu.SemaphoreType.DMA,
            pltpu.VMEM((CHUNK,), jnp.int32),
            pltpu.SemaphoreType.DMA,
            pltpu.SemaphoreType.DMA,
            pltpu.VMEM((CHUNK, DH), jnp.float32),
            pltpu.VMEM((8, DH), jnp.float32),
            pltpu.VMEM_SHARED((NACC, DH), jnp.float32),
        ))


_DN = (((1,), (1,)), ((), ()))
_BM = 1000


def _dot(a, b):
    return lax.dot_general(a, b, _DN, precision=lax.Precision.HIGHEST,
                           preferred_element_type=jnp.float32)


def _tc_layer(agg, deg16, h2, Wl, bl_row, Wr, relu, split_out):
    def body(agg_ref, deg_ref, h_ref, wl_ref, bl_ref, wr_ref, out_ref):
        deg = deg_ref[0, :, 0:1] + deg_ref[1, :, 0:1]
        r = 1.0 / jnp.maximum(deg, 1.0)
        m0 = agg_ref[0] * r
        m1 = agg_ref[1] * r
        wl = wl_ref[...]
        wr = wr_ref[...]
        acc = (_dot(m0, wl[:, :DH]) + _dot(m1, wl[:, DH:])
               + _dot(h_ref[0], wr[:, :DH]) + _dot(h_ref[1], wr[:, DH:])
               + bl_ref[...])
        if relu:
            acc = jnp.maximum(acc, 0.0)
        if split_out:
            out_ref[0] = acc[:, :DH]
            out_ref[1] = acc[:, DH:]
        else:
            out_ref[...] = acc

    out_shape = (jax.ShapeDtypeStruct((NC, N, DH), jnp.float32) if split_out
                 else jax.ShapeDtypeStruct((N, D), jnp.float32))
    out_spec = (pl.BlockSpec((NC, _BM, DH), lambda i: (0, i, 0)) if split_out
                else pl.BlockSpec((_BM, D), lambda i: (i, 0)))
    return pl.pallas_call(
        body,
        grid=(N // _BM,),
        in_specs=[
            pl.BlockSpec((NC, _BM, DH), lambda i: (0, i, 0)),
            pl.BlockSpec((NC, _BM, DH), lambda i: (0, i, 0)),
            pl.BlockSpec((NC, _BM, DH), lambda i: (0, i, 0)),
            pl.BlockSpec((D, D), lambda i: (0, 0)),
            pl.BlockSpec((1, D), lambda i: (0, 0)),
            pl.BlockSpec((D, D), lambda i: (0, 0)),
        ],
        out_specs=out_spec,
        out_shape=out_shape,
    )(agg, deg16, h2, Wl, bl_row, Wr)


def kernel(x, edge_index, Wl1, bl1, Wr1, Wl2, bl2, Wr2, Wl3, bl3, Wr3):
    E = edge_index.shape[1]
    grain = NC * NS * CHUNK
    e_pad = ((E + grain - 1) // grain) * grain
    pad = e_pad - E
    src = edge_index[0]
    dst = edge_index[1]
    src_p = jnp.concatenate([src, jnp.zeros((pad,), jnp.int32)])
    dst_p = jnp.concatenate([dst, jnp.full((pad,), N, jnp.int32)])
    src2 = jnp.stack([src_p, src_p + N])
    x2 = jnp.stack([x[:, :DH], x[:, DH:]])

    sc = _sc_agg(e_pad)

    deg16 = _sc_deg(e_pad)(dst_p)
    agg1 = sc(x2.reshape(2 * N, DH), src2, dst_p)
    h1 = _tc_layer(agg1, deg16, x2, Wl1, bl1.reshape(1, D), Wr1, True, True)
    agg2 = sc(h1.reshape(2 * N, DH), src2, dst_p)
    h2 = _tc_layer(agg2, deg16, h1, Wl2, bl2.reshape(1, D), Wr2, True, True)
    agg3 = sc(h2.reshape(2 * N, DH), src2, dst_p)
    return _tc_layer(agg3, deg16, h2, Wl3, bl3.reshape(1, D), Wr3, False, False)

# --- scband reference (transcript-rebuilt; emitter-appended) ---
"""Pipeline reference for scband-sage-52673478918616 (READ-ONLY COPY).

The authoritative reference and input builder live on the scoring server;
editing this copy changes nothing except your own understanding.
"""

import jax, jax.numpy as jnp
import numpy as np

N = 10000
E = 160000
D_IN = 256
D_H = 256
D_OUT = 256


def _glorot_linear(key, out_f, in_f, bias=True):
    s = 1.0 / np.sqrt(in_f)
    kw, kb = jax.random.split(key)
    W = jax.random.uniform(kw, (out_f, in_f), minval=-s, maxval=s, dtype=jnp.float32)
    if bias:
        b = jax.random.uniform(kb, (out_f,), minval=-s, maxval=s, dtype=jnp.float32)
        return W, b
    return W, None


def setup_inputs(seed: int = 0):
    key = jax.random.key(seed)
    ks = jax.random.split(key, 8)
    x = jax.random.normal(ks[0], (N, D_IN), dtype=jnp.float32)
    edge_index = jax.random.randint(ks[1], (2, E), 0, N, dtype=jnp.int32)
    Wl1, bl1 = _glorot_linear(ks[2], D_H, D_IN, bias=True)
    Wr1, _ = _glorot_linear(ks[3], D_H, D_IN, bias=False)
    Wl2, bl2 = _glorot_linear(ks[4], D_H, D_H, bias=True)
    Wr2, _ = _glorot_linear(ks[5], D_H, D_H, bias=False)
    Wl3, bl3 = _glorot_linear(ks[6], D_OUT, D_H, bias=True)
    Wr3, _ = _glorot_linear(ks[7], D_OUT, D_H, bias=False)
    return {"x": x, "edge_index": edge_index,
            "Wl1": Wl1, "bl1": bl1, "Wr1": Wr1,
            "Wl2": Wl2, "bl2": bl2, "Wr2": Wr2,
            "Wl3": Wl3, "bl3": bl3, "Wr3": Wr3}


def _sage_conv(x, src, dst, Wl, bl, Wr):
    # PyG SAGEConv (mean aggr): out = lin_l(mean_j x_j) + lin_r(x_i)
    msg = x[src]
    agg = jax.ops.segment_sum(msg, dst, num_segments=N)
    deg = jax.ops.segment_sum(jnp.ones((msg.shape[0],), dtype=x.dtype), dst, num_segments=N)
    mean = agg / jnp.maximum(deg, 1.0)[:, None]
    return mean @ Wl.T + bl + x @ Wr.T


def reference(x, edge_index, Wl1, bl1, Wr1, Wl2, bl2, Wr2, Wl3, bl3, Wr3):
    src = edge_index[0]
    dst = edge_index[1]
    h = _sage_conv(x, src, dst, Wl1, bl1, Wr1)
    h = jax.nn.relu(h)  # dropout p=0.5 is identity in eval mode
    h = _sage_conv(h, src, dst, Wl2, bl2, Wr2)
    h = jax.nn.relu(h)
    h = _sage_conv(h, src, dst, Wl3, bl3, Wr3)
    return h

if __name__ == "__main__":
    import jax
    _d = setup_inputs()
    print(jax.jit(kernel)(*tuple(_d.values())))

</pallas_src>

<mosaic_0001>
#map = affine_map<(d0, d1) -> (0)>
#map1 = affine_map<(d0, d1) -> (0, 0, 0)>
module attributes {stable_mosaic.version = 14 : i64} {
  func.func @body(%arg0: i32, %arg1: i32, %arg2: memref<163840xi32, #tpu.memory_space<hbm>>, %arg3: memref<2x10112x128xf32, #tpu.memory_space<hbm>>, %arg4: memref<128xi32, #tpu.memory_space<vmem>>, %arg5: memref<!tpu.dma_semaphore, #tpu.memory_space<semaphore_mem>>, %arg6: memref<!tpu.dma_semaphore, #tpu.memory_space<semaphore_mem>>, %arg7: memref<128xi32, #tpu.memory_space<vmem>>, %arg8: memref<!tpu.dma_semaphore, #tpu.memory_space<semaphore_mem>>, %arg9: memref<!tpu.dma_semaphore, #tpu.memory_space<semaphore_mem>>, %arg10: memref<128x128xf32, #tpu.memory_space<vmem>>, %arg11: memref<8x128xf32, #tpu.memory_space<vmem>>, %arg12: memref<10112x128xf32, #tpu.memory_space<vmem_shared>>) attributes {dimension_semantics = [#tpu.dimension_semantics<core_parallel>, #tpu.dimension_semantics<subcore_parallel>], iteration_bounds = array<i64: 2, 16>, scalar_prefetch = 0 : i64, scratch_operands = 9 : i64, tpu.core_type = #tpu.core_type<sc_vector_subcore>, window_params = [{transform_indices = #map}, {transform_indices = #map1}]} {
    %broadcast_in_dim3A = arith.constant 0.000000e+00 : f32
    %broadcast_in_dim3A_0 = vector.broadcast %broadcast_in_dim3A : f32 to vector<16xf32>
    %broadcast_in_dim3A_1 = arith.constant 1.000000e+00 : f32
    %broadcast_in_dim3A_2 = vector.broadcast %broadcast_in_dim3A_1 : f32 to vector<16xf32>
    %scan3A = arith.constant 0 : i32
    %scan3A_3 = arith.constant 0 : i32
    %scan3A_4 = arith.constant 128 : i32
    %scan3A_5 = arith.addi %scan3A_3, %scan3A_4 : i32
    %scan3A_6 = arith.constant 1 : i32
    scf.for %scan3A_54 = %scan3A_3 to %scan3A_5 step %scan3A_6  : i32 {
      %swap3A = arith.index_cast %scan3A_54 : i32 to index
      %swap3A_55 = arith.constant 0 : index
      %swap3A_56 = tpu.vector_load %arg10[%swap3A, %swap3A_55] {strides = array<i32>} : memref<128x128xf32, #tpu.memory_space<vmem>>, vector<1x16xf32>,
      %swap3A_57 = vector.shape_cast %swap3A_56 : vector<1x16xf32> to vector<16xf32>
      %swap3A_58 = vector.shape_cast %broadcast_in_dim3A_2 : vector<16xf32> to vector<1x16xf32>
      tpu.vector_store %arg10[%swap3A, %swap3A_55], %swap3A_58 {strides = array<i32>} : memref<128x128xf32, #tpu.memory_space<vmem>>, vector<1x16xf32>,
      %swap3A_59 = arith.index_cast %scan3A_54 : i32 to index
      %swap3A_60 = arith.constant 16 : index
      %swap3A_61 = tpu.vector_load %arg10[%swap3A_59, %swap3A_60] {strides = array<i32>} : memref<128x128xf32, #tpu.memory_space<vmem>>, vector<1x16xf32>,
      %swap3A_62 = vector.shape_cast %swap3A_61 : vector<1x16xf32> to vector<16xf32>
      %swap3A_63 = vector.shape_cast %broadcast_in_dim3A_2 : vector<16xf32> to vector<1x16xf32>
      tpu.vector_store %arg10[%swap3A_59, %swap3A_60], %swap3A_63 {strides = array<i32>} : memref<128x128xf32, #tpu.memory_space<vmem>>, vector<1x16xf32>,
      %swap3A_64 = arith.index_cast %scan3A_54 : i32 to index
      %swap3A_65 = arith.constant 32 : index
      %swap3A_66 = tpu.vector_load %arg10[%swap3A_64, %swap3A_65] {strides = array<i32>} : memref<128x128xf32, #tpu.memory_space<vmem>>, vector<1x16xf32>,
      %swap3A_67 = vector.shape_cast %swap3A_66 : vector<1x16xf32> to vector<16xf32>
      %swap3A_68 = vector.shape_cast %broadcast_in_dim3A_2 : vector<16xf32> to vector<1x16xf32>
      tpu.vector_store %arg10[%swap3A_64, %swap3A_65], %swap3A_68 {strides = array<i32>} : memref<128x128xf32, #tpu.memory_space<vmem>>, vector<1x16xf32>,
      %swap3A_69 = arith.index_cast %scan3A_54 : i32 to index
      %swap3A_70 = arith.constant 48 : index
      %swap3A_71 = tpu.vector_load %arg10[%swap3A_69, %swap3A_70] {strides = array<i32>} : memref<128x128xf32, #tpu.memory_space<vmem>>, vector<1x16xf32>,
      %swap3A_72 = vector.shape_cast %swap3A_71 : vector<1x16xf32> to vector<16xf32>
      %swap3A_73 = vector.shape_cast %broadcast_in_dim3A_2 : vector<16xf32> to vector<1x16xf32>
      tpu.vector_store %arg10[%swap3A_69, %swap3A_70], %swap3A_73 {strides = array<i32>} : memref<128x128xf32, #tpu.memory_space<vmem>>, vector<1x16xf32>,
      %swap3A_74 = arith.index_cast %scan3A_54 : i32 to index
      %swap3A_75 = arith.constant 64 : index
      %swap3A_76 = tpu.vector_load %arg10[%swap3A_74, %swap3A_75] {strides = array<i32>} : memref<128x128xf32, #tpu.memory_space<vmem>>, vector<1x16xf32>,
      %swap3A_77 = vector.shape_cast %swap3A_76 : vector<1x16xf32> to vector<16xf32>
      %swap3A_78 = vector.shape_cast %broadcast_in_dim3A_2 : vector<16xf32> to vector<1x16xf32>
      tpu.vector_store %arg10[%swap3A_74, %swap3A_75], %swap3A_78 {strides = array<i32>} : memref<128x128xf32, #tpu.memory_space<vmem>>, vector<1x16xf32>,
      %swap3A_79 = arith.index_cast %scan3A_54 : i32 to index
      %swap3A_80 = arith.constant 80 : index
      %swap3A_81 = tpu.vector_load %arg10[%swap3A_79, %swap3A_80] {strides = array<i32>} : memref<128x128xf32, #tpu.memory_space<vmem>>, vector<1x16xf32>,
      %swap3A_82 = vector.shape_cast %swap3A_81 : vector<1x16xf32> to vector<16xf32>
      %swap3A_83 = vector.shape_cast %broadcast_in_dim3A_2 : vector<16xf32> to vector<1x16xf32>
      tpu.vector_store %arg10[%swap3A_79, %swap3A_80], %swap3A_83 {strides = array<i32>} : memref<128x128xf32, #tpu.memory_space<vmem>>, vector<1x16xf32>,
      %swap3A_84 = arith.index_cast %scan3A_54 : i32 to index
      %swap3A_85 = arith.constant 96 : index
      %swap3A_86 = tpu.vector_load %arg10[%swap3A_84, %swap3A_85] {strides = array<i32>} : memref<128x128xf32, #tpu.memory_space<vmem>>, vector<1x16xf32>,
      %swap3A_87 = vector.shape_cast %swap3A_86 : vector<1x16xf32> to vector<16xf32>
      %swap3A_88 = vector.shape_cast %broadcast_in_dim3A_2 : vector<16xf32> to vector<1x16xf32>
      tpu.vector_store %arg10[%swap3A_84, %swap3A_85], %swap3A_88 {strides = array<i32>} : memref<128x128xf32, #tpu.memory_space<vmem>>, vector<1x16xf32>,
      %swap3A_89 = arith.index_cast %scan3A_54 : i32 to index
      %swap3A_90 = arith.constant 112 : index
      %swap3A_91 = tpu.vector_load %arg10[%swap3A_89, %swap3A_90] {strides = array<i32>} : memref<128x128xf32, #tpu.memory_space<vmem>>, vector<1x16xf32>,
      %swap3A_92 = vector.shape_cast %swap3A_91 : vector<1x16xf32> to vector<16xf32>
      %swap3A_93 = vector.shape_cast %broadcast_in_dim3A_2 : vector<16xf32> to vector<1x16xf32>
      tpu.vector_store %arg10[%swap3A_89, %swap3A_90], %swap3A_93 {strides = array<i32>} : memref<128x128xf32, #tpu.memory_space<vmem>>, vector<1x16xf32>,
    }
    %scan3A_7 = arith.constant 128 : i32
    %scan3A_8 = arith.constant 0 : i32
    %scan3A_9 = arith.constant 0 : i32
    %scan3A_10 = arith.constant 8 : i32
    %scan3A_11 = arith.addi %scan3A_9, %scan3A_10 : i32
    %scan3A_12 = arith.constant 1 : i32
    scf.for %scan3A_54 = %scan3A_9 to %scan3A_11 step %scan3A_12  : i32 {
      %swap3A = arith.index_cast %scan3A_54 : i32 to index
      %swap3A_55 = arith.constant 0 : index
      %swap3A_56 = tpu.vector_load %arg11[%swap3A, %swap3A_55] {strides = array<i32>} : memref<8x128xf32, #tpu.memory_space<vmem>>, vector<1x16xf32>,
      %swap3A_57 = vector.shape_cast %swap3A_56 : vector<1x16xf32> to vector<16xf32>
      %swap3A_58 = vector.shape_cast %broadcast_in_dim3A_0 : vector<16xf32> to vector<1x16xf32>
      tpu.vector_store %arg11[%swap3A, %swap3A_55], %swap3A_58 {strides = array<i32>} : memref<8x128xf32, #tpu.memory_space<vmem>>, vector<1x16xf32>,
      %swap3A_59 = arith.index_cast %scan3A_54 : i32 to index
      %swap3A_60 = arith.constant 16 : index
      %swap3A_61 = tpu.vector_load %arg11[%swap3A_59, %swap3A_60] {strides = array<i32>} : memref<8x128xf32, #tpu.memory_space<vmem>>, vector<1x16xf32>,
      %swap3A_62 = vector.shape_cast %swap3A_61 : vector<1x16xf32> to vector<16xf32>
      %swap3A_63 = vector.shape_cast %broadcast_in_dim3A_0 : vector<16xf32> to vector<1x16xf32>
      tpu.vector_store %arg11[%swap3A_59, %swap3A_60], %swap3A_63 {strides = array<i32>} : memref<8x128xf32, #tpu.memory_space<vmem>>, vector<1x16xf32>,
      %swap3A_64 = arith.index_cast %scan3A_54 : i32 to index
      %swap3A_65 = arith.constant 32 : index
      %swap3A_66 = tpu.vector_load %arg11[%swap3A_64, %swap3A_65] {strides = array<i32>} : memref<8x128xf32, #tpu.memory_space<vmem>>, vector<1x16xf32>,
      %swap3A_67 = vector.shape_cast %swap3A_66 : vector<1x16xf32> to vector<16xf32>
      %swap3A_68 = vector.shape_cast %broadcast_in_dim3A_0 : vector<16xf32> to vector<1x16xf32>
      tpu.vector_store %arg11[%swap3A_64, %swap3A_65], %swap3A_68 {strides = array<i32>} : memref<8x128xf32, #tpu.memory_space<vmem>>, vector<1x16xf32>,
      %swap3A_69 = arith.index_cast %scan3A_54 : i32 to index
      %swap3A_70 = arith.constant 48 : index
      %swap3A_71 = tpu.vector_load %arg11[%swap3A_69, %swap3A_70] {strides = array<i32>} : memref<8x128xf32, #tpu.memory_space<vmem>>, vector<1x16xf32>,
      %swap3A_72 = vector.shape_cast %swap3A_71 : vector<1x16xf32> to vector<16xf32>
      %swap3A_73 = vector.shape_cast %broadcast_in_dim3A_0 : vector<16xf32> to vector<1x16xf32>
      tpu.vector_store %arg11[%swap3A_69, %swap3A_70], %swap3A_73 {strides = array<i32>} : memref<8x128xf32, #tpu.memory_space<vmem>>, vector<1x16xf32>,
      %swap3A_74 = arith.index_cast %scan3A_54 : i32 to index
      %swap3A_75 = arith.constant 64 : index
      %swap3A_76 = tpu.vector_load %arg11[%swap3A_74, %swap3A_75] {strides = array<i32>} : memref<8x128xf32, #tpu.memory_space<vmem>>, vector<1x16xf32>,
      %swap3A_77 = vector.shape_cast %swap3A_76 : vector<1x16xf32> to vector<16xf32>
      %swap3A_78 = vector.shape_cast %broadcast_in_dim3A_0 : vector<16xf32> to vector<1x16xf32>
      tpu.vector_store %arg11[%swap3A_74, %swap3A_75], %swap3A_78 {strides = array<i32>} : memref<8x128xf32, #tpu.memory_space<vmem>>, vector<1x16xf32>,
      %swap3A_79 = arith.index_cast %scan3A_54 : i32 to index
      %swap3A_80 = arith.constant 80 : index
      %swap3A_81 = tpu.vector_load %arg11[%swap3A_79, %swap3A_80] {strides = array<i32>} : memref<8x128xf32, #tpu.memory_space<vmem>>, vector<1x16xf32>,
      %swap3A_82 = vector.shape_cast %swap3A_81 : vector<1x16xf32> to vector<16xf32>
      %swap3A_83 = vector.shape_cast %broadcast_in_dim3A_0 : vector<16xf32> to vector<1x16xf32>
      tpu.vector_store %arg11[%swap3A_79, %swap3A_80], %swap3A_83 {strides = array<i32>} : memref<8x128xf32, #tpu.memory_space<vmem>>, vector<1x16xf32>,
      %swap3A_84 = arith.index_cast %scan3A_54 : i32 to index
      %swap3A_85 = arith.constant 96 : index
      %swap3A_86 = tpu.vector_load %arg11[%swap3A_84, %swap3A_85] {strides = array<i32>} : memref<8x128xf32, #tpu.memory_space<vmem>>, vector<1x16xf32>,
      %swap3A_87 = vector.shape_cast %swap3A_86 : vector<1x16xf32> to vector<16xf32>
      %swap3A_88 = vector.shape_cast %broadcast_in_dim3A_0 : vector<16xf32> to vector<1x16xf32>
      tpu.vector_store %arg11[%swap3A_84, %swap3A_85], %swap3A_88 {strides = array<i32>} : memref<8x128xf32, #tpu.memory_space<vmem>>, vector<1x16xf32>,
      %swap3A_89 = arith.index_cast %scan3A_54 : i32 to index
      %swap3A_90 = arith.constant 112 : index
      %swap3A_91 = tpu.vector_load %arg11[%swap3A_89, %swap3A_90] {strides = array<i32>} : memref<8x128xf32, #tpu.memory_space<vmem>>, vector<1x16xf32>,
      %swap3A_92 = vector.shape_cast %swap3A_91 : vector<1x16xf32> to vector<16xf32>
      %swap3A_93 = vector.shape_cast %broadcast_in_dim3A_0 : vector<16xf32> to vector<1x16xf32>
      tpu.vector_store %arg11[%swap3A_89, %swap3A_90], %swap3A_93 {strides = array<i32>} : memref<8x128xf32, #tpu.memory_space<vmem>>, vector<1x16xf32>,
    }
    %scan3A_13 = arith.constant 8 : i32
    %scan3A_14 = arith.constant 0 : i32
    %scan3A_15 = arith.constant 0 : i32
    %scan3A_16 = arith.constant 79 : i32
    %scan3A_17 = arith.addi %scan3A_15, %scan3A_16 : i32
    %scan3A_18 = arith.constant 1 : i32
    scf.for %scan3A_54 = %scan3A_15 to %scan3A_17 step %scan3A_18  : i32 {
      %mul3A_55 = arith.constant 632 : i32
      %mul3A_56 = arith.muli %arg1, %mul3A_55 : i32
      %mul3A_57 = arith.constant 8 : i32
      %mul3A_58 = arith.muli %scan3A_54, %mul3A_57 : i32
      %add3A_59 = arith.addi %mul3A_56, %mul3A_58 : i32
      "tpu.region"() ({
        %run_scoped3A = tpu.sem_alloc : memref<!tpu.dma_semaphore, #tpu.memory_space<semaphore_mem>>
        %dma_start3A_60 = arith.constant 0 : i32
        %dma_start3A_61 = tpu.memref_slice %arg12[%add3A_59, %dma_start3A_60] : memref<10112x128xf32, #tpu.memory_space<vmem_shared>> -> memref<8x128xf32, #tpu.memory_space<vmem_shared>>
        %dma_start3A_62 = arith.constant 0 : i32
        %dma_start3A_63 = tpu.memref_slice %arg12[%add3A_59, %dma_start3A_62] : memref<10112x128xf32, #tpu.memory_space<vmem_shared>> -> memref<8x128xf32, #tpu.memory_space<vmem_shared>>
        tpu.enqueue_dma source(%arg11 : memref<8x128xf32, #tpu.memory_space<vmem>>) target(%dma_start3A_63 : memref<8x128xf32, #tpu.memory_space<vmem_shared>>) target_semaphore(%run_scoped3A : memref<!tpu.dma_semaphore, #tpu.memory_space<semaphore_mem>>)
        %dma_wait3A_64 = arith.constant 0 : i32
        %dma_wait3A_65 = tpu.memref_slice %arg12[%add3A_59, %dma_wait3A_64] : memref<10112x128xf32, #tpu.memory_space<vmem_shared>> -> memref<8x128xf32, #tpu.memory_space<vmem_shared>>
        %dma_wait3A_66 = arith.constant 0 : i32
        %dma_wait3A_67 = tpu.memref_slice %arg12[%add3A_59, %dma_wait3A_66] : memref<10112x128xf32, #tpu.memory_space<vmem_shared>> -> memref<8x128xf32, #tpu.memory_space<vmem_shared>>
        tpu.wait_dma2 semaphore(%run_scoped3A : memref<!tpu.dma_semaphore, #tpu.memory_space<semaphore_mem>>) src(%arg11 : memref<8x128xf32, #tpu.memory_space<vmem>>) dst(%dma_wait3A_67 : memref<8x128xf32, #tpu.memory_space<vmem_shared>>)
        tpu.yield
      }) : () -> ()
    }
    %scan3A_19 = arith.constant 79 : i32
    %barrier3A = arith.constant 0 : index
    tpu.barrier barrier_id(%barrier3A)
    %mul3A = arith.constant 16 : i32
    %mul3A_20 = arith.muli %arg0, %mul3A : i32
    %add3A = arith.addi %mul3A_20, %arg1 : i32
    %mul3A_21 = arith.constant 5120 : i32
    %mul3A_22 = arith.muli %add3A, %mul3A_21 : i32
    %add3A_23 = arith.constant 0 : i32
    %add3A_24 = arith.addi %mul3A_22, %add3A_23 : i32
    %dma_start3A = tpu.memref_slice %arg2[%add3A_24] : memref<163840xi32, #tpu.memory_space<hbm>> -> memref<128xi32, #tpu.memory_space<hbm>>
    %dma_start3A_25 = tpu.memref_slice %arg2[%add3A_24] : memref<163840xi32, #tpu.memory_space<hbm>> -> memref<128xi32, #tpu.memory_space<hbm>>
    tpu.enqueue_dma source(%dma_start3A_25 : memref<128xi32, #tpu.memory_space<hbm>>) target(%arg4 : memref<128xi32, #tpu.memory_space<vmem>>) target_semaphore(%arg5 : memref<!tpu.dma_semaphore, #tpu.memory_space<semaphore_mem>>)
    %dma_wait3A = arith.constant 0 : i32
    %dma_wait3A_26 = tpu.memref_slice %arg2[%dma_wait3A] : memref<163840xi32, #tpu.memory_space<hbm>> -> memref<128xi32, #tpu.memory_space<hbm>>
    %dma_wait3A_27 = arith.constant 0 : i32
    %dma_wait3A_28 = tpu.memref_slice %arg2[%dma_wait3A_27] : memref<163840xi32, #tpu.memory_space<hbm>> -> memref<128xi32, #tpu.memory_space<hbm>>
    tpu.wait_dma2 semaphore(%arg5 : memref<!tpu.dma_semaphore, #tpu.memory_space<semaphore_mem>>) src(%dma_wait3A_28 : memref<128xi32, #tpu.memory_space<hbm>>) dst(%arg4 : memref<128xi32, #tpu.memory_space<vmem>>)
    %add3A_29 = arith.constant 128 : i32
    %add3A_30 = arith.addi %mul3A_22, %add3A_29 : i32
    %dma_start3A_31 = tpu.memref_slice %arg2[%add3A_30] : memref<163840xi32, #tpu.memory_space<hbm>> -> memref<128xi32, #tpu.memory_space<hbm>>
    %dma_start3A_32 = tpu.memref_slice %arg2[%add3A_30] : memref<163840xi32, #tpu.memory_space<hbm>> -> memref<128xi32, #tpu.memory_space<hbm>>
    tpu.enqueue_dma source(%dma_start3A_32 : memref<128xi32, #tpu.memory_space<hbm>>) target(%arg7 : memref<128xi32, #tpu.memory_space<vmem>>) target_semaphore(%arg8 : memref<!tpu.dma_semaphore, #tpu.memory_space<semaphore_mem>>)
    %dma_wait3A_33 = arith.constant 0 : i32
    %dma_wait3A_34 = tpu.memref_slice %arg2[%dma_wait3A_33] : memref<163840xi32, #tpu.memory_space<hbm>> -> memref<128xi32, #tpu.memory_space<hbm>>
    %dma_wait3A_35 = arith.constant 0 : i32
    %dma_wait3A_36 = tpu.memref_slice %arg2[%dma_wait3A_35] : memref<163840xi32, #tpu.memory_space<hbm>> -> memref<128xi32, #tpu.memory_space<hbm>>
    tpu.wait_dma2 semaphore(%arg8 : memref<!tpu.dma_semaphore, #tpu.memory_space<semaphore_mem>>) src(%dma_wait3A_36 : memref<128xi32, #tpu.memory_space<hbm>>) dst(%arg7 : memref<128xi32, #tpu.memory_space<vmem>>)
    %scan3A_37 = arith.constant 0 : i32
    %scan3A_38 = arith.constant 0 : i32
    %scan3A_39 = arith.constant 20 : i32
    %scan3A_40 = arith.addi %scan3A_38, %scan3A_39 : i32
    %scan3A_41 = arith.constant 1 : i32
    scf.for %scan3A_54 = %scan3A_38 to %scan3A_40 step %scan3A_41  : i32 {
      %mul3A_55 = arith.constant 2 : i32
      %mul3A_56 = arith.muli %mul3A_55, %scan3A_54 : i32
      %dma_start3A_57 = arith.constant 0 : i32
      %dma_start3A_58 = arith.constant 0 : i32
      %dma_start3A_59 = tpu.memref_slice %arg12[%dma_start3A_57, %dma_start3A_58] : memref<10112x128xf32, #tpu.memory_space<vmem_shared>> -> memref<10112x128xf32, #tpu.memory_space<vmem_shared>>
      tpu.enqueue_indirect_dma source(%arg10 : memref<128x128xf32, #tpu.memory_space<vmem>>) target(%dma_start3A_59 : memref<10112x128xf32, #tpu.memory_space<vmem_shared>>) offsets(%arg4 : memref<128xi32, #tpu.memory_space<vmem>>) semaphore(%arg6 : memref<!tpu.dma_semaphore, #tpu.memory_space<semaphore_mem>>) {add = true}
      %dma_start3A_60 = arith.constant 0 : i32
      %dma_start3A_61 = arith.constant 0 : i32
      %dma_start3A_62 = tpu.memref_slice %arg12[%dma_start3A_60, %dma_start3A_61] : memref<10112x128xf32, #tpu.memory_space<vmem_shared>> -> memref<10112x128xf32, #tpu.memory_space<vmem_shared>>
      tpu.enqueue_indirect_dma source(%arg10 : memref<128x128xf32, #tpu.memory_space<vmem>>) target(%dma_start3A_62 : memref<10112x128xf32, #tpu.memory_space<vmem_shared>>) offsets(%arg7 : memref<128xi32, #tpu.memory_space<vmem>>) semaphore(%arg9 : memref<!tpu.dma_semaphore, #tpu.memory_space<semaphore_mem>>) {add = true}
      %add3A_63 = arith.constant 2 : i32
      %add3A_64 = arith.addi %mul3A_56, %add3A_63 : i32
      %lt3A = arith.constant 40 : i32
      %lt3A_65 = arith.cmpi slt, %add3A_64, %lt3A : i32
      %convert_element_type3A = arith.extui %lt3A_65 : i1 to i32
      %cond3A = arith.constant 0 : i32
      %cond3A_66 = arith.cmpi ne, %convert_element_type3A, %cond3A : i32
      scf.if %cond3A_66 {
        %dma_wait3A_74 = arith.constant 0 : i32
        %dma_wait3A_75 = arith.constant 0 : i32
        %dma_wait3A_76 = tpu.memref_slice %arg12[%dma_wait3A_74, %dma_wait3A_75] : memref<10112x128xf32, #tpu.memory_space<vmem_shared>> -> memref<10112x128xf32, #tpu.memory_space<vmem_shared>>
        tpu.wait_indirect_dma semaphore(%arg6 : memref<!tpu.dma_semaphore, #tpu.memory_space<semaphore_mem>>) src(%arg10 : memref<128x128xf32, #tpu.memory_space<vmem>>) dst(%dma_wait3A_76 : memref<10112x128xf32, #tpu.memory_space<vmem_shared>>)
        %add3A_77 = arith.constant 2 : i32
        %add3A_78 = arith.addi %mul3A_56, %add3A_77 : i32
        %mul3A_79 = arith.constant 128 : i32
        %mul3A_80 = arith.muli %add3A_78, %mul3A_79 : i32
        %add3A_81 = arith.addi %mul3A_22, %mul3A_80 : i32
        %dma_start3A_82 = tpu.memref_slice %arg2[%add3A_81] : memref<163840xi32, #tpu.memory_space<hbm>> -> memref<128xi32, #tpu.memory_space<hbm>>
        %dma_start3A_83 = tpu.memref_slice %arg2[%add3A_81] : memref<163840xi32, #tpu.memory_space<hbm>> -> memref<128xi32, #tpu.memory_space<hbm>>
        tpu.enqueue_dma source(%dma_start3A_83 : memref<128xi32, #tpu.memory_space<hbm>>) target(%arg4 : memref<128xi32, #tpu.memory_space<vmem>>) target_semaphore(%arg5 : memref<!tpu.dma_semaphore, #tpu.memory_space<semaphore_mem>>)
        %dma_wait3A_84 = arith.constant 0 : i32
        %dma_wait3A_85 = tpu.memref_slice %arg2[%dma_wait3A_84] : memref<163840xi32, #tpu.memory_space<hbm>> -> memref<128xi32, #tpu.memory_space<hbm>>
        %dma_wait3A_86 = arith.constant 0 : i32
        %dma_wait3A_87 = tpu.memref_slice %arg2[%dma_wait3A_86] : memref<163840xi32, #tpu.memory_space<hbm>> -> memref<128xi32, #tpu.memory_space<hbm>>
        tpu.wait_dma2 semaphore(%arg5 : memref<!tpu.dma_semaphore, #tpu.memory_space<semaphore_mem>>) src(%dma_wait3A_87 : memref<128xi32, #tpu.memory_space<hbm>>) dst(%arg4 : memref<128xi32, #tpu.memory_space<vmem>>)
      } else {
      }
      %add3A_67 = arith.constant 3 : i32
      %add3A_68 = arith.addi %mul3A_56, %add3A_67 : i32
      %lt3A_69 = arith.constant 40 : i32
      %lt3A_70 = arith.cmpi slt, %add3A_68, %lt3A_69 : i32
      %convert_element_type3A_71 = arith.extui %lt3A_70 : i1 to i32
      %cond3A_72 = arith.constant 0 : i32
      %cond3A_73 = arith.cmpi ne, %convert_element_type3A_71, %cond3A_72 : i32
      scf.if %cond3A_73 {
        %dma_wait3A_74 = arith.constant 0 : i32
        %dma_wait3A_75 = arith.constant 0 : i32
        %dma_wait3A_76 = tpu.memref_slice %arg12[%dma_wait3A_74, %dma_wait3A_75] : memref<10112x128xf32, #tpu.memory_space<vmem_shared>> -> memref<10112x128xf32, #tpu.memory_space<vmem_shared>>
        tpu.wait_indirect_dma semaphore(%arg9 : memref<!tpu.dma_semaphore, #tpu.memory_space<semaphore_mem>>) src(%arg10 : memref<128x128xf32, #tpu.memory_space<vmem>>) dst(%dma_wait3A_76 : memref<10112x128xf32, #tpu.memory_space<vmem_shared>>)
        %add3A_77 = arith.constant 3 : i32
        %add3A_78 = arith.addi %mul3A_56, %add3A_77 : i32
        %mul3A_79 = arith.constant 128 : i32
        %mul3A_80 = arith.muli %add3A_78, %mul3A_79 : i32
        %add3A_81 = arith.addi %mul3A_22, %mul3A_80 : i32
        %dma_start3A_82 = tpu.memref_slice %arg2[%add3A_81] : memref<163840xi32, #tpu.memory_space<hbm>> -> memref<128xi32, #tpu.memory_space<hbm>>
        %dma_start3A_83 = tpu.memref_slice %arg2[%add3A_81] : memref<163840xi32, #tpu.memory_space<hbm>> -> memref<128xi32, #tpu.memory_space<hbm>>
        tpu.enqueue_dma source(%dma_start3A_83 : memref<128xi32, #tpu.memory_space<hbm>>) target(%arg7 : memref<128xi32, #tpu.memory_space<vmem>>) target_semaphore(%arg8 : memref<!tpu.dma_semaphore, #tpu.memory_space<semaphore_mem>>)
        %dma_wait3A_84 = arith.constant 0 : i32
        %dma_wait3A_85 = tpu.memref_slice %arg2[%dma_wait3A_84] : memref<163840xi32, #tpu.memory_space<hbm>> -> memref<128xi32, #tpu.memory_space<hbm>>
        %dma_wait3A_86 = arith.constant 0 : i32
        %dma_wait3A_87 = tpu.memref_slice %arg2[%dma_wait3A_86] : memref<163840xi32, #tpu.memory_space<hbm>> -> memref<128xi32, #tpu.memory_space<hbm>>
        tpu.wait_dma2 semaphore(%arg8 : memref<!tpu.dma_semaphore, #tpu.memory_space<semaphore_mem>>) src(%dma_wait3A_87 : memref<128xi32, #tpu.memory_space<hbm>>) dst(%arg7 : memref<128xi32, #tpu.memory_space<vmem>>)
      } else {
      }
    }
    %scan3A_42 = arith.constant 20 : i32
    %dma_wait3A_43 = arith.constant 0 : i32
    %dma_wait3A_44 = arith.constant 0 : i32
    %dma_wait3A_45 = tpu.memref_slice %arg12[%dma_wait3A_43, %dma_wait3A_44] : memref<10112x128xf32, #tpu.memory_space<vmem_shared>> -> memref<10112x128xf32, #tpu.memory_space<vmem_shared>>
    tpu.wait_indirect_dma semaphore(%arg6 : memref<!tpu.dma_semaphore, #tpu.memory_space<semaphore_mem>>) src(%arg10 : memref<128x128xf32, #tpu.memory_space<vmem>>) dst(%dma_wait3A_45 : memref<10112x128xf32, #tpu.memory_space<vmem_shared>>)
    %dma_wait3A_46 = arith.constant 0 : i32
    %dma_wait3A_47 = arith.constant 0 : i32
    %dma_wait3A_48 = tpu.memref_slice %arg12[%dma_wait3A_46, %dma_wait3A_47] : memref<10112x128xf32, #tpu.memory_space<vmem_shared>> -> memref<10112x128xf32, #tpu.memory_space<vmem_shared>>
    tpu.wait_indirect_dma semaphore(%arg9 : memref<!tpu.dma_semaphore, #tpu.memory_space<semaphore_mem>>) src(%arg10 : memref<128x128xf32, #tpu.memory_space<vmem>>) dst(%dma_wait3A_48 : memref<10112x128xf32, #tpu.memory_space<vmem_shared>>)
    %barrier3A_49 = arith.constant 0 : index
    tpu.barrier barrier_id(%barrier3A_49)
    %mul3A_50 = arith.constant 632 : i32
    %mul3A_51 = arith.muli %arg1, %mul3A_50 : i32
    %mul3A_52 = arith.constant 632 : i32
    %mul3A_53 = arith.muli %arg1, %mul3A_52 : i32
    "tpu.region"() ({
      %run_scoped3A = tpu.sem_alloc : memref<!tpu.dma_semaphore, #tpu.memory_space<semaphore_mem>>
      %dma_start3A_54 = arith.constant 0 : i32
      %dma_start3A_55 = tpu.memref_slice %arg3[%arg0, %mul3A_53, %dma_start3A_54] : memref<2x10112x128xf32, #tpu.memory_space<hbm>> -> memref<1x632x128xf32, #tpu.memory_space<hbm>>
      %dma_start3A_56 = tpu.memref_squeeze %dma_start3A_55 : memref<1x632x128xf32, #tpu.memory_space<hbm>> -> memref<632x128xf32, #tpu.memory_space<hbm>>
      %dma_start3A_57 = arith.constant 0 : i32
      %dma_start3A_58 = tpu.memref_slice %arg12[%mul3A_51, %dma_start3A_57] : memref<10112x128xf32, #tpu.memory_space<vmem_shared>> -> memref<632x128xf32, #tpu.memory_space<vmem_shared>>
      tpu.enqueue_dma source(%dma_start3A_58 : memref<632x128xf32, #tpu.memory_space<vmem_shared>>) target(%dma_start3A_56 : memref<632x128xf32, #tpu.memory_space<hbm>>) target_semaphore(%run_scoped3A : memref<!tpu.dma_semaphore, #tpu.memory_space<semaphore_mem>>)
      %dma_wait3A_59 = arith.constant 0 : i32
      %dma_wait3A_60 = tpu.memref_slice %arg3[%arg0, %mul3A_53, %dma_wait3A_59] : memref<2x10112x128xf32, #tpu.memory_space<hbm>> -> memref<1x632x128xf32, #tpu.memory_space<hbm>>
      %dma_wait3A_61 = tpu.memref_squeeze %dma_wait3A_60 : memref<1x632x128xf32, #tpu.memory_space<hbm>> -> memref<632x128xf32, #tpu.memory_space<hbm>>
      %dma_wait3A_62 = arith.constant 0 : i32
      %dma_wait3A_63 = tpu.memref_slice %arg12[%mul3A_51, %dma_wait3A_62] : memref<10112x128xf32, #tpu.memory_space<vmem_shared>> -> memref<632x128xf32, #tpu.memory_space<vmem_shared>>
      tpu.wait_dma2 semaphore(%run_scoped3A : memref<!tpu.dma_semaphore, #tpu.memory_space<semaphore_mem>>) src(%dma_wait3A_63 : memref<632x128xf32, #tpu.memory_space<vmem_shared>>) dst(%dma_wait3A_61 : memref<632x128xf32, #tpu.memory_space<hbm>>)
      tpu.yield
    }) : () -> ()
    return
  }
}

#map = affine_map<(d0, d1) -> (0, 0)>
#map1 = affine_map<(d0, d1) -> (0)>
#map2 = affine_map<(d0, d1) -> (0, 0, 0)>
module attributes {stable_mosaic.version = 14 : i64} {
  func.func @body(%arg0: i32, %arg1: i32, %arg2: memref<20000x128xf32, #tpu.memory_space<hbm>>, %arg3: memref<2x163840xi32, #tpu.memory_space<hbm>>, %arg4: memref<163840xi32, #tpu.memory_space<hbm>>, %arg5: memref<2x10112x128xf32, #tpu.memory_space<hbm>>, %arg6: memref<128xi32, #tpu.memory_space<vmem>>, %arg7: memref<128xi32, #tpu.memory_space<vmem>>, %arg8: memref<128x128xf32, #tpu.memory_space<vmem>>, %arg9: memref<!tpu.dma_semaphore, #tpu.memory_space<semaphore_mem>>, %arg10: memref<!tpu.dma_semaphore, #tpu.memory_space<semaphore_mem>>, %arg11: memref<128xi32, #tpu.memory_space<vmem>>, %arg12: memref<128xi32, #tpu.memory_space<vmem>>, %arg13: memref<128x128xf32, #tpu.memory_space<vmem>>, %arg14: memref<!tpu.dma_semaphore, #tpu.memory_space<semaphore_mem>>, %arg15: memref<!tpu.dma_semaphore, #tpu.memory_space<semaphore_mem>>, %arg16: memref<10112x128xf32, #tpu.memory_space<vmem_shared>>) attributes {dimension_semantics = [#tpu.dimension_semantics<core_parallel>, #tpu.dimension_semantics<subcore_parallel>], iteration_bounds = array<i64: 2, 16>, scalar_prefetch = 0 : i64, scratch_operands = 11 : i64, tpu.core_type = #tpu.core_type<sc_vector_subcore>, window_params = [{transform_indices = #map}, {transform_indices = #map}, {transform_indices = #map1}, {transform_indices = #map2}]} {
    %broadcast_in_dim3A = arith.constant 0.000000e+00 : f32
    %broadcast_in_dim3A_0 = vector.broadcast %broadcast_in_dim3A : f32 to vector<16xf32>
    %scan3A = arith.constant 0 : i32
    %scan3A_1 = arith.constant 0 : i32
    %scan3A_2 = arith.constant 128 : i32
    %scan3A_3 = arith.addi %scan3A_1, %scan3A_2 : i32
    %scan3A_4 = arith.constant 1 : i32
    scf.for %scan3A_83 = %scan3A_1 to %scan3A_3 step %scan3A_4  : i32 {
      %swap3A = arith.index_cast %scan3A_83 : i32 to index
      %swap3A_84 = arith.constant 0 : index
      %swap3A_85 = tpu.vector_load %arg8[%swap3A, %swap3A_84] {strides = array<i32>} : memref<128x128xf32, #tpu.memory_space<vmem>>, vector<1x16xf32>,
      %swap3A_86 = vector.shape_cast %swap3A_85 : vector<1x16xf32> to vector<16xf32>
      %swap3A_87 = vector.shape_cast %broadcast_in_dim3A_0 : vector<16xf32> to vector<1x16xf32>
      tpu.vector_store %arg8[%swap3A, %swap3A_84], %swap3A_87 {strides = array<i32>} : memref<128x128xf32, #tpu.memory_space<vmem>>, vector<1x16xf32>,
      %swap3A_88 = arith.index_cast %scan3A_83 : i32 to index
      %swap3A_89 = arith.constant 16 : index
      %swap3A_90 = tpu.vector_load %arg8[%swap3A_88, %swap3A_89] {strides = array<i32>} : memref<128x128xf32, #tpu.memory_space<vmem>>, vector<1x16xf32>,
      %swap3A_91 = vector.shape_cast %swap3A_90 : vector<1x16xf32> to vector<16xf32>
      %swap3A_92 = vector.shape_cast %broadcast_in_dim3A_0 : vector<16xf32> to vector<1x16xf32>
      tpu.vector_store %arg8[%swap3A_88, %swap3A_89], %swap3A_92 {strides = array<i32>} : memref<128x128xf32, #tpu.memory_space<vmem>>, vector<1x16xf32>,
      %swap3A_93 = arith.index_cast %scan3A_83 : i32 to index
      %swap3A_94 = arith.constant 32 : index
      %swap3A_95 = tpu.vector_load %arg8[%swap3A_93, %swap3A_94] {strides = array<i32>} : memref<128x128xf32, #tpu.memory_space<vmem>>, vector<1x16xf32>,
      %swap3A_96 = vector.shape_cast %swap3A_95 : vector<1x16xf32> to vector<16xf32>
      %swap3A_97 = vector.shape_cast %broadcast_in_dim3A_0 : vector<16xf32> to vector<1x16xf32>
      tpu.vector_store %arg8[%swap3A_93, %swap3A_94], %swap3A_97 {strides = array<i32>} : memref<128x128xf32, #tpu.memory_space<vmem>>, vector<1x16xf32>,
      %swap3A_98 = arith.index_cast %scan3A_83 : i32 to index
      %swap3A_99 = arith.constant 48 : index
      %swap3A_100 = tpu.vector_load %arg8[%swap3A_98, %swap3A_99] {strides = array<i32>} : memref<128x128xf32, #tpu.memory_space<vmem>>, vector<1x16xf32>,
      %swap3A_101 = vector.shape_cast %swap3A_100 : vector<1x16xf32> to vector<16xf32>
      %swap3A_102 = vector.shape_cast %broadcast_in_dim3A_0 : vector<16xf32> to vector<1x16xf32>
      tpu.vector_store %arg8[%swap3A_98, %swap3A_99], %swap3A_102 {strides = array<i32>} : memref<128x128xf32, #tpu.memory_space<vmem>>, vector<1x16xf32>,
      %swap3A_103 = arith.index_cast %scan3A_83 : i32 to index
      %swap3A_104 = arith.constant 64 : index
      %swap3A_105 = tpu.vector_load %arg8[%swap3A_103, %swap3A_104] {strides = array<i32>} : memref<128x128xf32, #tpu.memory_space<vmem>>, vector<1x16xf32>,
      %swap3A_106 = vector.shape_cast %swap3A_105 : vector<1x16xf32> to vector<16xf32>
      %swap3A_107 = vector.shape_cast %broadcast_in_dim3A_0 : vector<16xf32> to vector<1x16xf32>
      tpu.vector_store %arg8[%swap3A_103, %swap3A_104], %swap3A_107 {strides = array<i32>} : memref<128x128xf32, #tpu.memory_space<vmem>>, vector<1x16xf32>,
      %swap3A_108 = arith.index_cast %scan3A_83 : i32 to index
      %swap3A_109 = arith.constant 80 : index
      %swap3A_110 = tpu.vector_load %arg8[%swap3A_108, %swap3A_109] {strides = array<i32>} : memref<128x128xf32, #tpu.memory_space<vmem>>, vector<1x16xf32>,
      %swap3A_111 = vector.shape_cast %swap3A_110 : vector<1x16xf32> to vector<16xf32>
      %swap3A_112 = vector.shape_cast %broadcast_in_dim3A_0 : vector<16xf32> to vector<1x16xf32>
      tpu.vector_store %arg8[%swap3A_108, %swap3A_109], %swap3A_112 {strides = array<i32>} : memref<128x128xf32, #tpu.memory_space<vmem>>, vector<1x16xf32>,
      %swap3A_113 = arith.index_cast %scan3A_83 : i32 to index
      %swap3A_114 = arith.constant 96 : index
      %swap3A_115 = tpu.vector_load %arg8[%swap3A_113, %swap3A_114] {strides = array<i32>} : memref<128x128xf32, #tpu.memory_space<vmem>>, vector<1x16xf32>,
      %swap3A_116 = vector.shape_cast %swap3A_115 : vector<1x16xf32> to vector<16xf32>
      %swap3A_117 = vector.shape_cast %broadcast_in_dim3A_0 : vector<16xf32> to vector<1x16xf32>
      tpu.vector_store %arg8[%swap3A_113, %swap3A_114], %swap3A_117 {strides = array<i32>} : memref<128x128xf32, #tpu.memory_space<vmem>>, vector<1x16xf32>,
      %swap3A_118 = arith.index_cast %scan3A_83 : i32 to index
      %swap3A_119 = arith.constant 112 : index
      %swap3A_120 = tpu.vector_load %arg8[%swap3A_118, %swap3A_119] {strides = array<i32>} : memref<128x128xf32, #tpu.memory_space<vmem>>, vector<1x16xf32>,
      %swap3A_121 = vector.shape_cast %swap3A_120 : vector<1x16xf32> to vector<16xf32>
      %swap3A_122 = vector.shape_cast %broadcast_in_dim3A_0 : vector<16xf32> to vector<1x16xf32>
      tpu.vector_store %arg8[%swap3A_118, %swap3A_119], %swap3A_122 {strides = array<i32>} : memref<128x128xf32, #tpu.memory_space<vmem>>, vector<1x16xf32>,
    }
    %scan3A_5 = arith.constant 128 : i32
    %mul3A = arith.constant 632 : i32
    %mul3A_6 = arith.muli %arg1, %mul3A : i32
    %add3A = arith.constant 0 : i32
    %add3A_7 = arith.addi %mul3A_6, %add3A : i32
    "tpu.region"() ({
      %run_scoped3A = tpu.sem_alloc : memref<!tpu.dma_semaphore, #tpu.memory_space<semaphore_mem>>
      %dma_start3A_83 = arith.constant 0 : i32
      %dma_start3A_84 = tpu.memref_slice %arg16[%add3A_7, %dma_start3A_83] : memref<10112x128xf32, #tpu.memory_space<vmem_shared>> -> memref<128x128xf32, #tpu.memory_space<vmem_shared>>
      %dma_start3A_85 = arith.constant 0 : i32
      %dma_start3A_86 = tpu.memref_slice %arg16[%add3A_7, %dma_start3A_85] : memref<10112x128xf32, #tpu.memory_space<vmem_shared>> -> memref<128x128xf32, #tpu.memory_space<vmem_shared>>
      tpu.enqueue_dma source(%arg8 : memref<128x128xf32, #tpu.memory_space<vmem>>) target(%dma_start3A_86 : memref<128x128xf32, #tpu.memory_space<vmem_shared>>) target_semaphore(%run_scoped3A : memref<!tpu.dma_semaphore, #tpu.memory_space<semaphore_mem>>)
      %dma_wait3A_87 = arith.constant 0 : i32
      %dma_wait3A_88 = tpu.memref_slice %arg16[%add3A_7, %dma_wait3A_87] : memref<10112x128xf32, #tpu.memory_space<vmem_shared>> -> memref<128x128xf32, #tpu.memory_space<vmem_shared>>
      %dma_wait3A_89 = arith.constant 0 : i32
      %dma_wait3A_90 = tpu.memref_slice %arg16[%add3A_7, %dma_wait3A_89] : memref<10112x128xf32, #tpu.memory_space<vmem_shared>> -> memref<128x128xf32, #tpu.memory_space<vmem_shared>>
      tpu.wait_dma2 semaphore(%run_scoped3A : memref<!tpu.dma_semaphore, #tpu.memory_space<semaphore_mem>>) src(%arg8 : memref<128x128xf32, #tpu.memory_space<vmem>>) dst(%dma_wait3A_90 : memref<128x128xf32, #tpu.memory_space<vmem_shared>>)
      tpu.yield
    }) : () -> ()
    %mul3A_8 = arith.constant 632 : i32
    %mul3A_9 = arith.muli %arg1, %mul3A_8 : i32
    %add3A_10 = arith.constant 128 : i32
    %add3A_11 = arith.addi %mul3A_9, %add3A_10 : i32
    "tpu.region"() ({
      %run_scoped3A = tpu.sem_alloc : memref<!tpu.dma_semaphore, #tpu.memory_space<semaphore_mem>>
      %dma_start3A_83 = arith.constant 0 : i32
      %dma_start3A_84 = tpu.memref_slice %arg16[%add3A_11, %dma_start3A_83] : memref<10112x128xf32, #tpu.memory_space<vmem_shared>> -> memref<128x128xf32, #tpu.memory_space<vmem_shared>>
      %dma_start3A_85 = arith.constant 0 : i32
      %dma_start3A_86 = tpu.memref_slice %arg16[%add3A_11, %dma_start3A_85] : memref<10112x128xf32, #tpu.memory_space<vmem_shared>> -> memref<128x128xf32, #tpu.memory_space<vmem_shared>>
      tpu.enqueue_dma source(%arg8 : memref<128x128xf32, #tpu.memory_space<vmem>>) target(%dma_start3A_86 : memref<128x128xf32, #tpu.memory_space<vmem_shared>>) target_semaphore(%run_scoped3A : memref<!tpu.dma_semaphore, #tpu.memory_space<semaphore_mem>>)
      %dma_wait3A_87 = arith.constant 0 : i32
      %dma_wait3A_88 = tpu.memref_slice %arg16[%add3A_11, %dma_wait3A_87] : memref<10112x128xf32, #tpu.memory_space<vmem_shared>> -> memref<128x128xf32, #tpu.memory_space<vmem_shared>>
      %dma_wait3A_89 = arith.constant 0 : i32
      %dma_wait3A_90 = tpu.memref_slice %arg16[%add3A_11, %dma_wait3A_89] : memref<10112x128xf32, #tpu.memory_space<vmem_shared>> -> memref<128x128xf32, #tpu.memory_space<vmem_shared>>
      tpu.wait_dma2 semaphore(%run_scoped3A : memref<!tpu.dma_semaphore, #tpu.memory_space<semaphore_mem>>) src(%arg8 : memref<128x128xf32, #tpu.memory_space<vmem>>) dst(%dma_wait3A_90 : memref<128x128xf32, #tpu.memory_space<vmem_shared>>)
      tpu.yield
    }) : () -> ()
    %mul3A_12 = arith.constant 632 : i32
    %mul3A_13 = arith.muli %arg1, %mul3A_12 : i32
    %add3A_14 = arith.constant 256 : i32
    %add3A_15 = arith.addi %mul3A_13, %add3A_14 : i32
    "tpu.region"() ({
      %run_scoped3A = tpu.sem_alloc : memref<!tpu.dma_semaphore, #tpu.memory_space<semaphore_mem>>
      %dma_start3A_83 = arith.constant 0 : i32
      %dma_start3A_84 = tpu.memref_slice %arg16[%add3A_15, %dma_start3A_83] : memref<10112x128xf32, #tpu.memory_space<vmem_shared>> -> memref<128x128xf32, #tpu.memory_space<vmem_shared>>
      %dma_start3A_85 = arith.constant 0 : i32
      %dma_start3A_86 = tpu.memref_slice %arg16[%add3A_15, %dma_start3A_85] : memref<10112x128xf32, #tpu.memory_space<vmem_shared>> -> memref<128x128xf32, #tpu.memory_space<vmem_shared>>
      tpu.enqueue_dma source(%arg8 : memref<128x128xf32, #tpu.memory_space<vmem>>) target(%dma_start3A_86 : memref<128x128xf32, #tpu.memory_space<vmem_shared>>) target_semaphore(%run_scoped3A : memref<!tpu.dma_semaphore, #tpu.memory_space<semaphore_mem>>)
      %dma_wait3A_87 = arith.constant 0 : i32
      %dma_wait3A_88 = tpu.memref_slice %arg16[%add3A_15, %dma_wait3A_87] : memref<10112x128xf32, #tpu.memory_space<vmem_shared>> -> memref<128x128xf32, #tpu.memory_space<vmem_shared>>
      %dma_wait3A_89 = arith.constant 0 : i32
      %dma_wait3A_90 = tpu.memref_slice %arg16[%add3A_15, %dma_wait3A_89] : memref<10112x128xf32, #tpu.memory_space<vmem_shared>> -> memref<128x128xf32, #tpu.memory_space<vmem_shared>>
      tpu.wait_dma2 semaphore(%run_scoped3A : memref<!tpu.dma_semaphore, #tpu.memory_space<semaphore_mem>>) src(%arg8 : memref<128x128xf32, #tpu.memory_space<vmem>>) dst(%dma_wait3A_90 : memref<128x128xf32, #tpu.memory_space<vmem_shared>>)
      tpu.yield
    }) : () -> ()
    %mul3A_16 = arith.constant 632 : i32
    %mul3A_17 = arith.muli %arg1, %mul3A_16 : i32
    %add3A_18 = arith.constant 384 : i32
    %add3A_19 = arith.addi %mul3A_17, %add3A_18 : i32
    "tpu.region"() ({
      %run_scoped3A = tpu.sem_alloc : memref<!tpu.dma_semaphore, #tpu.memory_space<semaphore_mem>>
      %dma_start3A_83 = arith.constant 0 : i32
      %dma_start3A_84 = tpu.memref_slice %arg16[%add3A_19, %dma_start3A_83] : memref<10112x128xf32, #tpu.memory_space<vmem_shared>> -> memref<128x128xf32, #tpu.memory_space<vmem_shared>>
      %dma_start3A_85 = arith.constant 0 : i32
      %dma_start3A_86 = tpu.memref_slice %arg16[%add3A_19, %dma_start3A_85] : memref<10112x128xf32, #tpu.memory_space<vmem_shared>> -> memref<128x128xf32, #tpu.memory_space<vmem_shared>>
      tpu.enqueue_dma source(%arg8 : memref<128x128xf32, #tpu.memory_space<vmem>>) target(%dma_start3A_86 : memref<128x128xf32, #tpu.memory_space<vmem_shared>>) target_semaphore(%run_scoped3A : memref<!tpu.dma_semaphore, #tpu.memory_space<semaphore_mem>>)
      %dma_wait3A_87 = arith.constant 0 : i32
      %dma_wait3A_88 = tpu.memref_slice %arg16[%add3A_19, %dma_wait3A_87] : memref<10112x128xf32, #tpu.memory_space<vmem_shared>> -> memref<128x128xf32, #tpu.memory_space<vmem_shared>>
      %dma_wait3A_89 = arith.constant 0 : i32
      %dma_wait3A_90 = tpu.memref_slice %arg16[%add3A_19, %dma_wait3A_89] : memref<10112x128xf32, #tpu.memory_space<vmem_shared>> -> memref<128x128xf32, #tpu.memory_space<vmem_shared>>
      tpu.wait_dma2 semaphore(%run_scoped3A : memref<!tpu.dma_semaphore, #tpu.memory_space<semaphore_mem>>) src(%arg8 : memref<128x128xf32, #tpu.memory_space<vmem>>) dst(%dma_wait3A_90 : memref<128x128xf32, #tpu.memory_space<vmem_shared>>)
      tpu.yield
    }) : () -> ()
    %mul3A_20 = arith.constant 632 : i32
    %mul3A_21 = arith.muli %arg1, %mul3A_20 : i32
    %add3A_22 = arith.constant 512 : i32
    %add3A_23 = arith.addi %mul3A_21, %add3A_22 : i32
    "tpu.region"() ({
      %run_scoped3A = tpu.sem_alloc : memref<!tpu.dma_semaphore, #tpu.memory_space<semaphore_mem>>
      %dma_start3A_83 = arith.constant 0 : i32
      %dma_start3A_84 = arith.constant 0 : i32
      %dma_start3A_85 = tpu.memref_slice %arg8[%dma_start3A_83, %dma_start3A_84] : memref<128x128xf32, #tpu.memory_space<vmem>> -> memref<120x128xf32, #tpu.memory_space<vmem>>
      %dma_start3A_86 = arith.constant 0 : i32
      %dma_start3A_87 = tpu.memref_slice %arg16[%add3A_23, %dma_start3A_86] : memref<10112x128xf32, #tpu.memory_space<vmem_shared>> -> memref<120x128xf32, #tpu.memory_space<vmem_shared>>
      %dma_start3A_88 = arith.constant 0 : i32
      %dma_start3A_89 = tpu.memref_slice %arg16[%add3A_23, %dma_start3A_88] : memref<10112x128xf32, #tpu.memory_space<vmem_shared>> -> memref<120x128xf32, #tpu.memory_space<vmem_shared>>
      %dma_start3A_90 = arith.constant 0 : i32
      %dma_start3A_91 = arith.constant 0 : i32
      %dma_start3A_92 = tpu.memref_slice %arg8[%dma_start3A_90, %dma_start3A_91] : memref<128x128xf32, #tpu.memory_space<vmem>> -> memref<120x128xf32, #tpu.memory_space<vmem>>
      tpu.enqueue_dma source(%dma_start3A_92 : memref<120x128xf32, #tpu.memory_space<vmem>>) target(%dma_start3A_89 : memref<120x128xf32, #tpu.memory_space<vmem_shared>>) target_semaphore(%run_scoped3A : memref<!tpu.dma_semaphore, #tpu.memory_space<semaphore_mem>>)
      %dma_wait3A_93 = arith.constant 0 : i32
      %dma_wait3A_94 = arith.constant 0 : i32
      %dma_wait3A_95 = tpu.memref_slice %arg8[%dma_wait3A_93, %dma_wait3A_94] : memref<128x128xf32, #tpu.memory_space<vmem>> -> memref<120x128xf32, #tpu.memory_space<vmem>>
      %dma_wait3A_96 = arith.constant 0 : i32
      %dma_wait3A_97 = tpu.memref_slice %arg16[%add3A_23, %dma_wait3A_96] : memref<10112x128xf32, #tpu.memory_space<vmem_shared>> -> memref<120x128xf32, #tpu.memory_space<vmem_shared>>
      %dma_wait3A_98 = arith.constant 0 : i32
      %dma_wait3A_99 = tpu.memref_slice %arg16[%add3A_23, %dma_wait3A_98] : memref<10112x128xf32, #tpu.memory_space<vmem_shared>> -> memref<120x128xf32, #tpu.memory_space<vmem_shared>>
      %dma_wait3A_100 = arith.constant 0 : i32
      %dma_wait3A_101 = arith.constant 0 : i32
      %dma_wait3A_102 = tpu.memref_slice %arg8[%dma_wait3A_100, %dma_wait3A_101] : memref<128x128xf32, #tpu.memory_space<vmem>> -> memref<120x128xf32, #tpu.memory_space<vmem>>
      tpu.wait_dma2 semaphore(%run_scoped3A : memref<!tpu.dma_semaphore, #tpu.memory_space<semaphore_mem>>) src(%dma_wait3A_102 : memref<120x128xf32, #tpu.memory_space<vmem>>) dst(%dma_wait3A_99 : memref<120x128xf32, #tpu.memory_space<vmem_shared>>)
      tpu.yield
    }) : () -> ()
    %barrier3A = arith.constant 0 : index
    tpu.barrier barrier_id(%barrier3A)
    %mul3A_24 = arith.constant 10240 : i32
    %mul3A_25 = arith.muli %arg1, %mul3A_24 : i32
    %add3A_26 = arith.constant 0 : i32
    %add3A_27 = arith.addi %mul3A_25, %add3A_26 : i32
    %dma_start3A = tpu.memref_slice %arg3[%arg0, %add3A_27] : memref<2x163840xi32, #tpu.memory_space<hbm>> -> memref<1x128xi32, #tpu.memory_space<hbm>>
    %dma_start3A_28 = tpu.memref_squeeze %dma_start3A : memref<1x128xi32, #tpu.memory_space<hbm>> -> memref<128xi32, #tpu.memory_space<hbm>>
    %dma_start3A_29 = tpu.memref_slice %arg3[%arg0, %add3A_27] : memref<2x163840xi32, #tpu.memory_space<hbm>> -> memref<1x128xi32, #tpu.memory_space<hbm>>
    %dma_start3A_30 = tpu.memref_squeeze %dma_start3A_29 : memref<1x128xi32, #tpu.memory_space<hbm>> -> memref<128xi32, #tpu.memory_space<hbm>>
    tpu.enqueue_dma source(%dma_start3A_30 : memref<128xi32, #tpu.memory_space<hbm>>) target(%arg6 : memref<128xi32, #tpu.memory_space<vmem>>) target_semaphore(%arg9 : memref<!tpu.dma_semaphore, #tpu.memory_space<semaphore_mem>>)
    %dma_start3A_31 = tpu.memref_slice %arg4[%add3A_27] : memref<163840xi32, #tpu.memory_space<hbm>> -> memref<128xi32, #tpu.memory_space<hbm>>
    %dma_start3A_32 = tpu.memref_slice %arg4[%add3A_27] : memref<163840xi32, #tpu.memory_space<hbm>> -> memref<128xi32, #tpu.memory_space<hbm>>
    tpu.enqueue_dma source(%dma_start3A_32 : memref<128xi32, #tpu.memory_space<hbm>>) target(%arg7 : memref<128xi32, #tpu.memory_space<vmem>>) target_semaphore(%arg9 : memref<!tpu.dma_semaphore, #tpu.memory_space<semaphore_mem>>)
    %dma_wait3A = arith.constant 0 : i32
    %dma_wait3A_33 = tpu.memref_slice %arg3[%arg0, %dma_wait3A] : memref<2x163840xi32, #tpu.memory_space<hbm>> -> memref<1x128xi32, #tpu.memory_space<hbm>>
    %dma_wait3A_34 = tpu.memref_squeeze %dma_wait3A_33 : memref<1x128xi32, #tpu.memory_space<hbm>> -> memref<128xi32, #tpu.memory_space<hbm>>
    %dma_wait3A_35 = arith.constant 0 : i32
    %dma_wait3A_36 = tpu.memref_slice %arg3[%arg0, %dma_wait3A_35] : memref<2x163840xi32, #tpu.memory_space<hbm>> -> memref<1x128xi32, #tpu.memory_space<hbm>>
    %dma_wait3A_37 = tpu.memref_squeeze %dma_wait3A_36 : memref<1x128xi32, #tpu.memory_space<hbm>> -> memref<128xi32, #tpu.memory_space<hbm>>
    tpu.wait_dma2 semaphore(%arg9 : memref<!tpu.dma_semaphore, #tpu.memory_space<semaphore_mem>>) src(%dma_wait3A_37 : memref<128xi32, #tpu.memory_space<hbm>>) dst(%arg6 : memref<128xi32, #tpu.memory_space<vmem>>)
    %dma_wait3A_38 = arith.constant 0 : i32
    %dma_wait3A_39 = tpu.memref_slice %arg4[%dma_wait3A_38] : memref<163840xi32, #tpu.memory_space<hbm>> -> memref<128xi32, #tpu.memory_space<hbm>>
    %dma_wait3A_40 = arith.constant 0 : i32
    %dma_wait3A_41 = tpu.memref_slice %arg4[%dma_wait3A_40] : memref<163840xi32, #tpu.memory_space<hbm>> -> memref<128xi32, #tpu.memory_space<hbm>>
    tpu.wait_dma2 semaphore(%arg9 : memref<!tpu.dma_semaphore, #tpu.memory_space<semaphore_mem>>) src(%dma_wait3A_41 : memref<128xi32, #tpu.memory_space<hbm>>) dst(%arg7 : memref<128xi32, #tpu.memory_space<vmem>>)
    %dma_start3A_42 = arith.constant 0 : i32
    %dma_start3A_43 = arith.constant 0 : i32
    %dma_start3A_44 = tpu.memref_slice %arg2[%dma_start3A_42, %dma_start3A_43] : memref<20000x128xf32, #tpu.memory_space<hbm>> -> memref<20000x128xf32, #tpu.memory_space<hbm>>
    tpu.enqueue_indirect_dma source(%dma_start3A_44 : memref<20000x128xf32, #tpu.memory_space<hbm>>) target(%arg8 : memref<128x128xf32, #tpu.memory_space<vmem>>) offsets(%arg6 : memref<128xi32, #tpu.memory_space<vmem>>) semaphore(%arg9 : memref<!tpu.dma_semaphore, #tpu.memory_space<semaphore_mem>>)
    %add3A_45 = arith.constant 128 : i32
    %add3A_46 = arith.addi %mul3A_25, %add3A_45 : i32
    %dma_start3A_47 = tpu.memref_slice %arg3[%arg0, %add3A_46] : memref<2x163840xi32, #tpu.memory_space<hbm>> -> memref<1x128xi32, #tpu.memory_space<hbm>>
    %dma_start3A_48 = tpu.memref_squeeze %dma_start3A_47 : memref<1x128xi32, #tpu.memory_space<hbm>> -> memref<128xi32, #tpu.memory_space<hbm>>
    %dma_start3A_49 = tpu.memref_slice %arg3[%arg0, %add3A_46] : memref<2x163840xi32, #tpu.memory_space<hbm>> -> memref<1x128xi32, #tpu.memory_space<hbm>>
    %dma_start3A_50 = tpu.memref_squeeze %dma_start3A_49 : memref<1x128xi32, #tpu.memory_space<hbm>> -> memref<128xi32, #tpu.memory_space<hbm>>
    tpu.enqueue_dma source(%dma_start3A_50 : memref<128xi32, #tpu.memory_space<hbm>>) target(%arg11 : memref<128xi32, #tpu.memory_space<vmem>>) target_semaphore(%arg14 : memref<!tpu.dma_semaphore, #tpu.memory_space<semaphore_mem>>)
    %dma_start3A_51 = tpu.memref_slice %arg4[%add3A_46] : memref<163840xi32, #tpu.memory_space<hbm>> -> memref<128xi32, #tpu.memory_space<hbm>>
    %dma_start3A_52 = tpu.memref_slice %arg4[%add3A_46] : memref<163840xi32, #tpu.memory_space<hbm>> -> memref<128xi32, #tpu.memory_space<hbm>>
    tpu.enqueue_dma source(%dma_start3A_52 : memref<128xi32, #tpu.memory_space<hbm>>) target(%arg12 : memref<128xi32, #tpu.memory_space<vmem>>) target_semaphore(%arg14 : memref<!tpu.dma_semaphore, #tpu.memory_space<semaphore_mem>>)
    %dma_wait3A_53 = arith.constant 0 : i32
    %dma_wait3A_54 = tpu.memref_slice %arg3[%arg0, %dma_wait3A_53] : memref<2x163840xi32, #tpu.memory_space<hbm>> -> memref<1x128xi32, #tpu.memory_space<hbm>>
    %dma_wait3A_55 = tpu.memref_squeeze %dma_wait3A_54 : memref<1x128xi32, #tpu.memory_space<hbm>> -> memref<128xi32, #tpu.memory_space<hbm>>
    %dma_wait3A_56 = arith.constant 0 : i32
    %dma_wait3A_57 = tpu.memref_slice %arg3[%arg0, %dma_wait3A_56] : memref<2x163840xi32, #tpu.memory_space<hbm>> -> memref<1x128xi32, #tpu.memory_space<hbm>>
    %dma_wait3A_58 = tpu.memref_squeeze %dma_wait3A_57 : memref<1x128xi32, #tpu.memory_space<hbm>> -> memref<128xi32, #tpu.memory_space<hbm>>
    tpu.wait_dma2 semaphore(%arg14 : memref<!tpu.dma_semaphore, #tpu.memory_space<semaphore_mem>>) src(%dma_wait3A_58 : memref<128xi32, #tpu.memory_space<hbm>>) dst(%arg11 : memref<128xi32, #tpu.memory_space<vmem>>)
    %dma_wait3A_59 = arith.constant 0 : i32
    %dma_wait3A_60 = tpu.memref_slice %arg4[%dma_wait3A_59] : memref<163840xi32, #tpu.memory_space<hbm>> -> memref<128xi32, #tpu.memory_space<hbm>>
    %dma_wait3A_61 = arith.constant 0 : i32
    %dma_wait3A_62 = tpu.memref_slice %arg4[%dma_wait3A_61] : memref<163840xi32, #tpu.memory_space<hbm>> -> memref<128xi32, #tpu.memory_space<hbm>>
    tpu.wait_dma2 semaphore(%arg14 : memref<!tpu.dma_semaphore, #tpu.memory_space<semaphore_mem>>) src(%dma_wait3A_62 : memref<128xi32, #tpu.memory_space<hbm>>) dst(%arg12 : memref<128xi32, #tpu.memory_space<vmem>>)
    %dma_start3A_63 = arith.constant 0 : i32
    %dma_start3A_64 = arith.constant 0 : i32
    %dma_start3A_65 = tpu.memref_slice %arg2[%dma_start3A_63, %dma_start3A_64] : memref<20000x128xf32, #tpu.memory_space<hbm>> -> memref<20000x128xf32, #tpu.memory_space<hbm>>
    tpu.enqueue_indirect_dma source(%dma_start3A_65 : memref<20000x128xf32, #tpu.memory_space<hbm>>) target(%arg13 : memref<128x128xf32, #tpu.memory_space<vmem>>) offsets(%arg11 : memref<128xi32, #tpu.memory_space<vmem>>) semaphore(%arg14 : memref<!tpu.dma_semaphore, #tpu.memory_space<semaphore_mem>>)
    %scan3A_66 = arith.constant 0 : i32
    %scan3A_67 = arith.constant 0 : i32
    %scan3A_68 = arith.constant 40 : i32
    %scan3A_69 = arith.addi %scan3A_67, %scan3A_68 : i32
    %scan3A_70 = arith.constant 1 : i32
    scf.for %scan3A_83 = %scan3A_67 to %scan3A_69 step %scan3A_70  : i32 {
      %mul3A_84 = arith.constant 2 : i32
      %mul3A_85 = arith.muli %mul3A_84, %scan3A_83 : i32
      %dma_wait3A_86 = arith.constant 0 : i32
      %dma_wait3A_87 = arith.constant 0 : i32
      %dma_wait3A_88 = tpu.memref_slice %arg2[%dma_wait3A_86, %dma_wait3A_87] : memref<20000x128xf32, #tpu.memory_space<hbm>> -> memref<20000x128xf32, #tpu.memory_space<hbm>>
      tpu.wait_indirect_dma semaphore(%arg9 : memref<!tpu.dma_semaphore, #tpu.memory_space<semaphore_mem>>) src(%dma_wait3A_88 : memref<20000x128xf32, #tpu.memory_space<hbm>>) dst(%arg8 : memref<128x128xf32, #tpu.memory_space<vmem>>)
      %dma_start3A_89 = arith.constant 0 : i32
      %dma_start3A_90 = arith.constant 0 : i32
      %dma_start3A_91 = tpu.memref_slice %arg16[%dma_start3A_89, %dma_start3A_90] : memref<10112x128xf32, #tpu.memory_space<vmem_shared>> -> memref<10112x128xf32, #tpu.memory_space<vmem_shared>>
      tpu.enqueue_indirect_dma source(%arg8 : memref<128x128xf32, #tpu.memory_space<vmem>>) target(%dma_start3A_91 : memref<10112x128xf32, #tpu.memory_space<vmem_shared>>) offsets(%arg7 : memref<128xi32, #tpu.memory_space<vmem>>) semaphore(%arg10 : memref<!tpu.dma_semaphore, #tpu.memory_space<semaphore_mem>>) {add = true}
      %dma_wait3A_92 = arith.constant 0 : i32
      %dma_wait3A_93 = arith.constant 0 : i32
      %dma_wait3A_94 = tpu.memref_slice %arg2[%dma_wait3A_92, %dma_wait3A_93] : memref<20000x128xf32, #tpu.memory_space<hbm>> -> memref<20000x128xf32, #tpu.memory_space<hbm>>
      tpu.wait_indirect_dma semaphore(%arg14 : memref<!tpu.dma_semaphore, #tpu.memory_space<semaphore_mem>>) src(%dma_wait3A_94 : memref<20000x128xf32, #tpu.memory_space<hbm>>) dst(%arg13 : memref<128x128xf32, #tpu.memory_space<vmem>>)
      %dma_start3A_95 = arith.constant 0 : i32
      %dma_start3A_96 = arith.constant 0 : i32
      %dma_start3A_97 = tpu.memref_slice %arg16[%dma_start3A_95, %dma_start3A_96] : memref<10112x128xf32, #tpu.memory_space<vmem_shared>> -> memref<10112x128xf32, #tpu.memory_space<vmem_shared>>
      tpu.enqueue_indirect_dma source(%arg13 : memref<128x128xf32, #tpu.memory_space<vmem>>) target(%dma_start3A_97 : memref<10112x128xf32, #tpu.memory_space<vmem_shared>>) offsets(%arg12 : memref<128xi32, #tpu.memory_space<vmem>>) semaphore(%arg15 : memref<!tpu.dma_semaphore, #tpu.memory_space<semaphore_mem>>) {add = true}
      %add3A_98 = arith.constant 2 : i32
      %add3A_99 = arith.addi %mul3A_85, %add3A_98 : i32
      %lt3A = arith.constant 80 : i32
      %lt3A_100 = arith.cmpi slt, %add3A_99, %lt3A : i32
      %convert_element_type3A = arith.extui %lt3A_100 : i1 to i32
      %cond3A = arith.constant 0 : i32
      %cond3A_101 = arith.cmpi ne, %convert_element_type3A, %cond3A : i32
      scf.if %cond3A_101 {
        %dma_wait3A_109 = arith.constant 0 : i32
        %dma_wait3A_110 = arith.constant 0 : i32
        %dma_wait3A_111 = tpu.memref_slice %arg16[%dma_wait3A_109, %dma_wait3A_110] : memref<10112x128xf32, #tpu.memory_space<vmem_shared>> -> memref<10112x128xf32, #tpu.memory_space<vmem_shared>>
        tpu.wait_indirect_dma semaphore(%arg10 : memref<!tpu.dma_semaphore, #tpu.memory_space<semaphore_mem>>) src(%arg8 : memref<128x128xf32, #tpu.memory_space<vmem>>) dst(%dma_wait3A_111 : memref<10112x128xf32, #tpu.memory_space<vmem_shared>>)
        %add3A_112 = arith.constant 2 : i32
        %add3A_113 = arith.addi %mul3A_85, %add3A_112 : i32
        %mul3A_114 = arith.constant 128 : i32
        %mul3A_115 = arith.muli %add3A_113, %mul3A_114 : i32
        %add3A_116 = arith.addi %mul3A_25, %mul3A_115 : i32
        %dma_start3A_117 = tpu.memref_slice %arg3[%arg0, %add3A_116] : memref<2x163840xi32, #tpu.memory_space<hbm>> -> memref<1x128xi32, #tpu.memory_space<hbm>>
        %dma_start3A_118 = tpu.memref_squeeze %dma_start3A_117 : memref<1x128xi32, #tpu.memory_space<hbm>> -> memref<128xi32, #tpu.memory_space<hbm>>
        %dma_start3A_119 = tpu.memref_slice %arg3[%arg0, %add3A_116] : memref<2x163840xi32, #tpu.memory_space<hbm>> -> memref<1x128xi32, #tpu.memory_space<hbm>>
        %dma_start3A_120 = tpu.memref_squeeze %dma_start3A_119 : memref<1x128xi32, #tpu.memory_space<hbm>> -> memref<128xi32, #tpu.memory_space<hbm>>
        tpu.enqueue_dma source(%dma_start3A_120 : memref<128xi32, #tpu.memory_space<hbm>>) target(%arg6 : memref<128xi32, #tpu.memory_space<vmem>>) target_semaphore(%arg9 : memref<!tpu.dma_semaphore, #tpu.memory_space<semaphore_mem>>)
        %dma_start3A_121 = tpu.memref_slice %arg4[%add3A_116] : memref<163840xi32, #tpu.memory_space<hbm>> -> memref<128xi32, #tpu.memory_space<hbm>>
        %dma_start3A_122 = tpu.memref_slice %arg4[%add3A_116] : memref<163840xi32, #tpu.memory_space<hbm>> -> memref<128xi32, #tpu.memory_space<hbm>>
        tpu.enqueue_dma source(%dma_start3A_122 : memref<128xi32, #tpu.memory_space<hbm>>) target(%arg7 : memref<128xi32, #tpu.memory_space<vmem>>) target_semaphore(%arg9 : memref<!tpu.dma_semaphore, #tpu.memory_space<semaphore_mem>>)
        %dma_wait3A_123 = arith.constant 0 : i32
        %dma_wait3A_124 = tpu.memref_slice %arg3[%arg0, %dma_wait3A_123] : memref<2x163840xi32, #tpu.memory_space<hbm>> -> memref<1x128xi32, #tpu.memory_space<hbm>>
        %dma_wait3A_125 = tpu.memref_squeeze %dma_wait3A_124 : memref<1x128xi32, #tpu.memory_space<hbm>> -> memref<128xi32, #tpu.memory_space<hbm>>
        %dma_wait3A_126 = arith.constant 0 : i32
        %dma_wait3A_127 = tpu.memref_slice %arg3[%arg0, %dma_wait3A_126] : memref<2x163840xi32, #tpu.memory_space<hbm>> -> memref<1x128xi32, #tpu.memory_space<hbm>>
        %dma_wait3A_128 = tpu.memref_squeeze %dma_wait3A_127 : memref<1x128xi32, #tpu.memory_space<hbm>> -> memref<128xi32, #tpu.memory_space<hbm>>
        tpu.wait_dma2 semaphore(%arg9 : memref<!tpu.dma_semaphore, #tpu.memory_space<semaphore_mem>>) src(%dma_wait3A_128 : memref<128xi32, #tpu.memory_space<hbm>>) dst(%arg6 : memref<128xi32, #tpu.memory_space<vmem>>)
        %dma_wait3A_129 = arith.constant 0 : i32
        %dma_wait3A_130 = tpu.memref_slice %arg4[%dma_wait3A_129] : memref<163840xi32, #tpu.memory_space<hbm>> -> memref<128xi32, #tpu.memory_space<hbm>>
        %dma_wait3A_131 = arith.constant 0 : i32
        %dma_wait3A_132 = tpu.memref_slice %arg4[%dma_wait3A_131] : memref<163840xi32, #tpu.memory_space<hbm>> -> memref<128xi32, #tpu.memory_space<hbm>>
        tpu.wait_dma2 semaphore(%arg9 : memref<!tpu.dma_semaphore, #tpu.memory_space<semaphore_mem>>) src(%dma_wait3A_132 : memref<128xi32, #tpu.memory_space<hbm>>) dst(%arg7 : memref<128xi32, #tpu.memory_space<vmem>>)
        %dma_start3A_133 = arith.constant 0 : i32
        %dma_start3A_134 = arith.constant 0 : i32
        %dma_start3A_135 = tpu.memref_slice %arg2[%dma_start3A_133, %dma_start3A_134] : memref<20000x128xf32, #tpu.memory_space<hbm>> -> memref<20000x128xf32, #tpu.memory_space<hbm>>
        tpu.enqueue_indirect_dma source(%dma_start3A_135 : memref<20000x128xf32, #tpu.memory_space<hbm>>) target(%arg8 : memref<128x128xf32, #tpu.memory_space<vmem>>) offsets(%arg6 : memref<128xi32, #tpu.memory_space<vmem>>) semaphore(%arg9 : memref<!tpu.dma_semaphore, #tpu.memory_space<semaphore_mem>>)
      } else {
      }
      %add3A_102 = arith.constant 3 : i32
      %add3A_103 = arith.addi %mul3A_85, %add3A_102 : i32
      %lt3A_104 = arith.constant 80 : i32
      %lt3A_105 = arith.cmpi slt, %add3A_103, %lt3A_104 : i32
      %convert_element_type3A_106 = arith.extui %lt3A_105 : i1 to i32
      %cond3A_107 = arith.constant 0 : i32
      %cond3A_108 = arith.cmpi ne, %convert_element_type3A_106, %cond3A_107 : i32
      scf.if %cond3A_108 {
        %dma_wait3A_109 = arith.constant 0 : i32
        %dma_wait3A_110 = arith.constant 0 : i32
        %dma_wait3A_111 = tpu.memref_slice %arg16[%dma_wait3A_109, %dma_wait3A_110] : memref<10112x128xf32, #tpu.memory_space<vmem_shared>> -> memref<10112x128xf32, #tpu.memory_space<vmem_shared>>
        tpu.wait_indirect_dma semaphore(%arg15 : memref<!tpu.dma_semaphore, #tpu.memory_space<semaphore_mem>>) src(%arg13 : memref<128x128xf32, #tpu.memory_space<vmem>>) dst(%dma_wait3A_111 : memref<10112x128xf32, #tpu.memory_space<vmem_shared>>)
        %add3A_112 = arith.constant 3 : i32
        %add3A_113 = arith.addi %mul3A_85, %add3A_112 : i32
        %mul3A_114 = arith.constant 128 : i32
        %mul3A_115 = arith.muli %add3A_113, %mul3A_114 : i32
        %add3A_116 = arith.addi %mul3A_25, %mul3A_115 : i32
        %dma_start3A_117 = tpu.memref_slice %arg3[%arg0, %add3A_116] : memref<2x163840xi32, #tpu.memory_space<hbm>> -> memref<1x128xi32, #tpu.memory_space<hbm>>
        %dma_start3A_118 = tpu.memref_squeeze %dma_start3A_117 : memref<1x128xi32, #tpu.memory_space<hbm>> -> memref<128xi32, #tpu.memory_space<hbm>>
        %dma_start3A_119 = tpu.memref_slice %arg3[%arg0, %add3A_116] : memref<2x163840xi32, #tpu.memory_space<hbm>> -> memref<1x128xi32, #tpu.memory_space<hbm>>
        %dma_start3A_120 = tpu.memref_squeeze %dma_start3A_119 : memref<1x128xi32, #tpu.memory_space<hbm>> -> memref<128xi32, #tpu.memory_space<hbm>>
        tpu.enqueue_dma source(%dma_start3A_120 : memref<128xi32, #tpu.memory_space<hbm>>) target(%arg11 : memref<128xi32, #tpu.memory_space<vmem>>) target_semaphore(%arg14 : memref<!tpu.dma_semaphore, #tpu.memory_space<semaphore_mem>>)
        %dma_start3A_121 = tpu.memref_slice %arg4[%add3A_116] : memref<163840xi32, #tpu.memory_space<hbm>> -> memref<128xi32, #tpu.memory_space<hbm>>
        %dma_start3A_122 = tpu.memref_slice %arg4[%add3A_116] : memref<163840xi32, #tpu.memory_space<hbm>> -> memref<128xi32, #tpu.memory_space<hbm>>
        tpu.enqueue_dma source(%dma_start3A_122 : memref<128xi32, #tpu.memory_space<hbm>>) target(%arg12 : memref<128xi32, #tpu.memory_space<vmem>>) target_semaphore(%arg14 : memref<!tpu.dma_semaphore, #tpu.memory_space<semaphore_mem>>)
        %dma_wait3A_123 = arith.constant 0 : i32
        %dma_wait3A_124 = tpu.memref_slice %arg3[%arg0, %dma_wait3A_123] : memref<2x163840xi32, #tpu.memory_space<hbm>> -> memref<1x128xi32, #tpu.memory_space<hbm>>
        %dma_wait3A_125 = tpu.memref_squeeze %dma_wait3A_124 : memref<1x128xi32, #tpu.memory_space<hbm>> -> memref<128xi32, #tpu.memory_space<hbm>>
        %dma_wait3A_126 = arith.constant 0 : i32
        %dma_wait3A_127 = tpu.memref_slice %arg3[%arg0, %dma_wait3A_126] : memref<2x163840xi32, #tpu.memory_space<hbm>> -> memref<1x128xi32, #tpu.memory_space<hbm>>
        %dma_wait3A_128 = tpu.memref_squeeze %dma_wait3A_127 : memref<1x128xi32, #tpu.memory_space<hbm>> -> memref<128xi32, #tpu.memory_space<hbm>>
        tpu.wait_dma2 semaphore(%arg14 : memref<!tpu.dma_semaphore, #tpu.memory_space<semaphore_mem>>) src(%dma_wait3A_128 : memref<128xi32, #tpu.memory_space<hbm>>) dst(%arg11 : memref<128xi32, #tpu.memory_space<vmem>>)
        %dma_wait3A_129 = arith.constant 0 : i32
        %dma_wait3A_130 = tpu.memref_slice %arg4[%dma_wait3A_129] : memref<163840xi32, #tpu.memory_space<hbm>> -> memref<128xi32, #tpu.memory_space<hbm>>
        %dma_wait3A_131 = arith.constant 0 : i32
        %dma_wait3A_132 = tpu.memref_slice %arg4[%dma_wait3A_131] : memref<163840xi32, #tpu.memory_space<hbm>> -> memref<128xi32, #tpu.memory_space<hbm>>
        tpu.wait_dma2 semaphore(%arg14 : memref<!tpu.dma_semaphore, #tpu.memory_space<semaphore_mem>>) src(%dma_wait3A_132 : memref<128xi32, #tpu.memory_space<hbm>>) dst(%arg12 : memref<128xi32, #tpu.memory_space<vmem>>)
        %dma_start3A_133 = arith.constant 0 : i32
        %dma_start3A_134 = arith.constant 0 : i32
        %dma_start3A_135 = tpu.memref_slice %arg2[%dma_start3A_133, %dma_start3A_134] : memref<20000x128xf32, #tpu.memory_space<hbm>> -> memref<20000x128xf32, #tpu.memory_space<hbm>>
        tpu.enqueue_indirect_dma source(%dma_start3A_135 : memref<20000x128xf32, #tpu.memory_space<hbm>>) target(%arg13 : memref<128x128xf32, #tpu.memory_space<vmem>>) offsets(%arg11 : memref<128xi32, #tpu.memory_space<vmem>>) semaphore(%arg14 : memref<!tpu.dma_semaphore, #tpu.memory_space<semaphore_mem>>)
      } else {
      }
    }
    %scan3A_71 = arith.constant 40 : i32
    %dma_wait3A_72 = arith.constant 0 : i32
    %dma_wait3A_73 = arith.constant 0 : i32
    %dma_wait3A_74 = tpu.memref_slice %arg16[%dma_wait3A_72, %dma_wait3A_73] : memref<10112x128xf32, #tpu.memory_space<vmem_shared>> -> memref<10112x128xf32, #tpu.memory_space<vmem_shared>>
    tpu.wait_indirect_dma semaphore(%arg10 : memref<!tpu.dma_semaphore, #tpu.memory_space<semaphore_mem>>) src(%arg8 : memref<128x128xf32, #tpu.memory_space<vmem>>) dst(%dma_wait3A_74 : memref<10112x128xf32, #tpu.memory_space<vmem_shared>>)
    %dma_wait3A_75 = arith.constant 0 : i32
    %dma_wait3A_76 = arith.constant 0 : i32
    %dma_wait3A_77 = tpu.memref_slice %arg16[%dma_wait3A_75, %dma_wait3A_76] : memref<10112x128xf32, #tpu.memory_space<vmem_shared>> -> memref<10112x128xf32, #tpu.memory_space<vmem_shared>>
    tpu.wait_indirect_dma semaphore(%arg15 : memref<!tpu.dma_semaphore, #tpu.memory_space<semaphore_mem>>) src(%arg13 : memref<128x128xf32, #tpu.memory_space<vmem>>) dst(%dma_wait3A_77 : memref<10112x128xf32, #tpu.memory_space<vmem_shared>>)
    %barrier3A_78 = arith.constant 0 : index
    tpu.barrier barrier_id(%barrier3A_78)
    %mul3A_79 = arith.constant 632 : i32
    %mul3A_80 = arith.muli %arg1, %mul3A_79 : i32
    %mul3A_81 = arith.constant 632 : i32
    %mul3A_82 = arith.muli %arg1, %mul3A_81 : i32
    "tpu.region"() ({
      %run_scoped3A = tpu.sem_alloc : memref<!tpu.dma_semaphore, #tpu.memory_space<semaphore_mem>>
      %dma_start3A_83 = arith.constant 0 : i32
      %dma_start3A_84 = tpu.memref_slice %arg5[%arg0, %mul3A_82, %dma_start3A_83] : memref<2x10112x128xf32, #tpu.memory_space<hbm>> -> memref<1x632x128xf32, #tpu.memory_space<hbm>>
      %dma_start3A_85 = tpu.memref_squeeze %dma_start3A_84 : memref<1x632x128xf32, #tpu.memory_space<hbm>> -> memref<632x128xf32, #tpu.memory_space<hbm>>
      %dma_start3A_86 = arith.constant 0 : i32
      %dma_start3A_87 = tpu.memref_slice %arg16[%mul3A_80, %dma_start3A_86] : memref<10112x128xf32, #tpu.memory_space<vmem_shared>> -> memref<632x128xf32, #tpu.memory_space<vmem_shared>>
      tpu.enqueue_dma source(%dma_start3A_87 : memref<632x128xf32, #tpu.memory_space<vmem_shared>>) target(%dma_start3A_85 : memref<632x128xf32, #tpu.memory_space<hbm>>) target_semaphore(%run_scoped3A : memref<!tpu.dma_semaphore, #tpu.memory_space<semaphore_mem>>)
      %dma_wait3A_88 = arith.constant 0 : i32
      %dma_wait3A_89 = tpu.memref_slice %arg5[%arg0, %mul3A_82, %dma_wait3A_88] : memref<2x10112x128xf32, #tpu.memory_space<hbm>> -> memref<1x632x128xf32, #tpu.memory_space<hbm>>
      %dma_wait3A_90 = tpu.memref_squeeze %dma_wait3A_89 : memref<1x632x128xf32, #tpu.memory_space<hbm>> -> memref<632x128xf32, #tpu.memory_space<hbm>>
      %dma_wait3A_91 = arith.constant 0 : i32
      %dma_wait3A_92 = tpu.memref_slice %arg16[%mul3A_80, %dma_wait3A_91] : memref<10112x128xf32, #tpu.memory_space<vmem_shared>> -> memref<632x128xf32, #tpu.memory_space<vmem_shared>>
      tpu.wait_dma2 semaphore(%run_scoped3A : memref<!tpu.dma_semaphore, #tpu.memory_space<semaphore_mem>>) src(%dma_wait3A_92 : memref<632x128xf32, #tpu.memory_space<vmem_shared>>) dst(%dma_wait3A_90 : memref<632x128xf32, #tpu.memory_space<hbm>>)
      tpu.yield
    }) : () -> ()
    return
  }
}

#map = affine_map<(d0, d1) -> (0, 0)>
#map1 = affine_map<(d0, d1) -> (0)>
#map2 = affine_map<(d0, d1) -> (0, 0, 0)>
module attributes {stable_mosaic.version = 14 : i64} {
  func.func @body(%arg0: i32, %arg1: i32, %arg2: memref<20000x128xf32, #tpu.memory_space<hbm>>, %arg3: memref<2x163840xi32, #tpu.memory_space<hbm>>, %arg4: memref<163840xi32, #tpu.memory_space<hbm>>, %arg5: memref<2x10112x128xf32, #tpu.memory_space<hbm>>, %arg6: memref<128xi32, #tpu.memory_space<vmem>>, %arg7: memref<128xi32, #tpu.memory_space<vmem>>, %arg8: memref<128x128xf32, #tpu.memory_space<vmem>>, %arg9: memref<!tpu.dma_semaphore, #tpu.memory_space<semaphore_mem>>, %arg10: memref<!tpu.dma_semaphore, #tpu.memory_space<semaphore_mem>>, %arg11: memref<128xi32, #tpu.memory_space<vmem>>, %arg12: memref<128xi32, #tpu.memory_space<vmem>>, %arg13: memref<128x128xf32, #tpu.memory_space<vmem>>, %arg14: memref<!tpu.dma_semaphore, #tpu.memory_space<semaphore_mem>>, %arg15: memref<!tpu.dma_semaphore, #tpu.memory_space<semaphore_mem>>, %arg16: memref<10112x128xf32, #tpu.memory_space<vmem_shared>>) attributes {dimension_semantics = [#tpu.dimension_semantics<core_parallel>, #tpu.dimension_semantics<subcore_parallel>], iteration_bounds = array<i64: 2, 16>, scalar_prefetch = 0 : i64, scratch_operands = 11 : i64, tpu.core_type = #tpu.core_type<sc_vector_subcore>, window_params = [{transform_indices = #map}, {transform_indices = #map}, {transform_indices = #map1}, {transform_indices = #map2}]} {
    %broadcast_in_dim3A = arith.constant 0.000000e+00 : f32
    %broadcast_in_dim3A_0 = vector.broadcast %broadcast_in_dim3A : f32 to vector<16xf32>
    %scan3A = arith.constant 0 : i32
    %scan3A_1 = arith.constant 0 : i32
    %scan3A_2 = arith.constant 128 : i32
    %scan3A_3 = arith.addi %scan3A_1, %scan3A_2 : i32
    %scan3A_4 = arith.constant 1 : i32
    scf.for %scan3A_83 = %scan3A_1 to %scan3A_3 step %scan3A_4  : i32 {
      %swap3A = arith.index_cast %scan3A_83 : i32 to index
      %swap3A_84 = arith.constant 0 : index
      %swap3A_85 = tpu.vector_load %arg8[%swap3A, %swap3A_84] {strides = array<i32>} : memref<128x128xf32, #tpu.memory_space<vmem>>, vector<1x16xf32>,
      %swap3A_86 = vector.shape_cast %swap3A_85 : vector<1x16xf32> to vector<16xf32>
      %swap3A_87 = vector.shape_cast %broadcast_in_dim3A_0 : vector<16xf32> to vector<1x16xf32>
      tpu.vector_store %arg8[%swap3A, %swap3A_84], %swap3A_87 {strides = array<i32>} : memref<128x128xf32, #tpu.memory_space<vmem>>, vector<1x16xf32>,
      %swap3A_88 = arith.index_cast %scan3A_83 : i32 to index
      %swap3A_89 = arith.constant 16 : index
      %swap3A_90 = tpu.vector_load %arg8[%swap3A_88, %swap3A_89] {strides = array<i32>} : memref<128x128xf32, #tpu.memory_space<vmem>>, vector<1x16xf32>,
      %swap3A_91 = vector.shape_cast %swap3A_90 : vector<1x16xf32> to vector<16xf32>
      %swap3A_92 = vector.shape_cast %broadcast_in_dim3A_0 : vector<16xf32> to vector<1x16xf32>
      tpu.vector_store %arg8[%swap3A_88, %swap3A_89], %swap3A_92 {strides = array<i32>} : memref<128x128xf32, #tpu.memory_space<vmem>>, vector<1x16xf32>,
      %swap3A_93 = arith.index_cast %scan3A_83 : i32 to index
      %swap3A_94 = arith.constant 32 : index
      %swap3A_95 = tpu.vector_load %arg8[%swap3A_93, %swap3A_94] {strides = array<i32>} : memref<128x128xf32, #tpu.memory_space<vmem>>, vector<1x16xf32>,
      %swap3A_96 = vector.shape_cast %swap3A_95 : vector<1x16xf32> to vector<16xf32>
      %swap3A_97 = vector.shape_cast %broadcast_in_dim3A_0 : vector<16xf32> to vector<1x16xf32>
      tpu.vector_store %arg8[%swap3A_93, %swap3A_94], %swap3A_97 {strides = array<i32>} : memref<128x128xf32, #tpu.memory_space<vmem>>, vector<1x16xf32>,
      %swap3A_98 = arith.index_cast %scan3A_83 : i32 to index
      %swap3A_99 = arith.constant 48 : index
      %swap3A_100 = tpu.vector_load %arg8[%swap3A_98, %swap3A_99] {strides = array<i32>} : memref<128x128xf32, #tpu.memory_space<vmem>>, vector<1x16xf32>,
      %swap3A_101 = vector.shape_cast %swap3A_100 : vector<1x16xf32> to vector<16xf32>
      %swap3A_102 = vector.shape_cast %broadcast_in_dim3A_0 : vector<16xf32> to vector<1x16xf32>
      tpu.vector_store %arg8[%swap3A_98, %swap3A_99], %swap3A_102 {strides = array<i32>} : memref<128x128xf32, #tpu.memory_space<vmem>>, vector<1x16xf32>,
      %swap3A_103 = arith.index_cast %scan3A_83 : i32 to index
      %swap3A_104 = arith.constant 64 : index
      %swap3A_105 = tpu.vector_load %arg8[%swap3A_103, %swap3A_104] {strides = array<i32>} : memref<128x128xf32, #tpu.memory_space<vmem>>, vector<1x16xf32>,
      %swap3A_106 = vector.shape_cast %swap3A_105 : vector<1x16xf32> to vector<16xf32>
      %swap3A_107 = vector.shape_cast %broadcast_in_dim3A_0 : vector<16xf32> to vector<1x16xf32>
      tpu.vector_store %arg8[%swap3A_103, %swap3A_104], %swap3A_107 {strides = array<i32>} : memref<128x128xf32, #tpu.memory_space<vmem>>, vector<1x16xf32>,
      %swap3A_108 = arith.index_cast %scan3A_83 : i32 to index
      %swap3A_109 = arith.constant 80 : index
      %swap3A_110 = tpu.vector_load %arg8[%swap3A_108, %swap3A_109] {strides = array<i32>} : memref<128x128xf32, #tpu.memory_space<vmem>>, vector<1x16xf32>,
      %swap3A_111 = vector.shape_cast %swap3A_110 : vector<1x16xf32> to vector<16xf32>
      %swap3A_112 = vector.shape_cast %broadcast_in_dim3A_0 : vector<16xf32> to vector<1x16xf32>
      tpu.vector_store %arg8[%swap3A_108, %swap3A_109], %swap3A_112 {strides = array<i32>} : memref<128x128xf32, #tpu.memory_space<vmem>>, vector<1x16xf32>,
      %swap3A_113 = arith.index_cast %scan3A_83 : i32 to index
      %swap3A_114 = arith.constant 96 : index
      %swap3A_115 = tpu.vector_load %arg8[%swap3A_113, %swap3A_114] {strides = array<i32>} : memref<128x128xf32, #tpu.memory_space<vmem>>, vector<1x16xf32>,
      %swap3A_116 = vector.shape_cast %swap3A_115 : vector<1x16xf32> to vector<16xf32>
      %swap3A_117 = vector.shape_cast %broadcast_in_dim3A_0 : vector<16xf32> to vector<1x16xf32>
      tpu.vector_store %arg8[%swap3A_113, %swap3A_114], %swap3A_117 {strides = array<i32>} : memref<128x128xf32, #tpu.memory_space<vmem>>, vector<1x16xf32>,
      %swap3A_118 = arith.index_cast %scan3A_83 : i32 to index
      %swap3A_119 = arith.constant 112 : index
      %swap3A_120 = tpu.vector_load %arg8[%swap3A_118, %swap3A_119] {strides = array<i32>} : memref<128x128xf32, #tpu.memory_space<vmem>>, vector<1x16xf32>,
      %swap3A_121 = vector.shape_cast %swap3A_120 : vector<1x16xf32> to vector<16xf32>
      %swap3A_122 = vector.shape_cast %broadcast_in_dim3A_0 : vector<16xf32> to vector<1x16xf32>
      tpu.vector_store %arg8[%swap3A_118, %swap3A_119], %swap3A_122 {strides = array<i32>} : memref<128x128xf32, #tpu.memory_space<vmem>>, vector<1x16xf32>,
    }
    %scan3A_5 = arith.constant 128 : i32
    %mul3A = arith.constant 632 : i32
    %mul3A_6 = arith.muli %arg1, %mul3A : i32
    %add3A = arith.constant 0 : i32
    %add3A_7 = arith.addi %mul3A_6, %add3A : i32
    "tpu.region"() ({
      %run_scoped3A = tpu.sem_alloc : memref<!tpu.dma_semaphore, #tpu.memory_space<semaphore_mem>>
      %dma_start3A_83 = arith.constant 0 : i32
      %dma_start3A_84 = tpu.memref_slice %arg16[%add3A_7, %dma_start3A_83] : memref<10112x128xf32, #tpu.memory_space<vmem_shared>> -> memref<128x128xf32, #tpu.memory_space<vmem_shared>>
      %dma_start3A_85 = arith.constant 0 : i32
      %dma_start3A_86 = tpu.memref_slice %arg16[%add3A_7, %dma_start3A_85] : memref<10112x128xf32, #tpu.memory_space<vmem_shared>> -> memref<128x128xf32, #tpu.memory_space<vmem_shared>>
      tpu.enqueue_dma source(%arg8 : memref<128x128xf32, #tpu.memory_space<vmem>>) target(%dma_start3A_86 : memref<128x128xf32, #tpu.memory_space<vmem_shared>>) target_semaphore(%run_scoped3A : memref<!tpu.dma_semaphore, #tpu.memory_space<semaphore_mem>>)
      %dma_wait3A_87 = arith.constant 0 : i32
      %dma_wait3A_88 = tpu.memref_slice %arg16[%add3A_7, %dma_wait3A_87] : memref<10112x128xf32, #tpu.memory_space<vmem_shared>> -> memref<128x128xf32, #tpu.memory_space<vmem_shared>>
      %dma_wait3A_89 = arith.constant 0 : i32
      %dma_wait3A_90 = tpu.memref_slice %arg16[%add3A_7, %dma_wait3A_89] : memref<10112x128xf32, #tpu.memory_space<vmem_shared>> -> memref<128x128xf32, #tpu.memory_space<vmem_shared>>
      tpu.wait_dma2 semaphore(%run_scoped3A : memref<!tpu.dma_semaphore, #tpu.memory_space<semaphore_mem>>) src(%arg8 : memref<128x128xf32, #tpu.memory_space<vmem>>) dst(%dma_wait3A_90 : memref<128x128xf32, #tpu.memory_space<vmem_shared>>)
      tpu.yield
    }) : () -> ()
    %mul3A_8 = arith.constant 632 : i32
    %mul3A_9 = arith.muli %arg1, %mul3A_8 : i32
    %add3A_10 = arith.constant 128 : i32
    %add3A_11 = arith.addi %mul3A_9, %add3A_10 : i32
    "tpu.region"() ({
      %run_scoped3A = tpu.sem_alloc : memref<!tpu.dma_semaphore, #tpu.memory_space<semaphore_mem>>
      %dma_start3A_83 = arith.constant 0 : i32
      %dma_start3A_84 = tpu.memref_slice %arg16[%add3A_11, %dma_start3A_83] : memref<10112x128xf32, #tpu.memory_space<vmem_shared>> -> memref<128x128xf32, #tpu.memory_space<vmem_shared>>
      %dma_start3A_85 = arith.constant 0 : i32
      %dma_start3A_86 = tpu.memref_slice %arg16[%add3A_11, %dma_start3A_85] : memref<10112x128xf32, #tpu.memory_space<vmem_shared>> -> memref<128x128xf32, #tpu.memory_space<vmem_shared>>
      tpu.enqueue_dma source(%arg8 : memref<128x128xf32, #tpu.memory_space<vmem>>) target(%dma_start3A_86 : memref<128x128xf32, #tpu.memory_space<vmem_shared>>) target_semaphore(%run_scoped3A : memref<!tpu.dma_semaphore, #tpu.memory_space<semaphore_mem>>)
      %dma_wait3A_87 = arith.constant 0 : i32
      %dma_wait3A_88 = tpu.memref_slice %arg16[%add3A_11, %dma_wait3A_87] : memref<10112x128xf32, #tpu.memory_space<vmem_shared>> -> memref<128x128xf32, #tpu.memory_space<vmem_shared>>
      %dma_wait3A_89 = arith.constant 0 : i32
      %dma_wait3A_90 = tpu.memref_slice %arg16[%add3A_11, %dma_wait3A_89] : memref<10112x128xf32, #tpu.memory_space<vmem_shared>> -> memref<128x128xf32, #tpu.memory_space<vmem_shared>>
      tpu.wait_dma2 semaphore(%run_scoped3A : memref<!tpu.dma_semaphore, #tpu.memory_space<semaphore_mem>>) src(%arg8 : memref<128x128xf32, #tpu.memory_space<vmem>>) dst(%dma_wait3A_90 : memref<128x128xf32, #tpu.memory_space<vmem_shared>>)
      tpu.yield
    }) : () -> ()
    %mul3A_12 = arith.constant 632 : i32
    %mul3A_13 = arith.muli %arg1, %mul3A_12 : i32
    %add3A_14 = arith.constant 256 : i32
    %add3A_15 = arith.addi %mul3A_13, %add3A_14 : i32
    "tpu.region"() ({
      %run_scoped3A = tpu.sem_alloc : memref<!tpu.dma_semaphore, #tpu.memory_space<semaphore_mem>>
      %dma_start3A_83 = arith.constant 0 : i32
      %dma_start3A_84 = tpu.memref_slice %arg16[%add3A_15, %dma_start3A_83] : memref<10112x128xf32, #tpu.memory_space<vmem_shared>> -> memref<128x128xf32, #tpu.memory_space<vmem_shared>>
      %dma_start3A_85 = arith.constant 0 : i32
      %dma_start3A_86 = tpu.memref_slice %arg16[%add3A_15, %dma_start3A_85] : memref<10112x128xf32, #tpu.memory_space<vmem_shared>> -> memref<128x128xf32, #tpu.memory_space<vmem_shared>>
      tpu.enqueue_dma source(%arg8 : memref<128x128xf32, #tpu.memory_space<vmem>>) target(%dma_start3A_86 : memref<128x128xf32, #tpu.memory_space<vmem_shared>>) target_semaphore(%run_scoped3A : memref<!tpu.dma_semaphore, #tpu.memory_space<semaphore_mem>>)
      %dma_wait3A_87 = arith.constant 0 : i32
      %dma_wait3A_88 = tpu.memref_slice %arg16[%add3A_15, %dma_wait3A_87] : memref<10112x128xf32, #tpu.memory_space<vmem_shared>> -> memref<128x128xf32, #tpu.memory_space<vmem_shared>>
      %dma_wait3A_89 = arith.constant 0 : i32
      %dma_wait3A_90 = tpu.memref_slice %arg16[%add3A_15, %dma_wait3A_89] : memref<10112x128xf32, #tpu.memory_space<vmem_shared>> -> memref<128x128xf32, #tpu.memory_space<vmem_shared>>
      tpu.wait_dma2 semaphore(%run_scoped3A : memref<!tpu.dma_semaphore, #tpu.memory_space<semaphore_mem>>) src(%arg8 : memref<128x128xf32, #tpu.memory_space<vmem>>) dst(%dma_wait3A_90 : memref<128x128xf32, #tpu.memory_space<vmem_shared>>)
      tpu.yield
    }) : () -> ()
    %mul3A_16 = arith.constant 632 : i32
    %mul3A_17 = arith.muli %arg1, %mul3A_16 : i32
    %add3A_18 = arith.constant 384 : i32
    %add3A_19 = arith.addi %mul3A_17, %add3A_18 : i32
    "tpu.region"() ({
      %run_scoped3A = tpu.sem_alloc : memref<!tpu.dma_semaphore, #tpu.memory_space<semaphore_mem>>
      %dma_start3A_83 = arith.constant 0 : i32
      %dma_start3A_84 = tpu.memref_slice %arg16[%add3A_19, %dma_start3A_83] : memref<10112x128xf32, #tpu.memory_space<vmem_shared>> -> memref<128x128xf32, #tpu.memory_space<vmem_shared>>
      %dma_start3A_85 = arith.constant 0 : i32
      %dma_start3A_86 = tpu.memref_slice %arg16[%add3A_19, %dma_start3A_85] : memref<10112x128xf32, #tpu.memory_space<vmem_shared>> -> memref<128x128xf32, #tpu.memory_space<vmem_shared>>
      tpu.enqueue_dma source(%arg8 : memref<128x128xf32, #tpu.memory_space<vmem>>) target(%dma_start3A_86 : memref<128x128xf32, #tpu.memory_space<vmem_shared>>) target_semaphore(%run_scoped3A : memref<!tpu.dma_semaphore, #tpu.memory_space<semaphore_mem>>)
      %dma_wait3A_87 = arith.constant 0 : i32
      %dma_wait3A_88 = tpu.memref_slice %arg16[%add3A_19, %dma_wait3A_87] : memref<10112x128xf32, #tpu.memory_space<vmem_shared>> -> memref<128x128xf32, #tpu.memory_space<vmem_shared>>
      %dma_wait3A_89 = arith.constant 0 : i32
      %dma_wait3A_90 = tpu.memref_slice %arg16[%add3A_19, %dma_wait3A_89] : memref<10112x128xf32, #tpu.memory_space<vmem_shared>> -> memref<128x128xf32, #tpu.memory_space<vmem_shared>>
      tpu.wait_dma2 semaphore(%run_scoped3A : memref<!tpu.dma_semaphore, #tpu.memory_space<semaphore_mem>>) src(%arg8 : memref<128x128xf32, #tpu.memory_space<vmem>>) dst(%dma_wait3A_90 : memref<128x128xf32, #tpu.memory_space<vmem_shared>>)
      tpu.yield
    }) : () -> ()
    %mul3A_20 = arith.constant 632 : i32
    %mul3A_21 = arith.muli %arg1, %mul3A_20 : i32
    %add3A_22 = arith.constant 512 : i32
    %add3A_23 = arith.addi %mul3A_21, %add3A_22 : i32
    "tpu.region"() ({
      %run_scoped3A = tpu.sem_alloc : memref<!tpu.dma_semaphore, #tpu.memory_space<semaphore_mem>>
      %dma_start3A_83 = arith.constant 0 : i32
      %dma_start3A_84 = arith.constant 0 : i32
      %dma_start3A_85 = tpu.memref_slice %arg8[%dma_start3A_83, %dma_start3A_84] : memref<128x128xf32, #tpu.memory_space<vmem>> -> memref<120x128xf32, #tpu.memory_space<vmem>>
      %dma_start3A_86 = arith.constant 0 : i32
      %dma_start3A_87 = tpu.memref_slice %arg16[%add3A_23, %dma_start3A_86] : memref<10112x128xf32, #tpu.memory_space<vmem_shared>> -> memref<120x128xf32, #tpu.memory_space<vmem_shared>>
      %dma_start3A_88 = arith.constant 0 : i32
      %dma_start3A_89 = tpu.memref_slice %arg16[%add3A_23, %dma_start3A_88] : memref<10112x128xf32, #tpu.memory_space<vmem_shared>> -> memref<120x128xf32, #tpu.memory_space<vmem_shared>>
      %dma_start3A_90 = arith.constant 0 : i32
      %dma_start3A_91 = arith.constant 0 : i32
      %dma_start3A_92 = tpu.memref_slice %arg8[%dma_start3A_90, %dma_start3A_91] : memref<128x128xf32, #tpu.memory_space<vmem>> -> memref<120x128xf32, #tpu.memory_space<vmem>>
      tpu.enqueue_dma source(%dma_start3A_92 : memref<120x128xf32, #tpu.memory_space<vmem>>) target(%dma_start3A_89 : memref<120x128xf32, #tpu.memory_space<vmem_shared>>) target_semaphore(%run_scoped3A : memref<!tpu.dma_semaphore, #tpu.memory_space<semaphore_mem>>)
      %dma_wait3A_93 = arith.constant 0 : i32
      %dma_wait3A_94 = arith.constant 0 : i32
      %dma_wait3A_95 = tpu.memref_slice %arg8[%dma_wait3A_93, %dma_wait3A_94] : memref<128x128xf32, #tpu.memory_space<vmem>> -> memref<120x128xf32, #tpu.memory_space<vmem>>
      %dma_wait3A_96 = arith.constant 0 : i32
      %dma_wait3A_97 = tpu.memref_slice %arg16[%add3A_23, %dma_wait3A_96] : memref<10112x128xf32, #tpu.memory_space<vmem_shared>> -> memref<120x128xf32, #tpu.memory_space<vmem_shared>>
      %dma_wait3A_98 = arith.constant 0 : i32
      %dma_wait3A_99 = tpu.memref_slice %arg16[%add3A_23, %dma_wait3A_98] : memref<10112x128xf32, #tpu.memory_space<vmem_shared>> -> memref<120x128xf32, #tpu.memory_space<vmem_shared>>
      %dma_wait3A_100 = arith.constant 0 : i32
      %dma_wait3A_101 = arith.constant 0 : i32
      %dma_wait3A_102 = tpu.memref_slice %arg8[%dma_wait3A_100, %dma_wait3A_101] : memref<128x128xf32, #tpu.memory_space<vmem>> -> memref<120x128xf32, #tpu.memory_space<vmem>>
      tpu.wait_dma2 semaphore(%run_scoped3A : memref<!tpu.dma_semaphore, #tpu.memory_space<semaphore_mem>>) src(%dma_wait3A_102 : memref<120x128xf32, #tpu.memory_space<vmem>>) dst(%dma_wait3A_99 : memref<120x128xf32, #tpu.memory_space<vmem_shared>>)
      tpu.yield
    }) : () -> ()
    %barrier3A = arith.constant 0 : index
    tpu.barrier barrier_id(%barrier3A)
    %mul3A_24 = arith.constant 10240 : i32
    %mul3A_25 = arith.muli %arg1, %mul3A_24 : i32
    %add3A_26 = arith.constant 0 : i32
    %add3A_27 = arith.addi %mul3A_25, %add3A_26 : i32
    %dma_start3A = tpu.memref_slice %arg3[%arg0, %add3A_27] : memref<2x163840xi32, #tpu.memory_space<hbm>> -> memref<1x128xi32, #tpu.memory_space<hbm>>
    %dma_start3A_28 = tpu.memref_squeeze %dma_start3A : memref<1x128xi32, #tpu.memory_space<hbm>> -> memref<128xi32, #tpu.memory_space<hbm>>
    %dma_start3A_29 = tpu.memref_slice %arg3[%arg0, %add3A_27] : memref<2x163840xi32, #tpu.memory_space<hbm>> -> memref<1x128xi32, #tpu.memory_space<hbm>>
    %dma_start3A_30 = tpu.memref_squeeze %dma_start3A_29 : memref<1x128xi32, #tpu.memory_space<hbm>> -> memref<128xi32, #tpu.memory_space<hbm>>
    tpu.enqueue_dma source(%dma_start3A_30 : memref<128xi32, #tpu.memory_space<hbm>>) target(%arg6 : memref<128xi32, #tpu.memory_space<vmem>>) target_semaphore(%arg9 : memref<!tpu.dma_semaphore, #tpu.memory_space<semaphore_mem>>)
    %dma_start3A_31 = tpu.memref_slice %arg4[%add3A_27] : memref<163840xi32, #tpu.memory_space<hbm>> -> memref<128xi32, #tpu.memory_space<hbm>>
    %dma_start3A_32 = tpu.memref_slice %arg4[%add3A_27] : memref<163840xi32, #tpu.memory_space<hbm>> -> memref<128xi32, #tpu.memory_space<hbm>>
    tpu.enqueue_dma source(%dma_start3A_32 : memref<128xi32, #tpu.memory_space<hbm>>) target(%arg7 : memref<128xi32, #tpu.memory_space<vmem>>) target_semaphore(%arg9 : memref<!tpu.dma_semaphore, #tpu.memory_space<semaphore_mem>>)
    %dma_wait3A = arith.constant 0 : i32
    %dma_wait3A_33 = tpu.memref_slice %arg3[%arg0, %dma_wait3A] : memref<2x163840xi32, #tpu.memory_space<hbm>> -> memref<1x128xi32, #tpu.memory_space<hbm>>
    %dma_wait3A_34 = tpu.memref_squeeze %dma_wait3A_33 : memref<1x128xi32, #tpu.memory_space<hbm>> -> memref<128xi32, #tpu.memory_space<hbm>>
    %dma_wait3A_35 = arith.constant 0 : i32
    %dma_wait3A_36 = tpu.memref_slice %arg3[%arg0, %dma_wait3A_35] : memref<2x163840xi32, #tpu.memory_space<hbm>> -> memref<1x128xi32, #tpu.memory_space<hbm>>
    %dma_wait3A_37 = tpu.memref_squeeze %dma_wait3A_36 : memref<1x128xi32, #tpu.memory_space<hbm>> -> memref<128xi32, #tpu.memory_space<hbm>>
    tpu.wait_dma2 semaphore(%arg9 : memref<!tpu.dma_semaphore, #tpu.memory_space<semaphore_mem>>) src(%dma_wait3A_37 : memref<128xi32, #tpu.memory_space<hbm>>) dst(%arg6 : memref<128xi32, #tpu.memory_space<vmem>>)
    %dma_wait3A_38 = arith.constant 0 : i32
    %dma_wait3A_39 = tpu.memref_slice %arg4[%dma_wait3A_38] : memref<163840xi32, #tpu.memory_space<hbm>> -> memref<128xi32, #tpu.memory_space<hbm>>
    %dma_wait3A_40 = arith.constant 0 : i32
    %dma_wait3A_41 = tpu.memref_slice %arg4[%dma_wait3A_40] : memref<163840xi32, #tpu.memory_space<hbm>> -> memref<128xi32, #tpu.memory_space<hbm>>
    tpu.wait_dma2 semaphore(%arg9 : memref<!tpu.dma_semaphore, #tpu.memory_space<semaphore_mem>>) src(%dma_wait3A_41 : memref<128xi32, #tpu.memory_space<hbm>>) dst(%arg7 : memref<128xi32, #tpu.memory_space<vmem>>)
    %dma_start3A_42 = arith.constant 0 : i32
    %dma_start3A_43 = arith.constant 0 : i32
    %dma_start3A_44 = tpu.memref_slice %arg2[%dma_start3A_42, %dma_start3A_43] : memref<20000x128xf32, #tpu.memory_space<hbm>> -> memref<20000x128xf32, #tpu.memory_space<hbm>>
    tpu.enqueue_indirect_dma source(%dma_start3A_44 : memref<20000x128xf32, #tpu.memory_space<hbm>>) target(%arg8 : memref<128x128xf32, #tpu.memory_space<vmem>>) offsets(%arg6 : memref<128xi32, #tpu.memory_space<vmem>>) semaphore(%arg9 : memref<!tpu.dma_semaphore, #tpu.memory_space<semaphore_mem>>)
    %add3A_45 = arith.constant 128 : i32
    %add3A_46 = arith.addi %mul3A_25, %add3A_45 : i32
    %dma_start3A_47 = tpu.memref_slice %arg3[%arg0, %add3A_46] : memref<2x163840xi32, #tpu.memory_space<hbm>> -> memref<1x128xi32, #tpu.memory_space<hbm>>
    %dma_start3A_48 = tpu.memref_squeeze %dma_start3A_47 : memref<1x128xi32, #tpu.memory_space<hbm>> -> memref<128xi32, #tpu.memory_space<hbm>>
    %dma_start3A_49 = tpu.memref_slice %arg3[%arg0, %add3A_46] : memref<2x163840xi32, #tpu.memory_space<hbm>> -> memref<1x128xi32, #tpu.memory_space<hbm>>
    %dma_start3A_50 = tpu.memref_squeeze %dma_start3A_49 : memref<1x128xi32, #tpu.memory_space<hbm>> -> memref<128xi32, #tpu.memory_space<hbm>>
    tpu.enqueue_dma source(%dma_start3A_50 : memref<128xi32, #tpu.memory_space<hbm>>) target(%arg11 : memref<128xi32, #tpu.memory_space<vmem>>) target_semaphore(%arg14 : memref<!tpu.dma_semaphore, #tpu.memory_space<semaphore_mem>>)
    %dma_start3A_51 = tpu.memref_slice %arg4[%add3A_46] : memref<163840xi32, #tpu.memory_space<hbm>> -> memref<128xi32, #tpu.memory_space<hbm>>
    %dma_start3A_52 = tpu.memref_slice %arg4[%add3A_46] : memref<163840xi32, #tpu.memory_space<hbm>> -> memref<128xi32, #tpu.memory_space<hbm>>
    tpu.enqueue_dma source(%dma_start3A_52 : memref<128xi32, #tpu.memory_space<hbm>>) target(%arg12 : memref<128xi32, #tpu.memory_space<vmem>>) target_semaphore(%arg14 : memref<!tpu.dma_semaphore, #tpu.memory_space<semaphore_mem>>)
    %dma_wait3A_53 = arith.constant 0 : i32
    %dma_wait3A_54 = tpu.memref_slice %arg3[%arg0, %dma_wait3A_53] : memref<2x163840xi32, #tpu.memory_space<hbm>> -> memref<1x128xi32, #tpu.memory_space<hbm>>
    %dma_wait3A_55 = tpu.memref_squeeze %dma_wait3A_54 : memref<1x128xi32, #tpu.memory_space<hbm>> -> memref<128xi32, #tpu.memory_space<hbm>>
    %dma_wait3A_56 = arith.constant 0 : i32
    %dma_wait3A_57 = tpu.memref_slice %arg3[%arg0, %dma_wait3A_56] : memref<2x163840xi32, #tpu.memory_space<hbm>> -> memref<1x128xi32, #tpu.memory_space<hbm>>
    %dma_wait3A_58 = tpu.memref_squeeze %dma_wait3A_57 : memref<1x128xi32, #tpu.memory_space<hbm>> -> memref<128xi32, #tpu.memory_space<hbm>>
    tpu.wait_dma2 semaphore(%arg14 : memref<!tpu.dma_semaphore, #tpu.memory_space<semaphore_mem>>) src(%dma_wait3A_58 : memref<128xi32, #tpu.memory_space<hbm>>) dst(%arg11 : memref<128xi32, #tpu.memory_space<vmem>>)
    %dma_wait3A_59 = arith.constant 0 : i32
    %dma_wait3A_60 = tpu.memref_slice %arg4[%dma_wait3A_59] : memref<163840xi32, #tpu.memory_space<hbm>> -> memref<128xi32, #tpu.memory_space<hbm>>
    %dma_wait3A_61 = arith.constant 0 : i32
    %dma_wait3A_62 = tpu.memref_slice %arg4[%dma_wait3A_61] : memref<163840xi32, #tpu.memory_space<hbm>> -> memref<128xi32, #tpu.memory_space<hbm>>
    tpu.wait_dma2 semaphore(%arg14 : memref<!tpu.dma_semaphore, #tpu.memory_space<semaphore_mem>>) src(%dma_wait3A_62 : memref<128xi32, #tpu.memory_space<hbm>>) dst(%arg12 : memref<128xi32, #tpu.memory_space<vmem>>)
    %dma_start3A_63 = arith.constant 0 : i32
    %dma_start3A_64 = arith.constant 0 : i32
    %dma_start3A_65 = tpu.memref_slice %arg2[%dma_start3A_63, %dma_start3A_64] : memref<20000x128xf32, #tpu.memory_space<hbm>> -> memref<20000x128xf32, #tpu.memory_space<hbm>>
    tpu.enqueue_indirect_dma source(%dma_start3A_65 : memref<20000x128xf32, #tpu.memory_space<hbm>>) target(%arg13 : memref<128x128xf32, #tpu.memory_space<vmem>>) offsets(%arg11 : memref<128xi32, #tpu.memory_space<vmem>>) semaphore(%arg14 : memref<!tpu.dma_semaphore, #tpu.memory_space<semaphore_mem>>)
    %scan3A_66 = arith.constant 0 : i32
    %scan3A_67 = arith.constant 0 : i32
    %scan3A_68 = arith.constant 40 : i32
    %scan3A_69 = arith.addi %scan3A_67, %scan3A_68 : i32
    %scan3A_70 = arith.constant 1 : i32
    scf.for %scan3A_83 = %scan3A_67 to %scan3A_69 step %scan3A_70  : i32 {
      %mul3A_84 = arith.constant 2 : i32
      %mul3A_85 = arith.muli %mul3A_84, %scan3A_83 : i32
      %dma_wait3A_86 = arith.constant 0 : i32
      %dma_wait3A_87 = arith.constant 0 : i32
      %dma_wait3A_88 = tpu.memref_slice %arg2[%dma_wait3A_86, %dma_wait3A_87] : memref<20000x128xf32, #tpu.memory_space<hbm>> -> memref<20000x128xf32, #tpu.memory_space<hbm>>
      tpu.wait_indirect_dma semaphore(%arg9 : memref<!tpu.dma_semaphore, #tpu.memory_space<semaphore_mem>>) src(%dma_wait3A_88 : memref<20000x128xf32, #tpu.memory_space<hbm>>) dst(%arg8 : memref<128x128xf32, #tpu.memory_space<vmem>>)
      %dma_start3A_89 = arith.constant 0 : i32
      %dma_start3A_90 = arith.constant 0 : i32
      %dma_start3A_91 = tpu.memref_slice %arg16[%dma_start3A_89, %dma_start3A_90] : memref<10112x128xf32, #tpu.memory_space<vmem_shared>> -> memref<10112x128xf32, #tpu.memory_space<vmem_shared>>
      tpu.enqueue_indirect_dma source(%arg8 : memref<128x128xf32, #tpu.memory_space<vmem>>) target(%dma_start3A_91 : memref<10112x128xf32, #tpu.memory_space<vmem_shared>>) offsets(%arg7 : memref<128xi32, #tpu.memory_space<vmem>>) semaphore(%arg10 : memref<!tpu.dma_semaphore, #tpu.memory_space<semaphore_mem>>) {add = true}
      %dma_wait3A_92 = arith.constant 0 : i32
      %dma_wait3A_93 = arith.constant 0 : i32
      %dma_wait3A_94 = tpu.memref_slice %arg2[%dma_wait3A_92, %dma_wait3A_93] : memref<20000x128xf32, #tpu.memory_space<hbm>> -> memref<20000x128xf32, #tpu.memory_space<hbm>>
      tpu.wait_indirect_dma semaphore(%arg14 : memref<!tpu.dma_semaphore, #tpu.memory_space<semaphore_mem>>) src(%dma_wait3A_94 : memref<20000x128xf32, #tpu.memory_space<hbm>>) dst(%arg13 : memref<128x128xf32, #tpu.memory_space<vmem>>)
      %dma_start3A_95 = arith.constant 0 : i32
      %dma_start3A_96 = arith.constant 0 : i32
      %dma_start3A_97 = tpu.memref_slice %arg16[%dma_start3A_95, %dma_start3A_96] : memref<10112x128xf32, #tpu.memory_space<vmem_shared>> -> memref<10112x128xf32, #tpu.memory_space<vmem_shared>>
      tpu.enqueue_indirect_dma source(%arg13 : memref<128x128xf32, #tpu.memory_space<vmem>>) target(%dma_start3A_97 : memref<10112x128xf32, #tpu.memory_space<vmem_shared>>) offsets(%arg12 : memref<128xi32, #tpu.memory_space<vmem>>) semaphore(%arg15 : memref<!tpu.dma_semaphore, #tpu.memory_space<semaphore_mem>>) {add = true}
      %add3A_98 = arith.constant 2 : i32
      %add3A_99 = arith.addi %mul3A_85, %add3A_98 : i32
      %lt3A = arith.constant 80 : i32
      %lt3A_100 = arith.cmpi slt, %add3A_99, %lt3A : i32
      %convert_element_type3A = arith.extui %lt3A_100 : i1 to i32
      %cond3A = arith.constant 0 : i32
      %cond3A_101 = arith.cmpi ne, %convert_element_type3A, %cond3A : i32
      scf.if %cond3A_101 {
        %dma_wait3A_109 = arith.constant 0 : i32
        %dma_wait3A_110 = arith.constant 0 : i32
        %dma_wait3A_111 = tpu.memref_slice %arg16[%dma_wait3A_109, %dma_wait3A_110] : memref<10112x128xf32, #tpu.memory_space<vmem_shared>> -> memref<10112x128xf32, #tpu.memory_space<vmem_shared>>
        tpu.wait_indirect_dma semaphore(%arg10 : memref<!tpu.dma_semaphore, #tpu.memory_space<semaphore_mem>>) src(%arg8 : memref<128x128xf32, #tpu.memory_space<vmem>>) dst(%dma_wait3A_111 : memref<10112x128xf32, #tpu.memory_space<vmem_shared>>)
        %add3A_112 = arith.constant 2 : i32
        %add3A_113 = arith.addi %mul3A_85, %add3A_112 : i32
        %mul3A_114 = arith.constant 128 : i32
        %mul3A_115 = arith.muli %add3A_113, %mul3A_114 : i32
        %add3A_116 = arith.addi %mul3A_25, %mul3A_115 : i32
        %dma_start3A_117 = tpu.memref_slice %arg3[%arg0, %add3A_116] : memref<2x163840xi32, #tpu.memory_space<hbm>> -> memref<1x128xi32, #tpu.memory_space<hbm>>
        %dma_start3A_118 = tpu.memref_squeeze %dma_start3A_117 : memref<1x128xi32, #tpu.memory_space<hbm>> -> memref<128xi32, #tpu.memory_space<hbm>>
        %dma_start3A_119 = tpu.memref_slice %arg3[%arg0, %add3A_116] : memref<2x163840xi32, #tpu.memory_space<hbm>> -> memref<1x128xi32, #tpu.memory_space<hbm>>
        %dma_start3A_120 = tpu.memref_squeeze %dma_start3A_119 : memref<1x128xi32, #tpu.memory_space<hbm>> -> memref<128xi32, #tpu.memory_space<hbm>>
        tpu.enqueue_dma source(%dma_start3A_120 : memref<128xi32, #tpu.memory_space<hbm>>) target(%arg6 : memref<128xi32, #tpu.memory_space<vmem>>) target_semaphore(%arg9 : memref<!tpu.dma_semaphore, #tpu.memory_space<semaphore_mem>>)
        %dma_start3A_121 = tpu.memref_slice %arg4[%add3A_116] : memref<163840xi32, #tpu.memory_space<hbm>> -> memref<128xi32, #tpu.memory_space<hbm>>
        %dma_start3A_122 = tpu.memref_slice %arg4[%add3A_116] : memref<163840xi32, #tpu.memory_space<hbm>> -> memref<128xi32, #tpu.memory_space<hbm>>
        tpu.enqueue_dma source(%dma_start3A_122 : memref<128xi32, #tpu.memory_space<hbm>>) target(%arg7 : memref<128xi32, #tpu.memory_space<vmem>>) target_semaphore(%arg9 : memref<!tpu.dma_semaphore, #tpu.memory_space<semaphore_mem>>)
        %dma_wait3A_123 = arith.constant 0 : i32
        %dma_wait3A_124 = tpu.memref_slice %arg3[%arg0, %dma_wait3A_123] : memref<2x163840xi32, #tpu.memory_space<hbm>> -> memref<1x128xi32, #tpu.memory_space<hbm>>
        %dma_wait3A_125 = tpu.memref_squeeze %dma_wait3A_124 : memref<1x128xi32, #tpu.memory_space<hbm>> -> memref<128xi32, #tpu.memory_space<hbm>>
        %dma_wait3A_126 = arith.constant 0 : i32
        %dma_wait3A_127 = tpu.memref_slice %arg3[%arg0, %dma_wait3A_126] : memref<2x163840xi32, #tpu.memory_space<hbm>> -> memref<1x128xi32, #tpu.memory_space<hbm>>
        %dma_wait3A_128 = tpu.memref_squeeze %dma_wait3A_127 : memref<1x128xi32, #tpu.memory_space<hbm>> -> memref<128xi32, #tpu.memory_space<hbm>>
        tpu.wait_dma2 semaphore(%arg9 : memref<!tpu.dma_semaphore, #tpu.memory_space<semaphore_mem>>) src(%dma_wait3A_128 : memref<128xi32, #tpu.memory_space<hbm>>) dst(%arg6 : memref<128xi32, #tpu.memory_space<vmem>>)
        %dma_wait3A_129 = arith.constant 0 : i32
        %dma_wait3A_130 = tpu.memref_slice %arg4[%dma_wait3A_129] : memref<163840xi32, #tpu.memory_space<hbm>> -> memref<128xi32, #tpu.memory_space<hbm>>
        %dma_wait3A_131 = arith.constant 0 : i32
        %dma_wait3A_132 = tpu.memref_slice %arg4[%dma_wait3A_131] : memref<163840xi32, #tpu.memory_space<hbm>> -> memref<128xi32, #tpu.memory_space<hbm>>
        tpu.wait_dma2 semaphore(%arg9 : memref<!tpu.dma_semaphore, #tpu.memory_space<semaphore_mem>>) src(%dma_wait3A_132 : memref<128xi32, #tpu.memory_space<hbm>>) dst(%arg7 : memref<128xi32, #tpu.memory_space<vmem>>)
        %dma_start3A_133 = arith.constant 0 : i32
        %dma_start3A_134 = arith.constant 0 : i32
        %dma_start3A_135 = tpu.memref_slice %arg2[%dma_start3A_133, %dma_start3A_134] : memref<20000x128xf32, #tpu.memory_space<hbm>> -> memref<20000x128xf32, #tpu.memory_space<hbm>>
        tpu.enqueue_indirect_dma source(%dma_start3A_135 : memref<20000x128xf32, #tpu.memory_space<hbm>>) target(%arg8 : memref<128x128xf32, #tpu.memory_space<vmem>>) offsets(%arg6 : memref<128xi32, #tpu.memory_space<vmem>>) semaphore(%arg9 : memref<!tpu.dma_semaphore, #tpu.memory_space<semaphore_mem>>)
      } else {
      }
      %add3A_102 = arith.constant 3 : i32
      %add3A_103 = arith.addi %mul3A_85, %add3A_102 : i32
      %lt3A_104 = arith.constant 80 : i32
      %lt3A_105 = arith.cmpi slt, %add3A_103, %lt3A_104 : i32
      %convert_element_type3A_106 = arith.extui %lt3A_105 : i1 to i32
      %cond3A_107 = arith.constant 0 : i32
      %cond3A_108 = arith.cmpi ne, %convert_element_type3A_106, %cond3A_107 : i32
      scf.if %cond3A_108 {
        %dma_wait3A_109 = arith.constant 0 : i32
        %dma_wait3A_110 = arith.constant 0 : i32
        %dma_wait3A_111 = tpu.memref_slice %arg16[%dma_wait3A_109, %dma_wait3A_110] : memref<10112x128xf32, #tpu.memory_space<vmem_shared>> -> memref<10112x128xf32, #tpu.memory_space<vmem_shared>>
        tpu.wait_indirect_dma semaphore(%arg15 : memref<!tpu.dma_semaphore, #tpu.memory_space<semaphore_mem>>) src(%arg13 : memref<128x128xf32, #tpu.memory_space<vmem>>) dst(%dma_wait3A_111 : memref<10112x128xf32, #tpu.memory_space<vmem_shared>>)
        %add3A_112 = arith.constant 3 : i32
        %add3A_113 = arith.addi %mul3A_85, %add3A_112 : i32
        %mul3A_114 = arith.constant 128 : i32
        %mul3A_115 = arith.muli %add3A_113, %mul3A_114 : i32
        %add3A_116 = arith.addi %mul3A_25, %mul3A_115 : i32
        %dma_start3A_117 = tpu.memref_slice %arg3[%arg0, %add3A_116] : memref<2x163840xi32, #tpu.memory_space<hbm>> -> memref<1x128xi32, #tpu.memory_space<hbm>>
        %dma_start3A_118 = tpu.memref_squeeze %dma_start3A_117 : memref<1x128xi32, #tpu.memory_space<hbm>> -> memref<128xi32, #tpu.memory_space<hbm>>
        %dma_start3A_119 = tpu.memref_slice %arg3[%arg0, %add3A_116] : memref<2x163840xi32, #tpu.memory_space<hbm>> -> memref<1x128xi32, #tpu.memory_space<hbm>>
        %dma_start3A_120 = tpu.memref_squeeze %dma_start3A_119 : memref<1x128xi32, #tpu.memory_space<hbm>> -> memref<128xi32, #tpu.memory_space<hbm>>
        tpu.enqueue_dma source(%dma_start3A_120 : memref<128xi32, #tpu.memory_space<hbm>>) target(%arg11 : memref<128xi32, #tpu.memory_space<vmem>>) target_semaphore(%arg14 : memref<!tpu.dma_semaphore, #tpu.memory_space<semaphore_mem>>)
        %dma_start3A_121 = tpu.memref_slice %arg4[%add3A_116] : memref<163840xi32, #tpu.memory_space<hbm>> -> memref<128xi32, #tpu.memory_space<hbm>>
        %dma_start3A_122 = tpu.memref_slice %arg4[%add3A_116] : memref<163840xi32, #tpu.memory_space<hbm>> -> memref<128xi32, #tpu.memory_space<hbm>>
        tpu.enqueue_dma source(%dma_start3A_122 : memref<128xi32, #tpu.memory_space<hbm>>) target(%arg12 : memref<128xi32, #tpu.memory_space<vmem>>) target_semaphore(%arg14 : memref<!tpu.dma_semaphore, #tpu.memory_space<semaphore_mem>>)
        %dma_wait3A_123 = arith.constant 0 : i32
        %dma_wait3A_124 = tpu.memref_slice %arg3[%arg0, %dma_wait3A_123] : memref<2x163840xi32, #tpu.memory_space<hbm>> -> memref<1x128xi32, #tpu.memory_space<hbm>>
        %dma_wait3A_125 = tpu.memref_squeeze %dma_wait3A_124 : memref<1x128xi32, #tpu.memory_space<hbm>> -> memref<128xi32, #tpu.memory_space<hbm>>
        %dma_wait3A_126 = arith.constant 0 : i32
        %dma_wait3A_127 = tpu.memref_slice %arg3[%arg0, %dma_wait3A_126] : memref<2x163840xi32, #tpu.memory_space<hbm>> -> memref<1x128xi32, #tpu.memory_space<hbm>>
        %dma_wait3A_128 = tpu.memref_squeeze %dma_wait3A_127 : memref<1x128xi32, #tpu.memory_space<hbm>> -> memref<128xi32, #tpu.memory_space<hbm>>
        tpu.wait_dma2 semaphore(%arg14 : memref<!tpu.dma_semaphore, #tpu.memory_space<semaphore_mem>>) src(%dma_wait3A_128 : memref<128xi32, #tpu.memory_space<hbm>>) dst(%arg11 : memref<128xi32, #tpu.memory_space<vmem>>)
        %dma_wait3A_129 = arith.constant 0 : i32
        %dma_wait3A_130 = tpu.memref_slice %arg4[%dma_wait3A_129] : memref<163840xi32, #tpu.memory_space<hbm>> -> memref<128xi32, #tpu.memory_space<hbm>>
        %dma_wait3A_131 = arith.constant 0 : i32
        %dma_wait3A_132 = tpu.memref_slice %arg4[%dma_wait3A_131] : memref<163840xi32, #tpu.memory_space<hbm>> -> memref<128xi32, #tpu.memory_space<hbm>>
        tpu.wait_dma2 semaphore(%arg14 : memref<!tpu.dma_semaphore, #tpu.memory_space<semaphore_mem>>) src(%dma_wait3A_132 : memref<128xi32, #tpu.memory_space<hbm>>) dst(%arg12 : memref<128xi32, #tpu.memory_space<vmem>>)
        %dma_start3A_133 = arith.constant 0 : i32
        %dma_start3A_134 = arith.constant 0 : i32
        %dma_start3A_135 = tpu.memref_slice %arg2[%dma_start3A_133, %dma_start3A_134] : memref<20000x128xf32, #tpu.memory_space<hbm>> -> memref<20000x128xf32, #tpu.memory_space<hbm>>
        tpu.enqueue_indirect_dma source(%dma_start3A_135 : memref<20000x128xf32, #tpu.memory_space<hbm>>) target(%arg13 : memref<128x128xf32, #tpu.memory_space<vmem>>) offsets(%arg11 : memref<128xi32, #tpu.memory_space<vmem>>) semaphore(%arg14 : memref<!tpu.dma_semaphore, #tpu.memory_space<semaphore_mem>>)
      } else {
      }
    }
    %scan3A_71 = arith.constant 40 : i32
    %dma_wait3A_72 = arith.constant 0 : i32
    %dma_wait3A_73 = arith.constant 0 : i32
    %dma_wait3A_74 = tpu.memref_slice %arg16[%dma_wait3A_72, %dma_wait3A_73] : memref<10112x128xf32, #tpu.memory_space<vmem_shared>> -> memref<10112x128xf32, #tpu.memory_space<vmem_shared>>
    tpu.wait_indirect_dma semaphore(%arg10 : memref<!tpu.dma_semaphore, #tpu.memory_space<semaphore_mem>>) src(%arg8 : memref<128x128xf32, #tpu.memory_space<vmem>>) dst(%dma_wait3A_74 : memref<10112x128xf32, #tpu.memory_space<vmem_shared>>)
    %dma_wait3A_75 = arith.constant 0 : i32
    %dma_wait3A_76 = arith.constant 0 : i32
    %dma_wait3A_77 = tpu.memref_slice %arg16[%dma_wait3A_75, %dma_wait3A_76] : memref<10112x128xf32, #tpu.memory_space<vmem_shared>> -> memref<10112x128xf32, #tpu.memory_space<vmem_shared>>
    tpu.wait_indirect_dma semaphore(%arg15 : memref<!tpu.dma_semaphore, #tpu.memory_space<semaphore_mem>>) src(%arg13 : memref<128x128xf32, #tpu.memory_space<vmem>>) dst(%dma_wait3A_77 : memref<10112x128xf32, #tpu.memory_space<vmem_shared>>)
    %barrier3A_78 = arith.constant 0 : index
    tpu.barrier barrier_id(%barrier3A_78)
    %mul3A_79 = arith.constant 632 : i32
    %mul3A_80 = arith.muli %arg1, %mul3A_79 : i32
    %mul3A_81 = arith.constant 632 : i32
    %mul3A_82 = arith.muli %arg1, %mul3A_81 : i32
    "tpu.region"() ({
      %run_scoped3A = tpu.sem_alloc : memref<!tpu.dma_semaphore, #tpu.memory_space<semaphore_mem>>
      %dma_start3A_83 = arith.constant 0 : i32
      %dma_start3A_84 = tpu.memref_slice %arg5[%arg0, %mul3A_82, %dma_start3A_83] : memref<2x10112x128xf32, #tpu.memory_space<hbm>> -> memref<1x632x128xf32, #tpu.memory_space<hbm>>
      %dma_start3A_85 = tpu.memref_squeeze %dma_start3A_84 : memref<1x632x128xf32, #tpu.memory_space<hbm>> -> memref<632x128xf32, #tpu.memory_space<hbm>>
      %dma_start3A_86 = arith.constant 0 : i32
      %dma_start3A_87 = tpu.memref_slice %arg16[%mul3A_80, %dma_start3A_86] : memref<10112x128xf32, #tpu.memory_space<vmem_shared>> -> memref<632x128xf32, #tpu.memory_space<vmem_shared>>
      tpu.enqueue_dma source(%dma_start3A_87 : memref<632x128xf32, #tpu.memory_space<vmem_shared>>) target(%dma_start3A_85 : memref<632x128xf32, #tpu.memory_space<hbm>>) target_semaphore(%run_scoped3A : memref<!tpu.dma_semaphore, #tpu.memory_space<semaphore_mem>>)
      %dma_wait3A_88 = arith.constant 0 : i32
      %dma_wait3A_89 = tpu.memref_slice %arg5[%arg0, %mul3A_82, %dma_wait3A_88] : memref<2x10112x128xf32, #tpu.memory_space<hbm>> -> memref<1x632x128xf32, #tpu.memory_space<hbm>>
      %dma_wait3A_90 = tpu.memref_squeeze %dma_wait3A_89 : memref<1x632x128xf32, #tpu.memory_space<hbm>> -> memref<632x128xf32, #tpu.memory_space<hbm>>
      %dma_wait3A_91 = arith.constant 0 : i32
      %dma_wait3A_92 = tpu.memref_slice %arg16[%mul3A_80, %dma_wait3A_91] : memref<10112x128xf32, #tpu.memory_space<vmem_shared>> -> memref<632x128xf32, #tpu.memory_space<vmem_shared>>
      tpu.wait_dma2 semaphore(%run_scoped3A : memref<!tpu.dma_semaphore, #tpu.memory_space<semaphore_mem>>) src(%dma_wait3A_92 : memref<632x128xf32, #tpu.memory_space<vmem_shared>>) dst(%dma_wait3A_90 : memref<632x128xf32, #tpu.memory_space<hbm>>)
      tpu.yield
    }) : () -> ()
    return
  }
}

#map = affine_map<(d0, d1) -> (0, 0)>
#map1 = affine_map<(d0, d1) -> (0)>
#map2 = affine_map<(d0, d1) -> (0, 0, 0)>
module attributes {stable_mosaic.version = 14 : i64} {
  func.func @body(%arg0: i32, %arg1: i32, %arg2: memref<20000x128xf32, #tpu.memory_space<hbm>>, %arg3: memref<2x163840xi32, #tpu.memory_space<hbm>>, %arg4: memref<163840xi32, #tpu.memory_space<hbm>>, %arg5: memref<2x10112x128xf32, #tpu.memory_space<hbm>>, %arg6: memref<128xi32, #tpu.memory_space<vmem>>, %arg7: memref<128xi32, #tpu.memory_space<vmem>>, %arg8: memref<128x128xf32, #tpu.memory_space<vmem>>, %arg9: memref<!tpu.dma_semaphore, #tpu.memory_space<semaphore_mem>>, %arg10: memref<!tpu.dma_semaphore, #tpu.memory_space<semaphore_mem>>, %arg11: memref<128xi32, #tpu.memory_space<vmem>>, %arg12: memref<128xi32, #tpu.memory_space<vmem>>, %arg13: memref<128x128xf32, #tpu.memory_space<vmem>>, %arg14: memref<!tpu.dma_semaphore, #tpu.memory_space<semaphore_mem>>, %arg15: memref<!tpu.dma_semaphore, #tpu.memory_space<semaphore_mem>>, %arg16: memref<10112x128xf32, #tpu.memory_space<vmem_shared>>) attributes {dimension_semantics = [#tpu.dimension_semantics<core_parallel>, #tpu.dimension_semantics<subcore_parallel>], iteration_bounds = array<i64: 2, 16>, scalar_prefetch = 0 : i64, scratch_operands = 11 : i64, tpu.core_type = #tpu.core_type<sc_vector_subcore>, window_params = [{transform_indices = #map}, {transform_indices = #map}, {transform_indices = #map1}, {transform_indices = #map2}]} {
    %broadcast_in_dim3A = arith.constant 0.000000e+00 : f32
    %broadcast_in_dim3A_0 = vector.broadcast %broadcast_in_dim3A : f32 to vector<16xf32>
    %scan3A = arith.constant 0 : i32
    %scan3A_1 = arith.constant 0 : i32
    %scan3A_2 = arith.constant 128 : i32
    %scan3A_3 = arith.addi %scan3A_1, %scan3A_2 : i32
    %scan3A_4 = arith.constant 1 : i32
    scf.for %scan3A_83 = %scan3A_1 to %scan3A_3 step %scan3A_4  : i32 {
      %swap3A = arith.index_cast %scan3A_83 : i32 to index
      %swap3A_84 = arith.constant 0 : index
      %swap3A_85 = tpu.vector_load %arg8[%swap3A, %swap3A_84] {strides = array<i32>} : memref<128x128xf32, #tpu.memory_space<vmem>>, vector<1x16xf32>,
      %swap3A_86 = vector.shape_cast %swap3A_85 : vector<1x16xf32> to vector<16xf32>
      %swap3A_87 = vector.shape_cast %broadcast_in_dim3A_0 : vector<16xf32> to vector<1x16xf32>
      tpu.vector_store %arg8[%swap3A, %swap3A_84], %swap3A_87 {strides = array<i32>} : memref<128x128xf32, #tpu.memory_space<vmem>>, vector<1x16xf32>,
      %swap3A_88 = arith.index_cast %scan3A_83 : i32 to index
      %swap3A_89 = arith.constant 16 : index
      %swap3A_90 = tpu.vector_load %arg8[%swap3A_88, %swap3A_89] {strides = array<i32>} : memref<128x128xf32, #tpu.memory_space<vmem>>, vector<1x16xf32>,
      %swap3A_91 = vector.shape_cast %swap3A_90 : vector<1x16xf32> to vector<16xf32>
      %swap3A_92 = vector.shape_cast %broadcast_in_dim3A_0 : vector<16xf32> to vector<1x16xf32>
      tpu.vector_store %arg8[%swap3A_88, %swap3A_89], %swap3A_92 {strides = array<i32>} : memref<128x128xf32, #tpu.memory_space<vmem>>, vector<1x16xf32>,
      %swap3A_93 = arith.index_cast %scan3A_83 : i32 to index
      %swap3A_94 = arith.constant 32 : index
      %swap3A_95 = tpu.vector_load %arg8[%swap3A_93, %swap3A_94] {strides = array<i32>} : memref<128x128xf32, #tpu.memory_space<vmem>>, vector<1x16xf32>,
      %swap3A_96 = vector.shape_cast %swap3A_95 : vector<1x16xf32> to vector<16xf32>
      %swap3A_97 = vector.shape_cast %broadcast_in_dim3A_0 : vector<16xf32> to vector<1x16xf32>
      tpu.vector_store %arg8[%swap3A_93, %swap3A_94], %swap3A_97 {strides = array<i32>} : memref<128x128xf32, #tpu.memory_space<vmem>>, vector<1x16xf32>,
      %swap3A_98 = arith.index_cast %scan3A_83 : i32 to index
      %swap3A_99 = arith.constant 48 : index
      %swap3A_100 = tpu.vector_load %arg8[%swap3A_98, %swap3A_99] {strides = array<i32>} : memref<128x128xf32, #tpu.memory_space<vmem>>, vector<1x16xf32>,
      %swap3A_101 = vector.shape_cast %swap3A_100 : vector<1x16xf32> to vector<16xf32>
      %swap3A_102 = vector.shape_cast %broadcast_in_dim3A_0 : vector<16xf32> to vector<1x16xf32>
      tpu.vector_store %arg8[%swap3A_98, %swap3A_99], %swap3A_102 {strides = array<i32>} : memref<128x128xf32, #tpu.memory_space<vmem>>, vector<1x16xf32>,
      %swap3A_103 = arith.index_cast %scan3A_83 : i32 to index
      %swap3A_104 = arith.constant 64 : index
      %swap3A_105 = tpu.vector_load %arg8[%swap3A_103, %swap3A_104] {strides = array<i32>} : memref<128x128xf32, #tpu.memory_space<vmem>>, vector<1x16xf32>,
      %swap3A_106 = vector.shape_cast %swap3A_105 : vector<1x16xf32> to vector<16xf32>
      %swap3A_107 = vector.shape_cast %broadcast_in_dim3A_0 : vector<16xf32> to vector<1x16xf32>
      tpu.vector_store %arg8[%swap3A_103, %swap3A_104], %swap3A_107 {strides = array<i32>} : memref<128x128xf32, #tpu.memory_space<vmem>>, vector<1x16xf32>,
      %swap3A_108 = arith.index_cast %scan3A_83 : i32 to index
      %swap3A_109 = arith.constant 80 : index
      %swap3A_110 = tpu.vector_load %arg8[%swap3A_108, %swap3A_109] {strides = array<i32>} : memref<128x128xf32, #tpu.memory_space<vmem>>, vector<1x16xf32>,
      %swap3A_111 = vector.shape_cast %swap3A_110 : vector<1x16xf32> to vector<16xf32>
      %swap3A_112 = vector.shape_cast %broadcast_in_dim3A_0 : vector<16xf32> to vector<1x16xf32>
      tpu.vector_store %arg8[%swap3A_108, %swap3A_109], %swap3A_112 {strides = array<i32>} : memref<128x128xf32, #tpu.memory_space<vmem>>, vector<1x16xf32>,
      %swap3A_113 = arith.index_cast %scan3A_83 : i32 to index
      %swap3A_114 = arith.constant 96 : index
      %swap3A_115 = tpu.vector_load %arg8[%swap3A_113, %swap3A_114] {strides = array<i32>} : memref<128x128xf32, #tpu.memory_space<vmem>>, vector<1x16xf32>,
      %swap3A_116 = vector.shape_cast %swap3A_115 : vector<1x16xf32> to vector<16xf32>
      %swap3A_117 = vector.shape_cast %broadcast_in_dim3A_0 : vector<16xf32> to vector<1x16xf32>
      tpu.vector_store %arg8[%swap3A_113, %swap3A_114], %swap3A_117 {strides = array<i32>} : memref<128x128xf32, #tpu.memory_space<vmem>>, vector<1x16xf32>,
      %swap3A_118 = arith.index_cast %scan3A_83 : i32 to index
      %swap3A_119 = arith.constant 112 : index
      %swap3A_120 = tpu.vector_load %arg8[%swap3A_118, %swap3A_119] {strides = array<i32>} : memref<128x128xf32, #tpu.memory_space<vmem>>, vector<1x16xf32>,
      %swap3A_121 = vector.shape_cast %swap3A_120 : vector<1x16xf32> to vector<16xf32>
      %swap3A_122 = vector.shape_cast %broadcast_in_dim3A_0 : vector<16xf32> to vector<1x16xf32>
      tpu.vector_store %arg8[%swap3A_118, %swap3A_119], %swap3A_122 {strides = array<i32>} : memref<128x128xf32, #tpu.memory_space<vmem>>, vector<1x16xf32>,
    }
    %scan3A_5 = arith.constant 128 : i32
    %mul3A = arith.constant 632 : i32
    %mul3A_6 = arith.muli %arg1, %mul3A : i32
    %add3A = arith.constant 0 : i32
    %add3A_7 = arith.addi %mul3A_6, %add3A : i32
    "tpu.region"() ({
      %run_scoped3A = tpu.sem_alloc : memref<!tpu.dma_semaphore, #tpu.memory_space<semaphore_mem>>
      %dma_start3A_83 = arith.constant 0 : i32
      %dma_start3A_84 = tpu.memref_slice %arg16[%add3A_7, %dma_start3A_83] : memref<10112x128xf32, #tpu.memory_space<vmem_shared>> -> memref<128x128xf32, #tpu.memory_space<vmem_shared>>
      %dma_start3A_85 = arith.constant 0 : i32
      %dma_start3A_86 = tpu.memref_slice %arg16[%add3A_7, %dma_start3A_85] : memref<10112x128xf32, #tpu.memory_space<vmem_shared>> -> memref<128x128xf32, #tpu.memory_space<vmem_shared>>
      tpu.enqueue_dma source(%arg8 : memref<128x128xf32, #tpu.memory_space<vmem>>) target(%dma_start3A_86 : memref<128x128xf32, #tpu.memory_space<vmem_shared>>) target_semaphore(%run_scoped3A : memref<!tpu.dma_semaphore, #tpu.memory_space<semaphore_mem>>)
      %dma_wait3A_87 = arith.constant 0 : i32
      %dma_wait3A_88 = tpu.memref_slice %arg16[%add3A_7, %dma_wait3A_87] : memref<10112x128xf32, #tpu.memory_space<vmem_shared>> -> memref<128x128xf32, #tpu.memory_space<vmem_shared>>
      %dma_wait3A_89 = arith.constant 0 : i32
      %dma_wait3A_90 = tpu.memref_slice %arg16[%add3A_7, %dma_wait3A_89] : memref<10112x128xf32, #tpu.memory_space<vmem_shared>> -> memref<128x128xf32, #tpu.memory_space<vmem_shared>>
      tpu.wait_dma2 semaphore(%run_scoped3A : memref<!tpu.dma_semaphore, #tpu.memory_space<semaphore_mem>>) src(%arg8 : memref<128x128xf32, #tpu.memory_space<vmem>>) dst(%dma_wait3A_90 : memref<128x128xf32, #tpu.memory_space<vmem_shared>>)
      tpu.yield
    }) : () -> ()
    %mul3A_8 = arith.constant 632 : i32
    %mul3A_9 = arith.muli %arg1, %mul3A_8 : i32
    %add3A_10 = arith.constant 128 : i32
    %add3A_11 = arith.addi %mul3A_9, %add3A_10 : i32
    "tpu.region"() ({
      %run_scoped3A = tpu.sem_alloc : memref<!tpu.dma_semaphore, #tpu.memory_space<semaphore_mem>>
      %dma_start3A_83 = arith.constant 0 : i32
      %dma_start3A_84 = tpu.memref_slice %arg16[%add3A_11, %dma_start3A_83] : memref<10112x128xf32, #tpu.memory_space<vmem_shared>> -> memref<128x128xf32, #tpu.memory_space<vmem_shared>>
      %dma_start3A_85 = arith.constant 0 : i32
      %dma_start3A_86 = tpu.memref_slice %arg16[%add3A_11, %dma_start3A_85] : memref<10112x128xf32, #tpu.memory_space<vmem_shared>> -> memref<128x128xf32, #tpu.memory_space<vmem_shared>>
      tpu.enqueue_dma source(%arg8 : memref<128x128xf32, #tpu.memory_space<vmem>>) target(%dma_start3A_86 : memref<128x128xf32, #tpu.memory_space<vmem_shared>>) target_semaphore(%run_scoped3A : memref<!tpu.dma_semaphore, #tpu.memory_space<semaphore_mem>>)
      %dma_wait3A_87 = arith.constant 0 : i32
      %dma_wait3A_88 = tpu.memref_slice %arg16[%add3A_11, %dma_wait3A_87] : memref<10112x128xf32, #tpu.memory_space<vmem_shared>> -> memref<128x128xf32, #tpu.memory_space<vmem_shared>>
      %dma_wait3A_89 = arith.constant 0 : i32
      %dma_wait3A_90 = tpu.memref_slice %arg16[%add3A_11, %dma_wait3A_89] : memref<10112x128xf32, #tpu.memory_space<vmem_shared>> -> memref<128x128xf32, #tpu.memory_space<vmem_shared>>
      tpu.wait_dma2 semaphore(%run_scoped3A : memref<!tpu.dma_semaphore, #tpu.memory_space<semaphore_mem>>) src(%arg8 : memref<128x128xf32, #tpu.memory_space<vmem>>) dst(%dma_wait3A_90 : memref<128x128xf32, #tpu.memory_space<vmem_shared>>)
      tpu.yield
    }) : () -> ()
    %mul3A_12 = arith.constant 632 : i32
    %mul3A_13 = arith.muli %arg1, %mul3A_12 : i32
    %add3A_14 = arith.constant 256 : i32
    %add3A_15 = arith.addi %mul3A_13, %add3A_14 : i32
    "tpu.region"() ({
      %run_scoped3A = tpu.sem_alloc : memref<!tpu.dma_semaphore, #tpu.memory_space<semaphore_mem>>
      %dma_start3A_83 = arith.constant 0 : i32
      %dma_start3A_84 = tpu.memref_slice %arg16[%add3A_15, %dma_start3A_83] : memref<10112x128xf32, #tpu.memory_space<vmem_shared>> -> memref<128x128xf32, #tpu.memory_space<vmem_shared>>
      %dma_start3A_85 = arith.constant 0 : i32
      %dma_start3A_86 = tpu.memref_slice %arg16[%add3A_15, %dma_start3A_85] : memref<10112x128xf32, #tpu.memory_space<vmem_shared>> -> memref<128x128xf32, #tpu.memory_space<vmem_shared>>
      tpu.enqueue_dma source(%arg8 : memref<128x128xf32, #tpu.memory_space<vmem>>) target(%dma_start3A_86 : memref<128x128xf32, #tpu.memory_space<vmem_shared>>) target_semaphore(%run_scoped3A : memref<!tpu.dma_semaphore, #tpu.memory_space<semaphore_mem>>)
      %dma_wait3A_87 = arith.constant 0 : i32
      %dma_wait3A_88 = tpu.memref_slice %arg16[%add3A_15, %dma_wait3A_87] : memref<10112x128xf32, #tpu.memory_space<vmem_shared>> -> memref<128x128xf32, #tpu.memory_space<vmem_shared>>
      %dma_wait3A_89 = arith.constant 0 : i32
      %dma_wait3A_90 = tpu.memref_slice %arg16[%add3A_15, %dma_wait3A_89] : memref<10112x128xf32, #tpu.memory_space<vmem_shared>> -> memref<128x128xf32, #tpu.memory_space<vmem_shared>>
      tpu.wait_dma2 semaphore(%run_scoped3A : memref<!tpu.dma_semaphore, #tpu.memory_space<semaphore_mem>>) src(%arg8 : memref<128x128xf32, #tpu.memory_space<vmem>>) dst(%dma_wait3A_90 : memref<128x128xf32, #tpu.memory_space<vmem_shared>>)
      tpu.yield
    }) : () -> ()
    %mul3A_16 = arith.constant 632 : i32
    %mul3A_17 = arith.muli %arg1, %mul3A_16 : i32
    %add3A_18 = arith.constant 384 : i32
    %add3A_19 = arith.addi %mul3A_17, %add3A_18 : i32
    "tpu.region"() ({
      %run_scoped3A = tpu.sem_alloc : memref<!tpu.dma_semaphore, #tpu.memory_space<semaphore_mem>>
      %dma_start3A_83 = arith.constant 0 : i32
      %dma_start3A_84 = tpu.memref_slice %arg16[%add3A_19, %dma_start3A_83] : memref<10112x128xf32, #tpu.memory_space<vmem_shared>> -> memref<128x128xf32, #tpu.memory_space<vmem_shared>>
      %dma_start3A_85 = arith.constant 0 : i32
      %dma_start3A_86 = tpu.memref_slice %arg16[%add3A_19, %dma_start3A_85] : memref<10112x128xf32, #tpu.memory_space<vmem_shared>> -> memref<128x128xf32, #tpu.memory_space<vmem_shared>>
      tpu.enqueue_dma source(%arg8 : memref<128x128xf32, #tpu.memory_space<vmem>>) target(%dma_start3A_86 : memref<128x128xf32, #tpu.memory_space<vmem_shared>>) target_semaphore(%run_scoped3A : memref<!tpu.dma_semaphore, #tpu.memory_space<semaphore_mem>>)
      %dma_wait3A_87 = arith.constant 0 : i32
      %dma_wait3A_88 = tpu.memref_slice %arg16[%add3A_19, %dma_wait3A_87] : memref<10112x128xf32, #tpu.memory_space<vmem_shared>> -> memref<128x128xf32, #tpu.memory_space<vmem_shared>>
      %dma_wait3A_89 = arith.constant 0 : i32
      %dma_wait3A_90 = tpu.memref_slice %arg16[%add3A_19, %dma_wait3A_89] : memref<10112x128xf32, #tpu.memory_space<vmem_shared>> -> memref<128x128xf32, #tpu.memory_space<vmem_shared>>
      tpu.wait_dma2 semaphore(%run_scoped3A : memref<!tpu.dma_semaphore, #tpu.memory_space<semaphore_mem>>) src(%arg8 : memref<128x128xf32, #tpu.memory_space<vmem>>) dst(%dma_wait3A_90 : memref<128x128xf32, #tpu.memory_space<vmem_shared>>)
      tpu.yield
    }) : () -> ()
    %mul3A_20 = arith.constant 632 : i32
    %mul3A_21 = arith.muli %arg1, %mul3A_20 : i32
    %add3A_22 = arith.constant 512 : i32
    %add3A_23 = arith.addi %mul3A_21, %add3A_22 : i32
    "tpu.region"() ({
      %run_scoped3A = tpu.sem_alloc : memref<!tpu.dma_semaphore, #tpu.memory_space<semaphore_mem>>
      %dma_start3A_83 = arith.constant 0 : i32
      %dma_start3A_84 = arith.constant 0 : i32
      %dma_start3A_85 = tpu.memref_slice %arg8[%dma_start3A_83, %dma_start3A_84] : memref<128x128xf32, #tpu.memory_space<vmem>> -> memref<120x128xf32, #tpu.memory_space<vmem>>
      %dma_start3A_86 = arith.constant 0 : i32
      %dma_start3A_87 = tpu.memref_slice %arg16[%add3A_23, %dma_start3A_86] : memref<10112x128xf32, #tpu.memory_space<vmem_shared>> -> memref<120x128xf32, #tpu.memory_space<vmem_shared>>
      %dma_start3A_88 = arith.constant 0 : i32
      %dma_start3A_89 = tpu.memref_slice %arg16[%add3A_23, %dma_start3A_88] : memref<10112x128xf32, #tpu.memory_space<vmem_shared>> -> memref<120x128xf32, #tpu.memory_space<vmem_shared>>
      %dma_start3A_90 = arith.constant 0 : i32
      %dma_start3A_91 = arith.constant 0 : i32
      %dma_start3A_92 = tpu.memref_slice %arg8[%dma_start3A_90, %dma_start3A_91] : memref<128x128xf32, #tpu.memory_space<vmem>> -> memref<120x128xf32, #tpu.memory_space<vmem>>
      tpu.enqueue_dma source(%dma_start3A_92 : memref<120x128xf32, #tpu.memory_space<vmem>>) target(%dma_start3A_89 : memref<120x128xf32, #tpu.memory_space<vmem_shared>>) target_semaphore(%run_scoped3A : memref<!tpu.dma_semaphore, #tpu.memory_space<semaphore_mem>>)
      %dma_wait3A_93 = arith.constant 0 : i32
      %dma_wait3A_94 = arith.constant 0 : i32
      %dma_wait3A_95 = tpu.memref_slice %arg8[%dma_wait3A_93, %dma_wait3A_94] : memref<128x128xf32, #tpu.memory_space<vmem>> -> memref<120x128xf32, #tpu.memory_space<vmem>>
      %dma_wait3A_96 = arith.constant 0 : i32
      %dma_wait3A_97 = tpu.memref_slice %arg16[%add3A_23, %dma_wait3A_96] : memref<10112x128xf32, #tpu.memory_space<vmem_shared>> -> memref<120x128xf32, #tpu.memory_space<vmem_shared>>
      %dma_wait3A_98 = arith.constant 0 : i32
      %dma_wait3A_99 = tpu.memref_slice %arg16[%add3A_23, %dma_wait3A_98] : memref<10112x128xf32, #tpu.memory_space<vmem_shared>> -> memref<120x128xf32, #tpu.memory_space<vmem_shared>>
      %dma_wait3A_100 = arith.constant 0 : i32
      %dma_wait3A_101 = arith.constant 0 : i32
      %dma_wait3A_102 = tpu.memref_slice %arg8[%dma_wait3A_100, %dma_wait3A_101] : memref<128x128xf32, #tpu.memory_space<vmem>> -> memref<120x128xf32, #tpu.memory_space<vmem>>
      tpu.wait_dma2 semaphore(%run_scoped3A : memref<!tpu.dma_semaphore, #tpu.memory_space<semaphore_mem>>) src(%dma_wait3A_102 : memref<120x128xf32, #tpu.memory_space<vmem>>) dst(%dma_wait3A_99 : memref<120x128xf32, #tpu.memory_space<vmem_shared>>)
      tpu.yield
    }) : () -> ()
    %barrier3A = arith.constant 0 : index
    tpu.barrier barrier_id(%barrier3A)
    %mul3A_24 = arith.constant 10240 : i32
    %mul3A_25 = arith.muli %arg1, %mul3A_24 : i32
    %add3A_26 = arith.constant 0 : i32
    %add3A_27 = arith.addi %mul3A_25, %add3A_26 : i32
    %dma_start3A = tpu.memref_slice %arg3[%arg0, %add3A_27] : memref<2x163840xi32, #tpu.memory_space<hbm>> -> memref<1x128xi32, #tpu.memory_space<hbm>>
    %dma_start3A_28 = tpu.memref_squeeze %dma_start3A : memref<1x128xi32, #tpu.memory_space<hbm>> -> memref<128xi32, #tpu.memory_space<hbm>>
    %dma_start3A_29 = tpu.memref_slice %arg3[%arg0, %add3A_27] : memref<2x163840xi32, #tpu.memory_space<hbm>> -> memref<1x128xi32, #tpu.memory_space<hbm>>
    %dma_start3A_30 = tpu.memref_squeeze %dma_start3A_29 : memref<1x128xi32, #tpu.memory_space<hbm>> -> memref<128xi32, #tpu.memory_space<hbm>>
    tpu.enqueue_dma source(%dma_start3A_30 : memref<128xi32, #tpu.memory_space<hbm>>) target(%arg6 : memref<128xi32, #tpu.memory_space<vmem>>) target_semaphore(%arg9 : memref<!tpu.dma_semaphore, #tpu.memory_space<semaphore_mem>>)
    %dma_start3A_31 = tpu.memref_slice %arg4[%add3A_27] : memref<163840xi32, #tpu.memory_space<hbm>> -> memref<128xi32, #tpu.memory_space<hbm>>
    %dma_start3A_32 = tpu.memref_slice %arg4[%add3A_27] : memref<163840xi32, #tpu.memory_space<hbm>> -> memref<128xi32, #tpu.memory_space<hbm>>
    tpu.enqueue_dma source(%dma_start3A_32 : memref<128xi32, #tpu.memory_space<hbm>>) target(%arg7 : memref<128xi32, #tpu.memory_space<vmem>>) target_semaphore(%arg9 : memref<!tpu.dma_semaphore, #tpu.memory_space<semaphore_mem>>)
    %dma_wait3A = arith.constant 0 : i32
    %dma_wait3A_33 = tpu.memref_slice %arg3[%arg0, %dma_wait3A] : memref<2x163840xi32, #tpu.memory_space<hbm>> -> memref<1x128xi32, #tpu.memory_space<hbm>>
    %dma_wait3A_34 = tpu.memref_squeeze %dma_wait3A_33 : memref<1x128xi32, #tpu.memory_space<hbm>> -> memref<128xi32, #tpu.memory_space<hbm>>
    %dma_wait3A_35 = arith.constant 0 : i32
    %dma_wait3A_36 = tpu.memref_slice %arg3[%arg0, %dma_wait3A_35] : memref<2x163840xi32, #tpu.memory_space<hbm>> -> memref<1x128xi32, #tpu.memory_space<hbm>>
    %dma_wait3A_37 = tpu.memref_squeeze %dma_wait3A_36 : memref<1x128xi32, #tpu.memory_space<hbm>> -> memref<128xi32, #tpu.memory_space<hbm>>
    tpu.wait_dma2 semaphore(%arg9 : memref<!tpu.dma_semaphore, #tpu.memory_space<semaphore_mem>>) src(%dma_wait3A_37 : memref<128xi32, #tpu.memory_space<hbm>>) dst(%arg6 : memref<128xi32, #tpu.memory_space<vmem>>)
    %dma_wait3A_38 = arith.constant 0 : i32
    %dma_wait3A_39 = tpu.memref_slice %arg4[%dma_wait3A_38] : memref<163840xi32, #tpu.memory_space<hbm>> -> memref<128xi32, #tpu.memory_space<hbm>>
    %dma_wait3A_40 = arith.constant 0 : i32
    %dma_wait3A_41 = tpu.memref_slice %arg4[%dma_wait3A_40] : memref<163840xi32, #tpu.memory_space<hbm>> -> memref<128xi32, #tpu.memory_space<hbm>>
    tpu.wait_dma2 semaphore(%arg9 : memref<!tpu.dma_semaphore, #tpu.memory_space<semaphore_mem>>) src(%dma_wait3A_41 : memref<128xi32, #tpu.memory_space<hbm>>) dst(%arg7 : memref<128xi32, #tpu.memory_space<vmem>>)
    %dma_start3A_42 = arith.constant 0 : i32
    %dma_start3A_43 = arith.constant 0 : i32
    %dma_start3A_44 = tpu.memref_slice %arg2[%dma_start3A_42, %dma_start3A_43] : memref<20000x128xf32, #tpu.memory_space<hbm>> -> memref<20000x128xf32, #tpu.memory_space<hbm>>
    tpu.enqueue_indirect_dma source(%dma_start3A_44 : memref<20000x128xf32, #tpu.memory_space<hbm>>) target(%arg8 : memref<128x128xf32, #tpu.memory_space<vmem>>) offsets(%arg6 : memref<128xi32, #tpu.memory_space<vmem>>) semaphore(%arg9 : memref<!tpu.dma_semaphore, #tpu.memory_space<semaphore_mem>>)
    %add3A_45 = arith.constant 128 : i32
    %add3A_46 = arith.addi %mul3A_25, %add3A_45 : i32
    %dma_start3A_47 = tpu.memref_slice %arg3[%arg0, %add3A_46] : memref<2x163840xi32, #tpu.memory_space<hbm>> -> memref<1x128xi32, #tpu.memory_space<hbm>>
    %dma_start3A_48 = tpu.memref_squeeze %dma_start3A_47 : memref<1x128xi32, #tpu.memory_space<hbm>> -> memref<128xi32, #tpu.memory_space<hbm>>
    %dma_start3A_49 = tpu.memref_slice %arg3[%arg0, %add3A_46] : memref<2x163840xi32, #tpu.memory_space<hbm>> -> memref<1x128xi32, #tpu.memory_space<hbm>>
    %dma_start3A_50 = tpu.memref_squeeze %dma_start3A_49 : memref<1x128xi32, #tpu.memory_space<hbm>> -> memref<128xi32, #tpu.memory_space<hbm>>
    tpu.enqueue_dma source(%dma_start3A_50 : memref<128xi32, #tpu.memory_space<hbm>>) target(%arg11 : memref<128xi32, #tpu.memory_space<vmem>>) target_semaphore(%arg14 : memref<!tpu.dma_semaphore, #tpu.memory_space<semaphore_mem>>)
    %dma_start3A_51 = tpu.memref_slice %arg4[%add3A_46] : memref<163840xi32, #tpu.memory_space<hbm>> -> memref<128xi32, #tpu.memory_space<hbm>>
    %dma_start3A_52 = tpu.memref_slice %arg4[%add3A_46] : memref<163840xi32, #tpu.memory_space<hbm>> -> memref<128xi32, #tpu.memory_space<hbm>>
    tpu.enqueue_dma source(%dma_start3A_52 : memref<128xi32, #tpu.memory_space<hbm>>) target(%arg12 : memref<128xi32, #tpu.memory_space<vmem>>) target_semaphore(%arg14 : memref<!tpu.dma_semaphore, #tpu.memory_space<semaphore_mem>>)
    %dma_wait3A_53 = arith.constant 0 : i32
    %dma_wait3A_54 = tpu.memref_slice %arg3[%arg0, %dma_wait3A_53] : memref<2x163840xi32, #tpu.memory_space<hbm>> -> memref<1x128xi32, #tpu.memory_space<hbm>>
    %dma_wait3A_55 = tpu.memref_squeeze %dma_wait3A_54 : memref<1x128xi32, #tpu.memory_space<hbm>> -> memref<128xi32, #tpu.memory_space<hbm>>
    %dma_wait3A_56 = arith.constant 0 : i32
    %dma_wait3A_57 = tpu.memref_slice %arg3[%arg0, %dma_wait3A_56] : memref<2x163840xi32, #tpu.memory_space<hbm>> -> memref<1x128xi32, #tpu.memory_space<hbm>>
    %dma_wait3A_58 = tpu.memref_squeeze %dma_wait3A_57 : memref<1x128xi32, #tpu.memory_space<hbm>> -> memref<128xi32, #tpu.memory_space<hbm>>
    tpu.wait_dma2 semaphore(%arg14 : memref<!tpu.dma_semaphore, #tpu.memory_space<semaphore_mem>>) src(%dma_wait3A_58 : memref<128xi32, #tpu.memory_space<hbm>>) dst(%arg11 : memref<128xi32, #tpu.memory_space<vmem>>)
    %dma_wait3A_59 = arith.constant 0 : i32
    %dma_wait3A_60 = tpu.memref_slice %arg4[%dma_wait3A_59] : memref<163840xi32, #tpu.memory_space<hbm>> -> memref<128xi32, #tpu.memory_space<hbm>>
    %dma_wait3A_61 = arith.constant 0 : i32
    %dma_wait3A_62 = tpu.memref_slice %arg4[%dma_wait3A_61] : memref<163840xi32, #tpu.memory_space<hbm>> -> memref<128xi32, #tpu.memory_space<hbm>>
    tpu.wait_dma2 semaphore(%arg14 : memref<!tpu.dma_semaphore, #tpu.memory_space<semaphore_mem>>) src(%dma_wait3A_62 : memref<128xi32, #tpu.memory_space<hbm>>) dst(%arg12 : memref<128xi32, #tpu.memory_space<vmem>>)
    %dma_start3A_63 = arith.constant 0 : i32
    %dma_start3A_64 = arith.constant 0 : i32
    %dma_start3A_65 = tpu.memref_slice %arg2[%dma_start3A_63, %dma_start3A_64] : memref<20000x128xf32, #tpu.memory_space<hbm>> -> memref<20000x128xf32, #tpu.memory_space<hbm>>
    tpu.enqueue_indirect_dma source(%dma_start3A_65 : memref<20000x128xf32, #tpu.memory_space<hbm>>) target(%arg13 : memref<128x128xf32, #tpu.memory_space<vmem>>) offsets(%arg11 : memref<128xi32, #tpu.memory_space<vmem>>) semaphore(%arg14 : memref<!tpu.dma_semaphore, #tpu.memory_space<semaphore_mem>>)
    %scan3A_66 = arith.constant 0 : i32
    %scan3A_67 = arith.constant 0 : i32
    %scan3A_68 = arith.constant 40 : i32
    %scan3A_69 = arith.addi %scan3A_67, %scan3A_68 : i32
    %scan3A_70 = arith.constant 1 : i32
    scf.for %scan3A_83 = %scan3A_67 to %scan3A_69 step %scan3A_70  : i32 {
      %mul3A_84 = arith.constant 2 : i32
      %mul3A_85 = arith.muli %mul3A_84, %scan3A_83 : i32
      %dma_wait3A_86 = arith.constant 0 : i32
      %dma_wait3A_87 = arith.constant 0 : i32
      %dma_wait3A_88 = tpu.memref_slice %arg2[%dma_wait3A_86, %dma_wait3A_87] : memref<20000x128xf32, #tpu.memory_space<hbm>> -> memref<20000x128xf32, #tpu.memory_space<hbm>>
      tpu.wait_indirect_dma semaphore(%arg9 : memref<!tpu.dma_semaphore, #tpu.memory_space<semaphore_mem>>) src(%dma_wait3A_88 : memref<20000x128xf32, #tpu.memory_space<hbm>>) dst(%arg8 : memref<128x128xf32, #tpu.memory_space<vmem>>)
      %dma_start3A_89 = arith.constant 0 : i32
      %dma_start3A_90 = arith.constant 0 : i32
      %dma_start3A_91 = tpu.memref_slice %arg16[%dma_start3A_89, %dma_start3A_90] : memref<10112x128xf32, #tpu.memory_space<vmem_shared>> -> memref<10112x128xf32, #tpu.memory_space<vmem_shared>>
      tpu.enqueue_indirect_dma source(%arg8 : memref<128x128xf32, #tpu.memory_space<vmem>>) target(%dma_start3A_91 : memref<10112x128xf32, #tpu.memory_space<vmem_shared>>) offsets(%arg7 : memref<128xi32, #tpu.memory_space<vmem>>) semaphore(%arg10 : memref<!tpu.dma_semaphore, #tpu.memory_space<semaphore_mem>>) {add = true}
      %dma_wait3A_92 = arith.constant 0 : i32
      %dma_wait3A_93 = arith.constant 0 : i32
      %dma_wait3A_94 = tpu.memref_slice %arg2[%dma_wait3A_92, %dma_wait3A_93] : memref<20000x128xf32, #tpu.memory_space<hbm>> -> memref<20000x128xf32, #tpu.memory_space<hbm>>
      tpu.wait_indirect_dma semaphore(%arg14 : memref<!tpu.dma_semaphore, #tpu.memory_space<semaphore_mem>>) src(%dma_wait3A_94 : memref<20000x128xf32, #tpu.memory_space<hbm>>) dst(%arg13 : memref<128x128xf32, #tpu.memory_space<vmem>>)
      %dma_start3A_95 = arith.constant 0 : i32
      %dma_start3A_96 = arith.constant 0 : i32
      %dma_start3A_97 = tpu.memref_slice %arg16[%dma_start3A_95, %dma_start3A_96] : memref<10112x128xf32, #tpu.memory_space<vmem_shared>> -> memref<10112x128xf32, #tpu.memory_space<vmem_shared>>
      tpu.enqueue_indirect_dma source(%arg13 : memref<128x128xf32, #tpu.memory_space<vmem>>) target(%dma_start3A_97 : memref<10112x128xf32, #tpu.memory_space<vmem_shared>>) offsets(%arg12 : memref<128xi32, #tpu.memory_space<vmem>>) semaphore(%arg15 : memref<!tpu.dma_semaphore, #tpu.memory_space<semaphore_mem>>) {add = true}
      %add3A_98 = arith.constant 2 : i32
      %add3A_99 = arith.addi %mul3A_85, %add3A_98 : i32
      %lt3A = arith.constant 80 : i32
      %lt3A_100 = arith.cmpi slt, %add3A_99, %lt3A : i32
      %convert_element_type3A = arith.extui %lt3A_100 : i1 to i32
      %cond3A = arith.constant 0 : i32
      %cond3A_101 = arith.cmpi ne, %convert_element_type3A, %cond3A : i32
      scf.if %cond3A_101 {
        %dma_wait3A_109 = arith.constant 0 : i32
        %dma_wait3A_110 = arith.constant 0 : i32
        %dma_wait3A_111 = tpu.memref_slice %arg16[%dma_wait3A_109, %dma_wait3A_110] : memref<10112x128xf32, #tpu.memory_space<vmem_shared>> -> memref<10112x128xf32, #tpu.memory_space<vmem_shared>>
        tpu.wait_indirect_dma semaphore(%arg10 : memref<!tpu.dma_semaphore, #tpu.memory_space<semaphore_mem>>) src(%arg8 : memref<128x128xf32, #tpu.memory_space<vmem>>) dst(%dma_wait3A_111 : memref<10112x128xf32, #tpu.memory_space<vmem_shared>>)
        %add3A_112 = arith.constant 2 : i32
        %add3A_113 = arith.addi %mul3A_85, %add3A_112 : i32
        %mul3A_114 = arith.constant 128 : i32
        %mul3A_115 = arith.muli %add3A_113, %mul3A_114 : i32
        %add3A_116 = arith.addi %mul3A_25, %mul3A_115 : i32
        %dma_start3A_117 = tpu.memref_slice %arg3[%arg0, %add3A_116] : memref<2x163840xi32, #tpu.memory_space<hbm>> -> memref<1x128xi32, #tpu.memory_space<hbm>>
        %dma_start3A_118 = tpu.memref_squeeze %dma_start3A_117 : memref<1x128xi32, #tpu.memory_space<hbm>> -> memref<128xi32, #tpu.memory_space<hbm>>
        %dma_start3A_119 = tpu.memref_slice %arg3[%arg0, %add3A_116] : memref<2x163840xi32, #tpu.memory_space<hbm>> -> memref<1x128xi32, #tpu.memory_space<hbm>>
        %dma_start3A_120 = tpu.memref_squeeze %dma_start3A_119 : memref<1x128xi32, #tpu.memory_space<hbm>> -> memref<128xi32, #tpu.memory_space<hbm>>
        tpu.enqueue_dma source(%dma_start3A_120 : memref<128xi32, #tpu.memory_space<hbm>>) target(%arg6 : memref<128xi32, #tpu.memory_space<vmem>>) target_semaphore(%arg9 : memref<!tpu.dma_semaphore, #tpu.memory_space<semaphore_mem>>)
        %dma_start3A_121 = tpu.memref_slice %arg4[%add3A_116] : memref<163840xi32, #tpu.memory_space<hbm>> -> memref<128xi32, #tpu.memory_space<hbm>>
        %dma_start3A_122 = tpu.memref_slice %arg4[%add3A_116] : memref<163840xi32, #tpu.memory_space<hbm>> -> memref<128xi32, #tpu.memory_space<hbm>>
        tpu.enqueue_dma source(%dma_start3A_122 : memref<128xi32, #tpu.memory_space<hbm>>) target(%arg7 : memref<128xi32, #tpu.memory_space<vmem>>) target_semaphore(%arg9 : memref<!tpu.dma_semaphore, #tpu.memory_space<semaphore_mem>>)
        %dma_wait3A_123 = arith.constant 0 : i32
        %dma_wait3A_124 = tpu.memref_slice %arg3[%arg0, %dma_wait3A_123] : memref<2x163840xi32, #tpu.memory_space<hbm>> -> memref<1x128xi32, #tpu.memory_space<hbm>>
        %dma_wait3A_125 = tpu.memref_squeeze %dma_wait3A_124 : memref<1x128xi32, #tpu.memory_space<hbm>> -> memref<128xi32, #tpu.memory_space<hbm>>
        %dma_wait3A_126 = arith.constant 0 : i32
        %dma_wait3A_127 = tpu.memref_slice %arg3[%arg0, %dma_wait3A_126] : memref<2x163840xi32, #tpu.memory_space<hbm>> -> memref<1x128xi32, #tpu.memory_space<hbm>>
        %dma_wait3A_128 = tpu.memref_squeeze %dma_wait3A_127 : memref<1x128xi32, #tpu.memory_space<hbm>> -> memref<128xi32, #tpu.memory_space<hbm>>
        tpu.wait_dma2 semaphore(%arg9 : memref<!tpu.dma_semaphore, #tpu.memory_space<semaphore_mem>>) src(%dma_wait3A_128 : memref<128xi32, #tpu.memory_space<hbm>>) dst(%arg6 : memref<128xi32, #tpu.memory_space<vmem>>)
        %dma_wait3A_129 = arith.constant 0 : i32
        %dma_wait3A_130 = tpu.memref_slice %arg4[%dma_wait3A_129] : memref<163840xi32, #tpu.memory_space<hbm>> -> memref<128xi32, #tpu.memory_space<hbm>>
        %dma_wait3A_131 = arith.constant 0 : i32
        %dma_wait3A_132 = tpu.memref_slice %arg4[%dma_wait3A_131] : memref<163840xi32, #tpu.memory_space<hbm>> -> memref<128xi32, #tpu.memory_space<hbm>>
        tpu.wait_dma2 semaphore(%arg9 : memref<!tpu.dma_semaphore, #tpu.memory_space<semaphore_mem>>) src(%dma_wait3A_132 : memref<128xi32, #tpu.memory_space<hbm>>) dst(%arg7 : memref<128xi32, #tpu.memory_space<vmem>>)
        %dma_start3A_133 = arith.constant 0 : i32
        %dma_start3A_134 = arith.constant 0 : i32
        %dma_start3A_135 = tpu.memref_slice %arg2[%dma_start3A_133, %dma_start3A_134] : memref<20000x128xf32, #tpu.memory_space<hbm>> -> memref<20000x128xf32, #tpu.memory_space<hbm>>
        tpu.enqueue_indirect_dma source(%dma_start3A_135 : memref<20000x128xf32, #tpu.memory_space<hbm>>) target(%arg8 : memref<128x128xf32, #tpu.memory_space<vmem>>) offsets(%arg6 : memref<128xi32, #tpu.memory_space<vmem>>) semaphore(%arg9 : memref<!tpu.dma_semaphore, #tpu.memory_space<semaphore_mem>>)
      } else {
      }
      %add3A_102 = arith.constant 3 : i32
      %add3A_103 = arith.addi %mul3A_85, %add3A_102 : i32
      %lt3A_104 = arith.constant 80 : i32
      %lt3A_105 = arith.cmpi slt, %add3A_103, %lt3A_104 : i32
      %convert_element_type3A_106 = arith.extui %lt3A_105 : i1 to i32
      %cond3A_107 = arith.constant 0 : i32
      %cond3A_108 = arith.cmpi ne, %convert_element_type3A_106, %cond3A_107 : i32
      scf.if %cond3A_108 {
        %dma_wait3A_109 = arith.constant 0 : i32
        %dma_wait3A_110 = arith.constant 0 : i32
        %dma_wait3A_111 = tpu.memref_slice %arg16[%dma_wait3A_109, %dma_wait3A_110] : memref<10112x128xf32, #tpu.memory_space<vmem_shared>> -> memref<10112x128xf32, #tpu.memory_space<vmem_shared>>
        tpu.wait_indirect_dma semaphore(%arg15 : memref<!tpu.dma_semaphore, #tpu.memory_space<semaphore_mem>>) src(%arg13 : memref<128x128xf32, #tpu.memory_space<vmem>>) dst(%dma_wait3A_111 : memref<10112x128xf32, #tpu.memory_space<vmem_shared>>)
        %add3A_112 = arith.constant 3 : i32
        %add3A_113 = arith.addi %mul3A_85, %add3A_112 : i32
        %mul3A_114 = arith.constant 128 : i32
        %mul3A_115 = arith.muli %add3A_113, %mul3A_114 : i32
        %add3A_116 = arith.addi %mul3A_25, %mul3A_115 : i32
        %dma_start3A_117 = tpu.memref_slice %arg3[%arg0, %add3A_116] : memref<2x163840xi32, #tpu.memory_space<hbm>> -> memref<1x128xi32, #tpu.memory_space<hbm>>
        %dma_start3A_118 = tpu.memref_squeeze %dma_start3A_117 : memref<1x128xi32, #tpu.memory_space<hbm>> -> memref<128xi32, #tpu.memory_space<hbm>>
        %dma_start3A_119 = tpu.memref_slice %arg3[%arg0, %add3A_116] : memref<2x163840xi32, #tpu.memory_space<hbm>> -> memref<1x128xi32, #tpu.memory_space<hbm>>
        %dma_start3A_120 = tpu.memref_squeeze %dma_start3A_119 : memref<1x128xi32, #tpu.memory_space<hbm>> -> memref<128xi32, #tpu.memory_space<hbm>>
        tpu.enqueue_dma source(%dma_start3A_120 : memref<128xi32, #tpu.memory_space<hbm>>) target(%arg11 : memref<128xi32, #tpu.memory_space<vmem>>) target_semaphore(%arg14 : memref<!tpu.dma_semaphore, #tpu.memory_space<semaphore_mem>>)
        %dma_start3A_121 = tpu.memref_slice %arg4[%add3A_116] : memref<163840xi32, #tpu.memory_space<hbm>> -> memref<128xi32, #tpu.memory_space<hbm>>
        %dma_start3A_122 = tpu.memref_slice %arg4[%add3A_116] : memref<163840xi32, #tpu.memory_space<hbm>> -> memref<128xi32, #tpu.memory_space<hbm>>
        tpu.enqueue_dma source(%dma_start3A_122 : memref<128xi32, #tpu.memory_space<hbm>>) target(%arg12 : memref<128xi32, #tpu.memory_space<vmem>>) target_semaphore(%arg14 : memref<!tpu.dma_semaphore, #tpu.memory_space<semaphore_mem>>)
        %dma_wait3A_123 = arith.constant 0 : i32
        %dma_wait3A_124 = tpu.memref_slice %arg3[%arg0, %dma_wait3A_123] : memref<2x163840xi32, #tpu.memory_space<hbm>> -> memref<1x128xi32, #tpu.memory_space<hbm>>
        %dma_wait3A_125 = tpu.memref_squeeze %dma_wait3A_124 : memref<1x128xi32, #tpu.memory_space<hbm>> -> memref<128xi32, #tpu.memory_space<hbm>>
        %dma_wait3A_126 = arith.constant 0 : i32
        %dma_wait3A_127 = tpu.memref_slice %arg3[%arg0, %dma_wait3A_126] : memref<2x163840xi32, #tpu.memory_space<hbm>> -> memref<1x128xi32, #tpu.memory_space<hbm>>
        %dma_wait3A_128 = tpu.memref_squeeze %dma_wait3A_127 : memref<1x128xi32, #tpu.memory_space<hbm>> -> memref<128xi32, #tpu.memory_space<hbm>>
        tpu.wait_dma2 semaphore(%arg14 : memref<!tpu.dma_semaphore, #tpu.memory_space<semaphore_mem>>) src(%dma_wait3A_128 : memref<128xi32, #tpu.memory_space<hbm>>) dst(%arg11 : memref<128xi32, #tpu.memory_space<vmem>>)
        %dma_wait3A_129 = arith.constant 0 : i32
        %dma_wait3A_130 = tpu.memref_slice %arg4[%dma_wait3A_129] : memref<163840xi32, #tpu.memory_space<hbm>> -> memref<128xi32, #tpu.memory_space<hbm>>
        %dma_wait3A_131 = arith.constant 0 : i32
        %dma_wait3A_132 = tpu.memref_slice %arg4[%dma_wait3A_131] : memref<163840xi32, #tpu.memory_space<hbm>> -> memref<128xi32, #tpu.memory_space<hbm>>
        tpu.wait_dma2 semaphore(%arg14 : memref<!tpu.dma_semaphore, #tpu.memory_space<semaphore_mem>>) src(%dma_wait3A_132 : memref<128xi32, #tpu.memory_space<hbm>>) dst(%arg12 : memref<128xi32, #tpu.memory_space<vmem>>)
        %dma_start3A_133 = arith.constant 0 : i32
        %dma_start3A_134 = arith.constant 0 : i32
        %dma_start3A_135 = tpu.memref_slice %arg2[%dma_start3A_133, %dma_start3A_134] : memref<20000x128xf32, #tpu.memory_space<hbm>> -> memref<20000x128xf32, #tpu.memory_space<hbm>>
        tpu.enqueue_indirect_dma source(%dma_start3A_135 : memref<20000x128xf32, #tpu.memory_space<hbm>>) target(%arg13 : memref<128x128xf32, #tpu.memory_space<vmem>>) offsets(%arg11 : memref<128xi32, #tpu.memory_space<vmem>>) semaphore(%arg14 : memref<!tpu.dma_semaphore, #tpu.memory_space<semaphore_mem>>)
      } else {
      }
    }
    %scan3A_71 = arith.constant 40 : i32
    %dma_wait3A_72 = arith.constant 0 : i32
    %dma_wait3A_73 = arith.constant 0 : i32
    %dma_wait3A_74 = tpu.memref_slice %arg16[%dma_wait3A_72, %dma_wait3A_73] : memref<10112x128xf32, #tpu.memory_space<vmem_shared>> -> memref<10112x128xf32, #tpu.memory_space<vmem_shared>>
    tpu.wait_indirect_dma semaphore(%arg10 : memref<!tpu.dma_semaphore, #tpu.memory_space<semaphore_mem>>) src(%arg8 : memref<128x128xf32, #tpu.memory_space<vmem>>) dst(%dma_wait3A_74 : memref<10112x128xf32, #tpu.memory_space<vmem_shared>>)
    %dma_wait3A_75 = arith.constant 0 : i32
    %dma_wait3A_76 = arith.constant 0 : i32
    %dma_wait3A_77 = tpu.memref_slice %arg16[%dma_wait3A_75, %dma_wait3A_76] : memref<10112x128xf32, #tpu.memory_space<vmem_shared>> -> memref<10112x128xf32, #tpu.memory_space<vmem_shared>>
    tpu.wait_indirect_dma semaphore(%arg15 : memref<!tpu.dma_semaphore, #tpu.memory_space<semaphore_mem>>) src(%arg13 : memref<128x128xf32, #tpu.memory_space<vmem>>) dst(%dma_wait3A_77 : memref<10112x128xf32, #tpu.memory_space<vmem_shared>>)
    %barrier3A_78 = arith.constant 0 : index
    tpu.barrier barrier_id(%barrier3A_78)
    %mul3A_79 = arith.constant 632 : i32
    %mul3A_80 = arith.muli %arg1, %mul3A_79 : i32
    %mul3A_81 = arith.constant 632 : i32
    %mul3A_82 = arith.muli %arg1, %mul3A_81 : i32
    "tpu.region"() ({
      %run_scoped3A = tpu.sem_alloc : memref<!tpu.dma_semaphore, #tpu.memory_space<semaphore_mem>>
      %dma_start3A_83 = arith.constant 0 : i32
      %dma_start3A_84 = tpu.memref_slice %arg5[%arg0, %mul3A_82, %dma_start3A_83] : memref<2x10112x128xf32, #tpu.memory_space<hbm>> -> memref<1x632x128xf32, #tpu.memory_space<hbm>>
      %dma_start3A_85 = tpu.memref_squeeze %dma_start3A_84 : memref<1x632x128xf32, #tpu.memory_space<hbm>> -> memref<632x128xf32, #tpu.memory_space<hbm>>
      %dma_start3A_86 = arith.constant 0 : i32
      %dma_start3A_87 = tpu.memref_slice %arg16[%mul3A_80, %dma_start3A_86] : memref<10112x128xf32, #tpu.memory_space<vmem_shared>> -> memref<632x128xf32, #tpu.memory_space<vmem_shared>>
      tpu.enqueue_dma source(%dma_start3A_87 : memref<632x128xf32, #tpu.memory_space<vmem_shared>>) target(%dma_start3A_85 : memref<632x128xf32, #tpu.memory_space<hbm>>) target_semaphore(%run_scoped3A : memref<!tpu.dma_semaphore, #tpu.memory_space<semaphore_mem>>)
      %dma_wait3A_88 = arith.constant 0 : i32
      %dma_wait3A_89 = tpu.memref_slice %arg5[%arg0, %mul3A_82, %dma_wait3A_88] : memref<2x10112x128xf32, #tpu.memory_space<hbm>> -> memref<1x632x128xf32, #tpu.memory_space<hbm>>
      %dma_wait3A_90 = tpu.memref_squeeze %dma_wait3A_89 : memref<1x632x128xf32, #tpu.memory_space<hbm>> -> memref<632x128xf32, #tpu.memory_space<hbm>>
      %dma_wait3A_91 = arith.constant 0 : i32
      %dma_wait3A_92 = tpu.memref_slice %arg16[%mul3A_80, %dma_wait3A_91] : memref<10112x128xf32, #tpu.memory_space<vmem_shared>> -> memref<632x128xf32, #tpu.memory_space<vmem_shared>>
      tpu.wait_dma2 semaphore(%run_scoped3A : memref<!tpu.dma_semaphore, #tpu.memory_space<semaphore_mem>>) src(%dma_wait3A_92 : memref<632x128xf32, #tpu.memory_space<vmem_shared>>) dst(%dma_wait3A_90 : memref<632x128xf32, #tpu.memory_space<hbm>>)
      tpu.yield
    }) : () -> ()
    return
  }
}

module attributes {stable_mosaic.version = 14 : i64} {
  func.func @body(%arg0: i32, %arg1: memref<2x1000x128xf32, #tpu.memory_space<vmem>>, %arg2: memref<2x1000x128xf32, #tpu.memory_space<vmem>>, %arg3: memref<2x1000x128xf32, #tpu.memory_space<vmem>>, %arg4: memref<256x256xf32, #tpu.memory_space<vmem>>, %arg5: memref<1x256xf32, #tpu.memory_space<vmem>>, %arg6: memref<256x256xf32, #tpu.memory_space<vmem>>, %arg7: memref<2x1000x128xf32, #tpu.memory_space<vmem>>) attributes {dimension_semantics = [#tpu.dimension_semantics<arbitrary>], iteration_bounds = array<i64: 10>, scalar_prefetch = 0 : i64, scratch_operands = 0 : i64, tpu.core_type = #tpu.core_type<tc>, window_params = [{transform_indices = @transform_0, window_bounds = array<i64: 2, 1000, 128>}, {transform_indices = @transform_1, window_bounds = array<i64: 2, 1000, 128>}, {transform_indices = @transform_2, window_bounds = array<i64: 2, 1000, 128>}, {pipeline_mode = #tpu.pipeline_mode<synchronous>, transform_indices = @transform_3, window_bounds = array<i64: 256, 256>}, {pipeline_mode = #tpu.pipeline_mode<synchronous>, transform_indices = @transform_4, window_bounds = array<i64: 1, 256>}, {pipeline_mode = #tpu.pipeline_mode<synchronous>, transform_indices = @transform_5, window_bounds = array<i64: 256, 256>}, {transform_indices = @transform_6, window_bounds = array<i64: 2, 1000, 128>}]} {
    %get3A = arith.constant 0 : index
    %get3A_0 = arith.constant 0 : index
    %get3A_1 = arith.constant 0 : index
    %get3A_2 = vector.load %arg2[%get3A, %get3A_0, %get3A_1] : memref<2x1000x128xf32, #tpu.memory_space<vmem>>, vector<1x1000x1xf32>
    %get3A_3 = vector.shape_cast %get3A_2 : vector<1x1000x1xf32> to vector<1000x1xf32>
    %get3A_4 = arith.constant 1 : index
    %get3A_5 = arith.constant 0 : index
    %get3A_6 = arith.constant 0 : index
    %get3A_7 = vector.load %arg2[%get3A_4, %get3A_5, %get3A_6] : memref<2x1000x128xf32, #tpu.memory_space<vmem>>, vector<1x1000x1xf32>
    %get3A_8 = vector.shape_cast %get3A_7 : vector<1x1000x1xf32> to vector<1000x1xf32>
    %add3A = arith.addf %get3A_3, %get3A_8 : vector<1000x1xf32>
    %max3A = arith.constant 1.000000e+00 : f32
    %max3A_9 = vector.broadcast %max3A : f32 to vector<1000x1xf32>
    %max3A_10 = arith.maximumf %add3A, %max3A_9 : vector<1000x1xf32>
    %div3A = arith.constant 1.000000e+00 : f32
    %div3A_11 = vector.broadcast %div3A : f32 to vector<1000x1xf32>
    %div3A_12 = arith.divf %div3A_11, %max3A_10 : vector<1000x1xf32>
    %get3A_13 = arith.constant 0 : index
    %get3A_14 = arith.constant 0 : index
    %get3A_15 = arith.constant 0 : index
    %get3A_16 = vector.load %arg1[%get3A_13, %get3A_14, %get3A_15] : memref<2x1000x128xf32, #tpu.memory_space<vmem>>, vector<1x1000x128xf32>
    %get3A_17 = vector.shape_cast %get3A_16 : vector<1x1000x128xf32> to vector<1000x128xf32>
    %mul3A = vector.broadcast %div3A_12 : vector<1000x1xf32> to vector<1000x128xf32>
    %mul3A_18 = arith.mulf %get3A_17, %mul3A : vector<1000x128xf32>
    %get3A_19 = arith.constant 1 : index
    %get3A_20 = arith.constant 0 : index
    %get3A_21 = arith.constant 0 : index
    %get3A_22 = vector.load %arg1[%get3A_19, %get3A_20, %get3A_21] : memref<2x1000x128xf32, #tpu.memory_space<vmem>>, vector<1x1000x128xf32>
    %get3A_23 = vector.shape_cast %get3A_22 : vector<1x1000x128xf32> to vector<1000x128xf32>
    %mul3A_24 = vector.broadcast %div3A_12 : vector<1000x1xf32> to vector<1000x128xf32>
    %mul3A_25 = arith.mulf %get3A_23, %mul3A_24 : vector<1000x128xf32>
    %get3A_26 = arith.constant 0 : index
    %get3A_27 = arith.constant 0 : index
    %get3A_28 = vector.load %arg4[%get3A_26, %get3A_27] : memref<256x256xf32, #tpu.memory_space<vmem>>, vector<256x256xf32>
    %get3A_29 = arith.constant 0 : index
    %get3A_30 = arith.constant 0 : index
    %get3A_31 = vector.load %arg6[%get3A_29, %get3A_30] : memref<256x256xf32, #tpu.memory_space<vmem>>, vector<256x256xf32>
    %slice3A = vector.extract_strided_slice %get3A_28 {offsets = [0, 0], sizes = [256, 128], strides = [1, 1]} : vector<256x256xf32> to vector<256x128xf32>
    %dot_general3A = arith.constant dense<0.000000e+00> : vector<1000x256xf32>
    %dot_general3A_32 = tpu.matmul %mul3A_18, %slice3A, %dot_general3A {dimension_numbers = #tpu.dot_dimension_numbers<[1], [1], [0], [0], [0, 0, 1, 0], [], []>, precision = #tpu.contract_precision<fp32>, transpose_lhs_hint = false} : vector<1000x128xf32>, vector<256x128xf32>, vector<1000x256xf32> -> vector<1000x256xf32>
    %slice3A_33 = vector.extract_strided_slice %get3A_28 {offsets = [0, 128], sizes = [256, 128], strides = [1, 1]} : vector<256x256xf32> to vector<256x128xf32>
    %dot_general3A_34 = arith.constant dense<0.000000e+00> : vector<1000x256xf32>
    %dot_general3A_35 = tpu.matmul %mul3A_25, %slice3A_33, %dot_general3A_34 {dimension_numbers = #tpu.dot_dimension_numbers<[1], [1], [0], [0], [0, 0, 1, 0], [], []>, precision = #tpu.contract_precision<fp32>, transpose_lhs_hint = false} : vector<1000x128xf32>, vector<256x128xf32>, vector<1000x256xf32> -> vector<1000x256xf32>
    %add3A_36 = arith.addf %dot_general3A_32, %dot_general3A_35 : vector<1000x256xf32>
    %get3A_37 = arith.constant 0 : index
    %get3A_38 = arith.constant 0 : index
    %get3A_39 = arith.constant 0 : index
    %get3A_40 = vector.load %arg3[%get3A_37, %get3A_38, %get3A_39] : memref<2x1000x128xf32, #tpu.memory_space<vmem>>, vector<1x1000x128xf32>
    %get3A_41 = vector.shape_cast %get3A_40 : vector<1x1000x128xf32> to vector<1000x128xf32>
    %slice3A_42 = vector.extract_strided_slice %get3A_31 {offsets = [0, 0], sizes = [256, 128], strides = [1, 1]} : vector<256x256xf32> to vector<256x128xf32>
    %dot_general3A_43 = arith.constant dense<0.000000e+00> : vector<1000x256xf32>
    %dot_general3A_44 = tpu.matmul %get3A_41, %slice3A_42, %dot_general3A_43 {dimension_numbers = #tpu.dot_dimension_numbers<[1], [1], [0], [0], [0, 0, 1, 0], [], []>, precision = #tpu.contract_precision<fp32>, transpose_lhs_hint = false} : vector<1000x128xf32>, vector<256x128xf32>, vector<1000x256xf32> -> vector<1000x256xf32>
    %add3A_45 = arith.addf %add3A_36, %dot_general3A_44 : vector<1000x256xf32>
    %get3A_46 = arith.constant 1 : index
    %get3A_47 = arith.constant 0 : index
    %get3A_48 = arith.constant 0 : index
    %get3A_49 = vector.load %arg3[%get3A_46, %get3A_47, %get3A_48] : memref<2x1000x128xf32, #tpu.memory_space<vmem>>, vector<1x1000x128xf32>
    %get3A_50 = vector.shape_cast %get3A_49 : vector<1x1000x128xf32> to vector<1000x128xf32>
    %slice3A_51 = vector.extract_strided_slice %get3A_31 {offsets = [0, 128], sizes = [256, 128], strides = [1, 1]} : vector<256x256xf32> to vector<256x128xf32>
    %dot_general3A_52 = arith.constant dense<0.000000e+00> : vector<1000x256xf32>
    %dot_general3A_53 = tpu.matmul %get3A_50, %slice3A_51, %dot_general3A_52 {dimension_numbers = #tpu.dot_dimension_numbers<[1], [1], [0], [0], [0, 0, 1, 0], [], []>, precision = #tpu.contract_precision<fp32>, transpose_lhs_hint = false} : vector<1000x128xf32>, vector<256x128xf32>, vector<1000x256xf32> -> vector<1000x256xf32>
    %add3A_54 = arith.addf %add3A_45, %dot_general3A_53 : vector<1000x256xf32>
    %get3A_55 = arith.constant 0 : index
    %get3A_56 = arith.constant 0 : index
    %get3A_57 = vector.load %arg5[%get3A_55, %get3A_56] : memref<1x256xf32, #tpu.memory_space<vmem>>, vector<1x256xf32>
    %add3A_58 = vector.broadcast %get3A_57 : vector<1x256xf32> to vector<1000x256xf32>
    %add3A_59 = arith.addf %add3A_54, %add3A_58 : vector<1000x256xf32>
    %max3A_60 = arith.constant 0.000000e+00 : f32
    %max3A_61 = vector.broadcast %max3A_60 : f32 to vector<1000x256xf32>
    %max3A_62 = arith.maximumf %add3A_59, %max3A_61 : vector<1000x256xf32>
    %slice3A_63 = vector.extract_strided_slice %max3A_62 {offsets = [0, 0], sizes = [1000, 128], strides = [1, 1]} : vector<1000x256xf32> to vector<1000x128xf32>
    %swap3A = arith.constant 0 : index
    %swap3A_64 = arith.constant 0 : index
    %swap3A_65 = arith.constant 0 : index
    %swap3A_66 = vector.load %arg7[%swap3A, %swap3A_64, %swap3A_65] : memref<2x1000x128xf32, #tpu.memory_space<vmem>>, vector<1x1000x128xf32>
    %swap3A_67 = vector.shape_cast %swap3A_66 : vector<1x1000x128xf32> to vector<1000x128xf32>
    %swap3A_68 = vector.shape_cast %slice3A_63 : vector<1000x128xf32> to vector<1x1000x128xf32>
    tpu.vector_store %arg7[%swap3A, %swap3A_64, %swap3A_65], %swap3A_68 {strides = array<i32>} : memref<2x1000x128xf32, #tpu.memory_space<vmem>>, vector<1x1000x128xf32>,
    %slice3A_69 = vector.extract_strided_slice %max3A_62 {offsets = [0, 128], sizes = [1000, 128], strides = [1, 1]} : vector<1000x256xf32> to vector<1000x128xf32>
    %swap3A_70 = arith.constant 1 : index
    %swap3A_71 = arith.constant 0 : index
    %swap3A_72 = arith.constant 0 : index
    %swap3A_73 = vector.load %arg7[%swap3A_70, %swap3A_71, %swap3A_72] : memref<2x1000x128xf32, #tpu.memory_space<vmem>>, vector<1x1000x128xf32>
    %swap3A_74 = vector.shape_cast %swap3A_73 : vector<1x1000x128xf32> to vector<1000x128xf32>
    %swap3A_75 = vector.shape_cast %slice3A_69 : vector<1000x128xf32> to vector<1x1000x128xf32>
    tpu.vector_store %arg7[%swap3A_70, %swap3A_71, %swap3A_72], %swap3A_75 {strides = array<i32>} : memref<2x1000x128xf32, #tpu.memory_space<vmem>>, vector<1x1000x128xf32>,
    return
  }
  func.func @transform_0(%arg0: i32) -> (i32, i32, i32) {
    %c0_i32 = arith.constant 0 : i32
    %c0_i32_0 = arith.constant 0 : i32
    %c0_i32_1 = arith.constant 0 : i32
    return %c0_i32, %arg0, %c0_i32_0 : i32, i32, i32
  }
  func.func @transform_1(%arg0: i32) -> (i32, i32, i32) {
    %c0_i32 = arith.constant 0 : i32
    %c0_i32_0 = arith.constant 0 : i32
    %c0_i32_1 = arith.constant 0 : i32
    return %c0_i32, %arg0, %c0_i32_0 : i32, i32, i32
  }
  func.func @transform_2(%arg0: i32) -> (i32, i32, i32) {
    %c0_i32 = arith.constant 0 : i32
    %c0_i32_0 = arith.constant 0 : i32
    %c0_i32_1 = arith.constant 0 : i32
    return %c0_i32, %arg0, %c0_i32_0 : i32, i32, i32
  }
  func.func @transform_3(%arg0: i32) -> (i32, i32) {
    %c0_i32 = arith.constant 0 : i32
    %c0_i32_0 = arith.constant 0 : i32
    %c0_i32_1 = arith.constant 0 : i32
    return %c0_i32, %c0_i32_0 : i32, i32
  }
  func.func @transform_4(%arg0: i32) -> (i32, i32) {
    %c0_i32 = arith.constant 0 : i32
    %c0_i32_0 = arith.constant 0 : i32
    %c0_i32_1 = arith.constant 0 : i32
    return %c0_i32, %c0_i32_0 : i32, i32
  }
  func.func @transform_5(%arg0: i32) -> (i32, i32) {
    %c0_i32 = arith.constant 0 : i32
    %c0_i32_0 = arith.constant 0 : i32
    %c0_i32_1 = arith.constant 0 : i32
    return %c0_i32, %c0_i32_0 : i32, i32
  }
  func.func @transform_6(%arg0: i32) -> (i32, i32, i32) {
    %c0_i32 = arith.constant 0 : i32
    %c0_i32_0 = arith.constant 0 : i32
    %c0_i32_1 = arith.constant 0 : i32
    return %c0_i32, %arg0, %c0_i32_0 : i32, i32, i32
  }
}

module attributes {stable_mosaic.version = 14 : i64} {
  func.func @body(%arg0: i32, %arg1: memref<2x1000x128xf32, #tpu.memory_space<vmem>>, %arg2: memref<2x1000x128xf32, #tpu.memory_space<vmem>>, %arg3: memref<2x1000x128xf32, #tpu.memory_space<vmem>>, %arg4: memref<256x256xf32, #tpu.memory_space<vmem>>, %arg5: memref<1x256xf32, #tpu.memory_space<vmem>>, %arg6: memref<256x256xf32, #tpu.memory_space<vmem>>, %arg7: memref<1000x256xf32, #tpu.memory_space<vmem>>) attributes {dimension_semantics = [#tpu.dimension_semantics<arbitrary>], iteration_bounds = array<i64: 10>, scalar_prefetch = 0 : i64, scratch_operands = 0 : i64, tpu.core_type = #tpu.core_type<tc>, window_params = [{transform_indices = @transform_0, window_bounds = array<i64: 2, 1000, 128>}, {transform_indices = @transform_1, window_bounds = array<i64: 2, 1000, 128>}, {transform_indices = @transform_2, window_bounds = array<i64: 2, 1000, 128>}, {pipeline_mode = #tpu.pipeline_mode<synchronous>, transform_indices = @transform_3, window_bounds = array<i64: 256, 256>}, {pipeline_mode = #tpu.pipeline_mode<synchronous>, transform_indices = @transform_4, window_bounds = array<i64: 1, 256>}, {pipeline_mode = #tpu.pipeline_mode<synchronous>, transform_indices = @transform_5, window_bounds = array<i64: 256, 256>}, {transform_indices = @transform_6, window_bounds = array<i64: 1000, 256>}]} {
    %get3A = arith.constant 0 : index
    %get3A_0 = arith.constant 0 : index
    %get3A_1 = arith.constant 0 : index
    %get3A_2 = vector.load %arg2[%get3A, %get3A_0, %get3A_1] : memref<2x1000x128xf32, #tpu.memory_space<vmem>>, vector<1x1000x1xf32>
    %get3A_3 = vector.shape_cast %get3A_2 : vector<1x1000x1xf32> to vector<1000x1xf32>
    %get3A_4 = arith.constant 1 : index
    %get3A_5 = arith.constant 0 : index
    %get3A_6 = arith.constant 0 : index
    %get3A_7 = vector.load %arg2[%get3A_4, %get3A_5, %get3A_6] : memref<2x1000x128xf32, #tpu.memory_space<vmem>>, vector<1x1000x1xf32>
    %get3A_8 = vector.shape_cast %get3A_7 : vector<1x1000x1xf32> to vector<1000x1xf32>
    %add3A = arith.addf %get3A_3, %get3A_8 : vector<1000x1xf32>
    %max3A = arith.constant 1.000000e+00 : f32
    %max3A_9 = vector.broadcast %max3A : f32 to vector<1000x1xf32>
    %max3A_10 = arith.maximumf %add3A, %max3A_9 : vector<1000x1xf32>
    %div3A = arith.constant 1.000000e+00 : f32
    %div3A_11 = vector.broadcast %div3A : f32 to vector<1000x1xf32>
    %div3A_12 = arith.divf %div3A_11, %max3A_10 : vector<1000x1xf32>
    %get3A_13 = arith.constant 0 : index
    %get3A_14 = arith.constant 0 : index
    %get3A_15 = arith.constant 0 : index
    %get3A_16 = vector.load %arg1[%get3A_13, %get3A_14, %get3A_15] : memref<2x1000x128xf32, #tpu.memory_space<vmem>>, vector<1x1000x128xf32>
    %get3A_17 = vector.shape_cast %get3A_16 : vector<1x1000x128xf32> to vector<1000x128xf32>
    %mul3A = vector.broadcast %div3A_12 : vector<1000x1xf32> to vector<1000x128xf32>
    %mul3A_18 = arith.mulf %get3A_17, %mul3A : vector<1000x128xf32>
    %get3A_19 = arith.constant 1 : index
    %get3A_20 = arith.constant 0 : index
    %get3A_21 = arith.constant 0 : index
    %get3A_22 = vector.load %arg1[%get3A_19, %get3A_20, %get3A_21] : memref<2x1000x128xf32, #tpu.memory_space<vmem>>, vector<1x1000x128xf32>
    %get3A_23 = vector.shape_cast %get3A_22 : vector<1x1000x128xf32> to vector<1000x128xf32>
    %mul3A_24 = vector.broadcast %div3A_12 : vector<1000x1xf32> to vector<1000x128xf32>
    %mul3A_25 = arith.mulf %get3A_23, %mul3A_24 : vector<1000x128xf32>
    %get3A_26 = arith.constant 0 : index
    %get3A_27 = arith.constant 0 : index
    %get3A_28 = vector.load %arg4[%get3A_26, %get3A_27] : memref<256x256xf32, #tpu.memory_space<vmem>>, vector<256x256xf32>
    %get3A_29 = arith.constant 0 : index
    %get3A_30 = arith.constant 0 : index
    %get3A_31 = vector.load %arg6[%get3A_29, %get3A_30] : memref<256x256xf32, #tpu.memory_space<vmem>>, vector<256x256xf32>
    %slice3A = vector.extract_strided_slice %get3A_28 {offsets = [0, 0], sizes = [256, 128], strides = [1, 1]} : vector<256x256xf32> to vector<256x128xf32>
    %dot_general3A = arith.constant dense<0.000000e+00> : vector<1000x256xf32>
    %dot_general3A_32 = tpu.matmul %mul3A_18, %slice3A, %dot_general3A {dimension_numbers = #tpu.dot_dimension_numbers<[1], [1], [0], [0], [0, 0, 1, 0], [], []>, precision = #tpu.contract_precision<fp32>, transpose_lhs_hint = false} : vector<1000x128xf32>, vector<256x128xf32>, vector<1000x256xf32> -> vector<1000x256xf32>
    %slice3A_33 = vector.extract_strided_slice %get3A_28 {offsets = [0, 128], sizes = [256, 128], strides = [1, 1]} : vector<256x256xf32> to vector<256x128xf32>
    %dot_general3A_34 = arith.constant dense<0.000000e+00> : vector<1000x256xf32>
    %dot_general3A_35 = tpu.matmul %mul3A_25, %slice3A_33, %dot_general3A_34 {dimension_numbers = #tpu.dot_dimension_numbers<[1], [1], [0], [0], [0, 0, 1, 0], [], []>, precision = #tpu.contract_precision<fp32>, transpose_lhs_hint = false} : vector<1000x128xf32>, vector<256x128xf32>, vector<1000x256xf32> -> vector<1000x256xf32>
    %add3A_36 = arith.addf %dot_general3A_32, %dot_general3A_35 : vector<1000x256xf32>
    %get3A_37 = arith.constant 0 : index
    %get3A_38 = arith.constant 0 : index
    %get3A_39 = arith.constant 0 : index
    %get3A_40 = vector.load %arg3[%get3A_37, %get3A_38, %get3A_39] : memref<2x1000x128xf32, #tpu.memory_space<vmem>>, vector<1x1000x128xf32>
    %get3A_41 = vector.shape_cast %get3A_40 : vector<1x1000x128xf32> to vector<1000x128xf32>
    %slice3A_42 = vector.extract_strided_slice %get3A_31 {offsets = [0, 0], sizes = [256, 128], strides = [1, 1]} : vector<256x256xf32> to vector<256x128xf32>
    %dot_general3A_43 = arith.constant dense<0.000000e+00> : vector<1000x256xf32>
    %dot_general3A_44 = tpu.matmul %get3A_41, %slice3A_42, %dot_general3A_43 {dimension_numbers = #tpu.dot_dimension_numbers<[1], [1], [0], [0], [0, 0, 1, 0], [], []>, precision = #tpu.contract_precision<fp32>, transpose_lhs_hint = false} : vector<1000x128xf32>, vector<256x128xf32>, vector<1000x256xf32> -> vector<1000x256xf32>
    %add3A_45 = arith.addf %add3A_36, %dot_general3A_44 : vector<1000x256xf32>
    %get3A_46 = arith.constant 1 : index
    %get3A_47 = arith.constant 0 : index
    %get3A_48 = arith.constant 0 : index
    %get3A_49 = vector.load %arg3[%get3A_46, %get3A_47, %get3A_48] : memref<2x1000x128xf32, #tpu.memory_space<vmem>>, vector<1x1000x128xf32>
    %get3A_50 = vector.shape_cast %get3A_49 : vector<1x1000x128xf32> to vector<1000x128xf32>
    %slice3A_51 = vector.extract_strided_slice %get3A_31 {offsets = [0, 128], sizes = [256, 128], strides = [1, 1]} : vector<256x256xf32> to vector<256x128xf32>
    %dot_general3A_52 = arith.constant dense<0.000000e+00> : vector<1000x256xf32>
    %dot_general3A_53 = tpu.matmul %get3A_50, %slice3A_51, %dot_general3A_52 {dimension_numbers = #tpu.dot_dimension_numbers<[1], [1], [0], [0], [0, 0, 1, 0], [], []>, precision = #tpu.contract_precision<fp32>, transpose_lhs_hint = false} : vector<1000x128xf32>, vector<256x128xf32>, vector<1000x256xf32> -> vector<1000x256xf32>
    %add3A_54 = arith.addf %add3A_45, %dot_general3A_53 : vector<1000x256xf32>
    %get3A_55 = arith.constant 0 : index
    %get3A_56 = arith.constant 0 : index
    %get3A_57 = vector.load %arg5[%get3A_55, %get3A_56] : memref<1x256xf32, #tpu.memory_space<vmem>>, vector<1x256xf32>
    %add3A_58 = vector.broadcast %get3A_57 : vector<1x256xf32> to vector<1000x256xf32>
    %add3A_59 = arith.addf %add3A_54, %add3A_58 : vector<1000x256xf32>
    %swap3A = arith.constant 0 : index
    %swap3A_60 = arith.constant 0 : index
    %swap3A_61 = vector.load %arg7[%swap3A, %swap3A_60] : memref<1000x256xf32, #tpu.memory_space<vmem>>, vector<1000x256xf32>
    tpu.vector_store %arg7[%swap3A, %swap3A_60], %add3A_59 {strides = array<i32>} : memref<1000x256xf32, #tpu.memory_space<vmem>>, vector<1000x256xf32>,
    return
  }
  func.func @transform_0(%arg0: i32) -> (i32, i32, i32) {
    %c0_i32 = arith.constant 0 : i32
    %c0_i32_0 = arith.constant 0 : i32
    %c0_i32_1 = arith.constant 0 : i32
    return %c0_i32, %arg0, %c0_i32_0 : i32, i32, i32
  }
  func.func @transform_1(%arg0: i32) -> (i32, i32, i32) {
    %c0_i32 = arith.constant 0 : i32
    %c0_i32_0 = arith.constant 0 : i32
    %c0_i32_1 = arith.constant 0 : i32
    return %c0_i32, %arg0, %c0_i32_0 : i32, i32, i32
  }
  func.func @transform_2(%arg0: i32) -> (i32, i32, i32) {
    %c0_i32 = arith.constant 0 : i32
    %c0_i32_0 = arith.constant 0 : i32
    %c0_i32_1 = arith.constant 0 : i32
    return %c0_i32, %arg0, %c0_i32_0 : i32, i32, i32
  }
  func.func @transform_3(%arg0: i32) -> (i32, i32) {
    %c0_i32 = arith.constant 0 : i32
    %c0_i32_0 = arith.constant 0 : i32
    %c0_i32_1 = arith.constant 0 : i32
    return %c0_i32, %c0_i32_0 : i32, i32
  }
  func.func @transform_4(%arg0: i32) -> (i32, i32) {
    %c0_i32 = arith.constant 0 : i32
    %c0_i32_0 = arith.constant 0 : i32
    %c0_i32_1 = arith.constant 0 : i32
    return %c0_i32, %c0_i32_0 : i32, i32
  }
  func.func @transform_5(%arg0: i32) -> (i32, i32) {
    %c0_i32 = arith.constant 0 : i32
    %c0_i32_0 = arith.constant 0 : i32
    %c0_i32_1 = arith.constant 0 : i32
    return %c0_i32, %c0_i32_0 : i32, i32
  }
  func.func @transform_6(%arg0: i32) -> (i32, i32) {
    %c0_i32 = arith.constant 0 : i32
    %c0_i32_0 = arith.constant 0 : i32
    return %arg0, %c0_i32 : i32, i32
  }
}

</mosaic_0001>

<sc_bundles>
// kernel: kernel.12.cloned.1.call-start
scs
__scs_entry_jumppad:
0x0: {  	(pc) =	sbr.rel $0x88, $3  }
0x1: {  	(tag) =	ssettag $0x0;
	lr =	simm.s32 $0x1  }
0x2: {  	[smem:$0x3F96] =	sst lr;
	_ =	strace $0xD0000000  }
0x3: {  	_ = 	snop  }
0x4: {  	_ = 	snop  }
0x5: {  	_ = 	snop  }
0x6: {  	_ = 	snop  }
0x7: {  	_ = 	snop  }
__scs_overlays_trampoline_lowered:
0x8: {  	[smem:$0x3FA5] =	sst s0  }
0x9: {  	[smem:$0x3FA6] =	sst s1  }
0xa: {  	[smem:$0x3FA7] =	sst s2  }
0xb: {  	[smem:$0x3FA8] =	sst s3  }
0xc: {  	[smem:$0x3FA9] =	sst s4  }
0xd: {  	[smem:$0x3FAA] =	sst s5  }
0xe: {  	[smem:$0x3FAB] =	sst s6  }
0xf: {  	[smem:$0x3FAC] =	sst s7  }
0x10: {  	[smem:$0x3FAD] =	sst s8  }
0x11: {  	[smem:$0x3FAE] =	sst s9;
	s0 =	simm.s32 @!p0 $0x0  }
0x12: {  	s1 =	sld [smem:$0x3F94];
	s0 =	simm.s32 @p0 $0x1  }
0x13: {  	[smem:$0x3FAF] =	sst s0;
	s0 =	simm.s32 @!p1 $0x0  }
0x14: {  	s2 =	sld [smem:$0x3F93];
	s0 =	simm.s32 @p1 $0x1  }
0x15: {  	[smem:$0x3FB0] =	sst s0;
	s0 =	simm.s32 @!p2 $0x0  }
0x16: {  	s3 =	sld [smem:$0x3FDB];
	s0 =	simm.s32 @p2 $0x1  }
0x17: {  	s4 =	simm.s32 $0x1BF5;
	[smem:$0x3FB2] =	sst s0  }
0x18: {  	s0 =	sld [smem:$0x3F95];
	_ =	swait.ge [sflag:s4], $0x0  }
0x19: {  	s7 =	sld [smem:$0x3F96]  }
0x1a: {  	s8 =	sadd.s32 $0xFFFFE003, lr  }
0x1b: {  	s9 =	sadd.s32 $0xFFFFFEF7, lr;
	s5 =	simm.s32 $0xFFFFFFFF;
	p2 =	slt.u32 s8, $0xFFFFF086  }
0x1c: {  	p1 =	slt.u32 s9, $0xF7A;
	s5 =	simm.s32 @!p2 $0x0  }
0x1d: {  	s5 =	simm.s32 @p1 $0x1;
	p0 =	seq.s32 s7, s2  }
0x1e: {  	s7 =	smul.u32 @!p0 $0xF7A, s2;
	p2 =	seq.s32 @!p0 s5, $0x0  }
0x1f: {  	s9 =	smul.u32 $0xF7A, s1;
	s8 =	simm.s32 @!p0 $0x1BF5;
	p2 =	por !p2, p0  }
0x20: {  	[sflag:s8] =	ssyncset.s32 @!p0 $0xFFFFF086;
	s6 =	sadd.s32 @!p0 s3, s7;
	s7 =	simm.s32 @!p0 $0x108  }
0x21: {  	s3 =	sadd.s32 s3, s9;
	s6 =	sadd.s32 @!p0 $0x88, s6;
	s7 =	simm.s32 @p2 $0x1082  }
0x22: {  	[simem:s7], [sflag:s8] =	dma.local @!p0 [hbm:s6], $0xF7A  }
0x23: {  	s9 =	sor.u32 $0xD0000000, s2;
	s6 =	simm.s32 $0x108;
	_ =	swait.ge @!p0 [sflag:s8], $0x0  }
0x24: {  	s3 =	sadd.s32 $0x88, s3;
	s6 =	simm.s32 @!p1 $0x1082;
	[sflag:s4] =	ssyncset.s32 $0xFFFFF086  }
0x25: {  	[simem:s6], [sflag:s4] =	dma.local [hbm:s3], $0xF7A  }
0x26: {  	[smem:$0x3F96] =	sst s1;
	(tag) =	ssettag s2;
	_ =	strace s9  }
0x27: {  	s1 =	sld [smem:$0x3FA6]  }
0x28: {  	s2 =	sld [smem:$0x3FA7]  }
0x29: {  	s4 =	sld [smem:$0x3FA9]  }
0x2a: {  	p0 =	seq.s32 s5, $0x0;
	s5 =	sld [smem:$0x3FAA]  }
0x2b: {  	s6 =	sld [smem:$0x3FAB]  }
0x2c: {  	s7 =	sld [smem:$0x3FAC]  }
0x2d: {  	s3 =	simm.s32 $0x108;
	s8 =	sld [smem:$0x3FAD]  }
0x2e: {  	s3 =	simm.s32 @!p0 $0x1082;
	s9 =	sld [smem:$0x3FAE]  }
0x2f: {  	lr =	sadd.s32 s0, s3;
	s0 =	sld [smem:$0x3FA5]  }
0x30: {  	s3 =	sld [smem:$0x3FA8]  }
0x31: {  	[smem:$0x3FB1] =	sst s10  }
0x32: {  	s10 =	sld [smem:$0x3FAF];
	_ =	sdelay $0x3  }
0x33: {  	p0 =	seq.s32 s10, $0x1;
	s10 =	sld [smem:$0x3FB1];
	_ =	sdelay $0x3  }
0x34: {  	[smem:$0x3FB1] =	sst s10  }
0x35: {  	s10 =	sld [smem:$0x3FB0];
	_ =	sdelay $0x3  }
0x36: {  	p1 =	seq.s32 s10, $0x1;
	s10 =	sld [smem:$0x3FB1];
	_ =	sdelay $0x3  }
0x37: {  	[smem:$0x3FB1] =	sst s10  }
0x38: {  	s10 =	sld [smem:$0x3FB2]  }
0x39: {  	_ = 	snop;
	(pc) =	sbr.ind lr, $3  }
0x3a: {  	_ = 	snop  }
0x3b: {  	_ = 	snop  }
0x3c: {  	p2 =	seq.s32 s10, $0x1;
	s10 =	sld [smem:$0x3FB1]  }
0x3d: {  	_ =	shalt  }
0x3e: {  	_ =	shalt  }
0x3f: {  	_ =	shalt  }
0x40: {  	_ =	shalt  }
0x41: {  	_ =	shalt  }
0x42: {  	_ =	shalt  }
0x43: {  	_ =	shalt  }
0x44: {  	_ =	shalt  }
0x45: {  	_ =	shalt  }
0x46: {  	_ =	shalt  }
0x47: {  	_ =	shalt  }
0x48: {  	_ =	shalt  }
0x49: {  	_ =	shalt  }
0x4a: {  	_ =	shalt  }
0x4b: {  	_ =	shalt  }
0x4c: {  	_ =	shalt  }
0x4d: {  	_ =	shalt  }
0x4e: {  	_ =	shalt  }
0x4f: {  	_ =	shalt  }
0x50: {  	_ =	shalt  }
0x51: {  	_ =	shalt  }
0x52: {  	_ =	shalt  }
0x53: {  	_ =	shalt  }
0x54: {  	_ =	shalt  }
0x55: {  	_ =	shalt  }
0x56: {  	_ =	shalt  }
0x57: {  	_ =	shalt  }
0x58: {  	_ =	shalt  }
0x59: {  	_ =	shalt  }
0x5a: {  	_ =	shalt  }
0x5b: {  	_ =	shalt  }
0x5c: {  	_ =	shalt  }
0x5d: {  	_ =	shalt  }
0x5e: {  	_ =	shalt  }
0x5f: {  	_ =	shalt  }
0x60: {  	_ =	shalt  }
0x61: {  	_ =	shalt  }
0x62: {  	_ =	shalt  }
0x63: {  	_ =	shalt  }
0x64: {  	_ =	shalt  }
0x65: {  	_ =	shalt  }
0x66: {  	_ =	shalt  }
0x67: {  	_ =	shalt  }
0x68: {  	_ =	shalt  }
0x69: {  	_ =	shalt  }
0x6a: {  	_ =	shalt  }
0x6b: {  	_ =	shalt  }
0x6c: {  	_ =	shalt  }
0x6d: {  	_ =	shalt  }
0x6e: {  	_ =	shalt  }
0x6f: {  	_ =	shalt  }
0x70: {  	_ =	shalt  }
0x71: {  	_ =	shalt  }
0x72: {  	_ =	shalt  }
0x73: {  	_ =	shalt  }
0x74: {  	_ =	shalt  }
0x75: {  	_ =	shalt  }
0x76: {  	_ =	shalt  }
0x77: {  	_ =	shalt  }
0x78: {  	_ =	shalt  }
0x79: {  	_ =	shalt  }
0x7a: {  	_ =	shalt  }
0x7b: {  	_ =	shalt  }
0x7c: {  	_ =	shalt  }
0x7d: {  	_ =	shalt  }
0x7e: {  	_ =	shalt  }
0x7f: {  	_ =	shalt  }
0x80: {  	_ =	shalt  }
0x81: {  	_ =	shalt  }
0x82: {  	_ =	shalt  }
0x83: {  	_ =	shalt  }
0x84: {  	_ =	shalt  }
0x85: {  	_ =	shalt  }
0x86: {  	_ =	shalt  }
0x87: {  	_ =	shalt  }
.Lfunc_end0:
.L_simem_size_0:
called_computation.1_lowered:
.L_overlay_start_0:
0x88: {  	s2 =	sld [smem:$0x3FD9]  }
0x89: {  	s3 =	sld [smem:$0x3FFE];
	_ =	sdelay $0x1  }
0x8a: {  	s1 =	srdreg.scid  }
0x8b: {  	s0 =	sand.u32 $0x1, s1  }
0x8c: {  	s17 =	sshll.u32 s0, $0xA;
	s2 =	sadd.s32 s3, s2  }
0x8d: {  	s2 =	sadd.s32 s2, s17  }
0x8e: {  	[smem:$0x3FBD] =	sst s2  }
0x8f: {  	_ = 	snop  }
0x90: {  	s2 =	sld [smem:$0x3FD0];
	(tm) =	ssettm $0x1  }
0x91: {  	s18 =	sld [smem:$0x3FFB];
	_ =	sdelay $0x3  }
0x92: {  	_ =	strace s18  }
0x93: {  	s3 =	sld [smem:$0x3FFC];
	_ =	sdelay $0x3  }
0x94: {  	_ =	strace s3  }
0x95: {  	s3 =	sld [smem:$0x3FFD];
	_ =	sdelay $0x3  }
0x96: {  	_ =	strace s3  }
0x97: {  	_ =	strace $0x8FFFFFFF  }
0x98: {  	s19 =	sld [smem:$0x3FDB];
	_ =	sdelay $0x1  }
0x99: {  	s4 =	simm.s32 $_scs_section_size  }
0x9a: {  	s5 =	simm.s32 $_size__tile_overlayer_lowered;
	s6 =	simm.s32 $_tile_overlayer_lowered  }
0x9b: {  	s22 =	simm.s32 $0x1BFF;
	s21 =	sshll.u32 s6, $0x1;
	s3 =	sadd.s32 s4, s19  }
0x9c: {  	s7 =	simm.s32 $0x0;
	s20 =	sshll.u32 s5, $0x1;
	s5 =	sadd.s32 s21, s3  }
0x9d: {  	[timem:s7], [sflag:s22] =	dma.local [hbm:s5], s20  }
0x9e: {  	_ =	swait.ge [sflag:s22], s20  }
0x9f: {  	s4 =	ssub.s32 $0x0, s20;
	[sflag:s22] =	ssyncset.done $0x0  }
0xa0: {  	[sflag:s22] =	ssyncadd.s32 s4;
	_ =	sdelay $0x1  }
0xa1: {  	s23 =	simm.s32 $0x1B8B  }
0xa2: {  	_ =	swait.ge [sflag:s23], $0x1  }
0xa3: {  	[sflag:s23] =	ssyncset.done $0x0  }
0xa4: {  	s25 =	simm.s32 $0x1B8E;
	s24 =	sld [smem:$0x3FFE];
	[sflag:s23] =	ssyncadd.s32 $0xFFFFFFFF  }
0xa5: {  	s26 =	simm.s32 $execute0_lowered;
	[smem:$0x3FD2] =	sst s25  }
0xa6: {  	s5 =	sshll.u32 s26, $0x1;
	_ =	strace $0x80000046;
	[dreg:$0x1] =	wrdreg $0xFFFFFFFF  }
0xa7: {  	s28 =	simm.s32 $_size_execute0_lowered;
	s3 =	sadd.s32 s3, s5;
	[dreg:$0x0] =	wrdreg $0x0  }
0xa8: {  	s5 =	sshll.u32 s28, $0x1;
	[dreg:$0x2] =	wrdreg s3  }
0xa9: {  	[dreg:$0x3] =	wrdreg s5  }
0xaa: {  	[dreg:$0x4] =	wrdreg $0xC0  }
0xab: {  	_ =	task [dreg:s7], $0x5FFFF  }
0xac: {  	[dreg:$0x1] =	wrdreg $0xFFFFFFFF  }
0xad: {  	[dreg:$0x0] =	wrdreg $0x60  }
0xae: {  	[dreg:$0x2] =	wrdreg s2  }
0xaf: {  	[dreg:$0x3] =	wrdreg s24  }
0xb0: {  	[dreg:$0x4] =	wrdreg $0x82000  }
0xb1: {  	[dreg:$0x5] =	wrdreg $0xA  }
0xb2: {  	_ =	task.clear_ibuf [dreg:s7], $0x6FFFF;
	_ =	strace $0x90000046  }
0xb3: {  	s29 =	simm.s32 $0xA;
	_ =	strace $0x80000048  }
0xb4: {  	_ =	swait.ge [sflag:s29], $0x1  }
0xb5: {  	[sflag:s29] =	ssyncadd.s32 $0xFFFFFFFF  }
0xb6: {  	_ =	strace $0x90000048  }
0xb7: {  	_ =	sfence  }
0xb8: {  	s30 =	sld [smem:$0x0];
	_ =	sdelay $0x2  }
0xb9: {  	s31 =	sshll.u32 s1, $0xD;
	s1 =	sshrl.u32 s1, $0x2  }
0xba: {  	s3 =	sand.u32 $0x4000, s31;
	s1 =	sadd.s32 s1, s30  }
0xbb: {  	s0 =	sor.u32 s3, s0;
	s1 =	sshll.u32 s1, $0x11  }
0xbc: {  	s0 =	sor.u32 s1, s0  }
0xbd: {  	s0 =	sadd.s32 $0x8F2B, s0  }
0xbe: {  	[sflag:s0] =	ssyncadd.remote.s32 $0x1  }
0xbf: {  	_ =	sfence.sel $0xFFFF  }
0xc0: {  	[dreg:$0x0] =	wrdreg $0xFFFFFFFF;
	(pc) =	sbr.abs _section_cstart, $3  }
0xc1: {  	[dreg:$0x1] =	wrdreg $0xFFFFFFFF  }
0xc2: {  	_ =	task.clear_ibuf [dreg:s7], $0x2FFFF;
	_ =	strace $0x9FFFFFFF  }
0xc3: {  	(tm) =	ssettm $0x7FFFFFFF  }
tec
execute0_lowered:
.L_overlay_start_1:
0x0: {  	(tag) =	ssettag $0x1  }
0x1: {  	s1 =	rddreg [dreg:$0x0]  }
0x2: {  	s0 =	rddreg [dreg:$0x1]  }
0x3: {  	s2 =	rddreg [dreg:$0x2]  }
0x4: {  	s3 =	srdreg.scid;
	s9 =	stileid.u32  }
0x5: {  	s4 =	simm.s32 $0x0;
	s28 =	simm.s32 $0x4200;
	s7 =	smul.u32 $0x13C00, s9  }
0x6: {  	s29 =	simm.s32 $0x2;
	s30 =	simm.s32 $0x4;
	s18 =	smul.u32 $0x4F000, s9  }
0x7: {  	s31 =	simm.s32 $0x0;
	s3 =	sand.u32 $0x1, s3;
	s20 =	smul.u32 $0x2800, s9  }
0x8: {  	[smem:$0x7FF] =	sst s4;
	s5 =	sadd.s32 $0x8400, s0;
	s11 =	smul.u32 $0x5000, s9  }
0x9: {  	s16 =	sadd.s32 $0x3400, s0;
	s6 =	smul.u32 $0x13C000, s3;
	s8 =	ssub.s32 $0x2, s3  }
0xa: {  	_ =	strace $0x80000047;
	s3 =	sshll.u32 s3, $0x7;
	s19 =	sshrl.u32 s8, $0x1  }
0xb: {  	s12 =	sshrl.u32 s20, $0x7;
	s6 =	sadd.s32 s7, s6;
	s7 =	sshrl.u32 s18, $0x2  }
0xc: {  	s17 =	ssub.s32 s8, s19;
	s19 =	sor.u32 s3, s11;
	s13 =	sor.u32 $0x1, s12  }
0xd: {  	s18 =	smul.u32 $0x500, s9;
	s6 =	sshrl.u32 s6, $0x3;
	s11 =	sshrl.u32 s19, $0x3  }
0xe: {  	s14 =	sshll.u32 s13, $0x8;
	s24 =	sshll.u32 s13, $0x4;
	s25 =	sor.u32 $0x300, s19  }
0xf: {  	s19 =	sor.u32 $0x200, s19;
	s0 =	sadd.s32 s6, s0;
	s6 =	sadd.s32 s7, s2  }
0x10: {  	s7 =	sshrl.u32 s20, $0x3;
	s11 =	sadd.s32 s5, s11;
	s3 =	sor.u32 s3, s14  }
0x11: {  	s14 =	sadd.s32 s16, s24;
	s26 =	sadd.s32 s18, s16;
	s20 =	simm.s32 $0x100  }
0x12: {  	s24 =	simm.s32 $0x4100;
	s21 =	sadd.s32 $0x4000, s6;
	s22 =	sadd.s32 $0x8000, s6  }
0x13: {  	s23 =	sadd.s32 $0xC000, s6;
	s10 =	sadd.s32 $0x10000, s6;
	s12 =	sadd.s32 s16, s7  }
0x14: {  	s3 =	sshrl.u32 s3, $0x3;
	s15 =	sadd.s32 $0x12400, s0;
	[dreg:$0x4] =	wrdreg s21  }
0x15: {  	s16 =	smax.u32 s17, $0x1;
	s17 =	sadd.s32 $0x30, s26;
	[dreg:$0x5] =	wrdreg s22  }
0x16: {  	s26 =	simm.s32 $0x3;
	[dreg:$0x6] =	wrdreg s23;
	s13 =	sadd.s32 s5, s3  }
0x17: {  	s3 =	sshrl.u32 s25, $0x3;
	s21 =	simm.s32 $0x5;
	s22 =	simm.s32 $0x80  }
0x18: {  	v0 =	vimm.f32 $0.0e+00;
	s23 =	simm.s32 $0x1;
	s25 =	simm.s32 $0x4180;
	s18 =	sadd.s32 s3, s5  }
.LBB2_1:
0x19: {  	s0 =	simm.s32 $0x0;
	s3 =	simm.s32 $0x200  }
.LBB2_2:
0x1a: {  	p0 =	sne.s32 s3, $0xFE00;
	[tilespmem:s0+$0x170] =	vst v0  }
0x1b: {  	[tilespmem:s0+$0x100] =	vst v0  }
0x1c: {  	[tilespmem:s0+$0x110] =	vst v0  }
.Ltmp0:
0x1d: {  	[tilespmem:s0+$0x120] =	vst v0;
	(pc) =	sbr.rel @p0 .LBB2_2-.Ltmp0, $4  }
0x1e: {  	[tilespmem:s0+$0x130] =	vst v0  }
0x1f: {  	[tilespmem:s0+$0x140] =	vst v0  }
0x20: {  	[tilespmem:s0+$0x150] =	vst v0  }
0x21: {  	[tilespmem:s0+$0x160] =	vst v0;
	s0 =	sshra.s32 s3, $0x2;
	s3 =	sadd.s32 $0x200, s3  }
0x22: {  	[tilespmem:s0+$0x170] =	vst v0  }
0x23: {  	[tilespmem:s0+$0x100] =	vst v0  }
0x24: {  	[tilespmem:s0+$0x110] =	vst v0  }
0x25: {  	[tilespmem:s0+$0x120] =	vst v0  }
0x26: {  	[tilespmem:s0+$0x130] =	vst v0  }
0x27: {  	[tilespmem:s0+$0x140] =	vst v0  }
0x28: {  	[tilespmem:s0+$0x150] =	vst v0  }
0x29: {  	[tilespmem:s0+$0x160] =	vst v0  }
0x2a: {  	[spmem:s6] =	stream.linear.scatter [tilespmem:s20], [sflag:$0x5], $0x4000, $0x38;
	[tilespmem:$0x1BE00] =	vst v63  }
0x2b: {  	_ =	swait.ge [sflag:s21], $0x4000  }
0x2c: {  	[sflag:s21] =	ssyncset.done $0x0  }
0x2d: {  	s7 =	rddreg [dreg:$0x4];
	[sflag:s21] =	ssyncadd.s32 $0xFFFFC000  }
0x2e: {  	[spmem:s7] =	stream.linear.scatter [tilespmem:s20], [sflag:$0x5], $0x4000, $0x38;
	[tilespmem:$0x1BE00] =	vst v63  }
0x2f: {  	_ =	swait.ge [sflag:s21], $0x4000  }
0x30: {  	[sflag:s21] =	ssyncset.done $0x0  }
0x31: {  	s8 =	rddreg [dreg:$0x5];
	[sflag:s21] =	ssyncadd.s32 $0xFFFFC000  }
0x32: {  	[spmem:s8] =	stream.linear.scatter [tilespmem:s20], [sflag:$0x5], $0x4000, $0x38;
	[tilespmem:$0x1BE00] =	vst v63  }
0x33: {  	_ =	swait.ge [sflag:s21], $0x4000  }
0x34: {  	[sflag:s21] =	ssyncset.done $0x0  }
0x35: {  	s9 =	rddreg [dreg:$0x6];
	[sflag:s21] =	ssyncadd.s32 $0xFFFFC000  }
0x36: {  	[spmem:s9] =	stream.linear.scatter [tilespmem:s20], [sflag:$0x5], $0x4000, $0x38;
	[tilespmem:$0x1BE00] =	vst v63  }
0x37: {  	_ =	swait.ge [sflag:s21], $0x4000  }
0x38: {  	[sflag:s21] =	ssyncset.done $0x0  }
0x39: {  	[sflag:s21] =	ssyncadd.s32 $0xFFFFC000  }
0x3a: {  	[spmem:s10] =	stream.linear.scatter [tilespmem:s20], [sflag:$0x5], $0x3C00, $0x38;
	[tilespmem:$0x1BE00] =	vst v63  }
0x3b: {  	_ =	swait.ge [sflag:s21], $0x3C00  }
0x3c: {  	[sflag:s21] =	ssyncset.done $0x0  }
0x3d: {  	[sflag:s21] =	ssyncadd.s32 $0xFFFFC400  }
0x3e: {  	s3 =	simm.s32 $0x0;
	[bflag:$0x0] =	sbarrier.arrive $0xFFFF  }
0x3f: {  	[tilespmem:s3], [sflag:$0x1] =	stream.linear.gather [hbm4b:s11+s3], $0x80, $0x38;
	[tilespmem:$0x1BE00] =	vst v63  }
0x40: {  	_ = 	snop  }
0x41: {  	[tilespmem:s22], [sflag:$0x1] =	stream.linear.gather [hbm4b:s12+s3], $0x80, $0x38;
	[tilespmem:$0x1BE00] =	vst v63  }
0x42: {  	_ =	swait.ge [sflag:s23], $0x80  }
0x43: {  	[sflag:s23] =	ssyncset.done $0x0  }
0x44: {  	[sflag:s23] =	ssyncadd.s32 $0xFFFFFF80  }
0x45: {  	_ =	swait.ge [sflag:s23], $0x80  }
0x46: {  	[sflag:s23] =	ssyncset.done $0x0  }
0x47: {  	[sflag:s23] =	ssyncadd.s32 $0xFFFFFF80  }
0x48: {  	[tilespmem:s20], [sflag:$0x1] =	stream.indirect.gather [hbm4b:s1+s22], $0x80, s3, s22, $0xb8;
	[tilespmem:$0x1BE00] =	vst v63  }
0x49: {  	_ = 	snop  }
0x4a: {  	[tilespmem:s24], [sflag:$0x3] =	stream.linear.gather [hbm4b:s13+s3], $0x80, $0x38;
	[tilespmem:$0x1BE00] =	vst v63  }
0x4b: {  	_ = 	snop  }
0x4c: {  	[tilespmem:s25], [sflag:$0x3] =	stream.linear.gather [hbm4b:s14+s3], $0x80, $0x38;
	[tilespmem:$0x1BE00] =	vst v63  }
0x4d: {  	_ =	swait.ge [sflag:s26], $0x80  }
0x4e: {  	[sflag:s26] =	ssyncset.done $0x0  }
0x4f: {  	[sflag:s26] =	ssyncadd.s32 $0xFFFFFF80  }
0x50: {  	_ =	swait.ge [sflag:s26], $0x80  }
0x51: {  	[sflag:s26] =	ssyncset.done $0x0  }
0x52: {  	[sflag:s26] =	ssyncadd.s32 $0xFFFFFF80  }
0x53: {  	[tilespmem:s28], [sflag:$0x3] =	stream.indirect.gather [hbm4b:s1+s22], $0x80, s24, s22, $0xb8;
	[tilespmem:$0x1BE00] =	vst v63  }
0x54: {  	_ =	swait.ge [sflag:s23], $0x4000  }
0x55: {  	[sflag:s23] =	ssyncset.done $0x0  }
0x56: {  	[sflag:s23] =	ssyncadd.s32 $0xFFFFC000  }
0x57: {  	[spmem:s2] =	stream.indirect.scatter.add.f32 [tilespmem:s20], [sflag:$0x2], $0x80, s22, s22, $0xb8;
	[tilespmem:$0x1BE00] =	vst v63  }
0x58: {  	_ =	swait.ge [sflag:s26], $0x4000  }
0x59: {  	[sflag:s26] =	ssyncset.done $0x0  }
0x5a: {  	[sflag:s26] =	ssyncadd.s32 $0xFFFFC000  }
0x5b: {  	[spmem:s2] =	stream.indirect.scatter.add.f32 [tilespmem:s28], [sflag:$0x4], $0x80, s25, s22, $0xb8;
	[tilespmem:$0x1BE00] =	vst v63  }
0x5c: {  	_ =	swait.ge [sflag:s29], $0x4000  }
0x5d: {  	s7 =	sshrl.u32 s19, $0x3;
	[sflag:s29] =	ssyncset.done $0x0  }
0x5e: {  	s0 =	sadd.s32 s5, s7;
	[sflag:s29] =	ssyncadd.s32 $0xFFFFC000  }
0x5f: {  	[tilespmem:s4], [sflag:$0x1] =	stream.linear.gather [hbm4b:s0+s4], $0x80, $0x38;
	[tilespmem:$0x1BE00] =	vst v63  }
0x60: {  	s8 =	sadd.s32 $0xFFFFFFF0, s17  }
0x61: {  	[tilespmem:s22], [sflag:$0x1] =	stream.linear.gather [hbm4b:s8+s4], $0x80, $0x38;
	[tilespmem:$0x1BE00] =	vst v63  }
0x62: {  	_ =	swait.ge [sflag:s23], $0x80  }
0x63: {  	[sflag:s23] =	ssyncset.done $0x0  }
0x64: {  	[sflag:s23] =	ssyncadd.s32 $0xFFFFFF80  }
0x65: {  	_ =	swait.ge [sflag:s23], $0x80  }
0x66: {  	[sflag:s23] =	ssyncset.done $0x0  }
0x67: {  	[sflag:s23] =	ssyncadd.s32 $0xFFFFFF80  }
0x68: {  	[tilespmem:s20], [sflag:$0x1] =	stream.indirect.gather [hbm4b:s1+s22], $0x80, s4, s22, $0xb8;
	[tilespmem:$0x1BE00] =	vst v63  }
0x69: {  	_ =	swait.ge [sflag:s30], $0x4000  }
0x6a: {  	[sflag:s30] =	ssyncset.done $0x0  }
0x6b: {  	s9 =	sadd.s32 $0x0, s18;
	[sflag:s30] =	ssyncadd.s32 $0xFFFFC000  }
0x6c: {  	[tilespmem:s24], [sflag:$0x3] =	stream.linear.gather [hbm4b:s9+s4], $0x80, $0x38;
	[tilespmem:$0x1BE00] =	vst v63  }
0x6d: {  	_ = 	snop  }
0x6e: {  	[tilespmem:s25], [sflag:$0x3] =	stream.linear.gather [hbm4b:s17+s4], $0x80, $0x38;
	[tilespmem:$0x1BE00] =	vst v63  }
0x6f: {  	_ =	swait.ge [sflag:s26], $0x80  }
0x70: {  	[sflag:s26] =	ssyncset.done $0x0  }
0x71: {  	[sflag:s26] =	ssyncadd.s32 $0xFFFFFF80  }
0x72: {  	_ =	swait.ge [sflag:s26], $0x80  }
0x73: {  	s7 =	sadd.s32 $0x200, s19;
	[sflag:s26] =	ssyncset.done $0x0  }
0x74: {  	s3 =	sadd.s32 $0x20, s17;
	s0 =	simm.s32 $0x40;
	[sflag:s26] =	ssyncadd.s32 $0xFFFFFF80  }
.LBB2_4:
0x75: {  	[tilespmem:s28], [sflag:$0x3] =	stream.indirect.gather [hbm4b:s1+s22], $0x80, s24, s22, $0xb8;
	[tilespmem:$0x1BE00] =	vst v63  }
0x76: {  	s8 =	smov.u32 s0  }
0x77: {  	p0 =	sne.s32 s0, $0x980;
	s0 =	sadd.s32 $0x40, s0;
	_ =	swait.ge [sflag:s23], $0x4000  }
0x78: {  	[sflag:s23] =	ssyncset.done $0x0  }
0x79: {  	[sflag:s23] =	ssyncadd.s32 $0xFFFFC000  }
0x7a: {  	[spmem:s2] =	stream.indirect.scatter.add.f32 [tilespmem:s20], [sflag:$0x2], $0x80, s22, s22, $0xb8;
	[tilespmem:$0x1BE00] =	vst v63  }
0x7b: {  	_ =	swait.ge [sflag:s26], $0x4000  }
0x7c: {  	[sflag:s26] =	ssyncset.done $0x0  }
0x7d: {  	[sflag:s26] =	ssyncadd.s32 $0xFFFFC000  }
0x7e: {  	[spmem:s2] =	stream.indirect.scatter.add.f32 [tilespmem:s28], [sflag:$0x4], $0x80, s25, s22, $0xb8;
	[tilespmem:$0x1BE00] =	vst v63  }
0x7f: {  	_ =	swait.ge [sflag:s29], $0x4000  }
0x80: {  	s9 =	sshrl.u32 s7, $0x3;
	[sflag:s29] =	ssyncset.done $0x0  }
0x81: {  	s9 =	sadd.s32 s5, s9;
	[sflag:s29] =	ssyncadd.s32 $0xFFFFC000  }
0x82: {  	[tilespmem:s4], [sflag:$0x1] =	stream.linear.gather [hbm4b:s9+s4], $0x80, $0x38;
	[tilespmem:$0x1BE00] =	vst v63  }
0x83: {  	s9 =	sadd.s32 $0xFFFFFFF0, s3  }
0x84: {  	[tilespmem:s22], [sflag:$0x1] =	stream.linear.gather [hbm4b:s9+s4], $0x80, $0x38;
	[tilespmem:$0x1BE00] =	vst v63  }
0x85: {  	_ =	swait.ge [sflag:s23], $0x80  }
0x86: {  	[sflag:s23] =	ssyncset.done $0x0  }
0x87: {  	[sflag:s23] =	ssyncadd.s32 $0xFFFFFF80  }
0x88: {  	_ =	swait.ge [sflag:s23], $0x80  }
0x89: {  	[sflag:s23] =	ssyncset.done $0x0  }
0x8a: {  	[sflag:s23] =	ssyncadd.s32 $0xFFFFFF80  }
0x8b: {  	[tilespmem:s20], [sflag:$0x1] =	stream.indirect.gather [hbm4b:s1+s22], $0x80, s4, s22, $0xb8;
	[tilespmem:$0x1BE00] =	vst v63  }
0x8c: {  	_ =	swait.ge [sflag:s30], $0x4000  }
0x8d: {  	[sflag:s30] =	ssyncset.done $0x0  }
0x8e: {  	s8 =	sadd.s32 s8, s18;
	[sflag:s30] =	ssyncadd.s32 $0xFFFFC000  }
0x8f: {  	[tilespmem:s24], [sflag:$0x3] =	stream.linear.gather [hbm4b:s8+s4], $0x80, $0x38;
	[tilespmem:$0x1BE00] =	vst v63  }
0x90: {  	_ = 	snop  }
0x91: {  	[tilespmem:s25], [sflag:$0x3] =	stream.linear.gather [hbm4b:s3+s4], $0x80, $0x38;
	[tilespmem:$0x1BE00] =	vst v63  }
0x92: {  	_ =	swait.ge [sflag:s26], $0x80  }
.Ltmp1:
0x93: {  	[sflag:s26] =	ssyncset.done $0x0;
	(pc) =	sbr.rel @p0 .LBB2_4-.Ltmp1, $4  }
0x94: {  	[sflag:s26] =	ssyncadd.s32 $0xFFFFFF80  }
0x95: {  	_ =	swait.ge [sflag:s26], $0x80  }
0x96: {  	[sflag:s26] =	ssyncset.done $0x0  }
0x97: {  	s7 =	sadd.s32 $0x200, s7;
	s3 =	sadd.s32 $0x20, s3;
	[sflag:s26] =	ssyncadd.s32 $0xFFFFFF80  }
0x98: {  	[tilespmem:s28], [sflag:$0x3] =	stream.indirect.gather [hbm4b:s1+s22], $0x80, s24, s22, $0xb8;
	[tilespmem:$0x1BE00] =	vst v63  }
0x99: {  	_ =	swait.ge [sflag:s23], $0x4000  }
0x9a: {  	[sflag:s23] =	ssyncset.done $0x0  }
0x9b: {  	[sflag:s23] =	ssyncadd.s32 $0xFFFFC000  }
0x9c: {  	[spmem:s2] =	stream.indirect.scatter.add.f32 [tilespmem:s20], [sflag:$0x2], $0x80, s22, s22, $0xb8;
	[tilespmem:$0x1BE00] =	vst v63  }
0x9d: {  	_ =	swait.ge [sflag:s26], $0x4000  }
0x9e: {  	[sflag:s26] =	ssyncset.done $0x0  }
0x9f: {  	[sflag:s26] =	ssyncadd.s32 $0xFFFFC000  }
0xa0: {  	[spmem:s2] =	stream.indirect.scatter.add.f32 [tilespmem:s28], [sflag:$0x4], $0x80, s25, s22, $0xb8;
	[tilespmem:$0x1BE00] =	vst v63  }
0xa1: {  	_ =	swait.ge [sflag:s29], $0x4000  }
0xa2: {  	[sflag:s29] =	ssyncset.done $0x0  }
0xa3: {  	[sflag:s29] =	ssyncadd.s32 $0xFFFFC000  }
0xa4: {  	s0 =	stileid.u32;
	_ =	swait.ge [sflag:s30], $0x4000  }
0xa5: {  	s3 =	sshrl.u32 s6, $0x3;
	s31 =	sadd.s32 $0x1, s31;
	[sflag:s30] =	ssyncset.done $0x0  }
0xa6: {  	s0 =	sshll.u32 s0, $0x6;
	p0 =	sne.s32 s31, s16;
	[sflag:s30] =	ssyncadd.s32 $0xFFFFC000  }
.Ltmp2:
0xa7: {  	s0 =	sor.u32 $0x1C05, s0;
	[bflag:$0x0] =	sbarrier.arrive $0xFFFF;
	(pc) =	sbr.rel @p0 .LBB2_1-.Ltmp2, $4  }
0xa8: {  	[hbm:s15], [sflag:s0] =	dma.local [spmem:s3], $0x2780  }
0xa9: {  	_ =	swait.ge [sflag:s21], $0x2780  }
0xaa: {  	[sflag:s21] =	ssyncset.done $0x0  }
0xab: {  	[sflag:s21] =	ssyncadd.s32 $0xFFFFD880  }
0xac: {  	_ =	sfence.sel $0x180000  }
0xad: {  	[bflag:$0x0] =	sbarrier.arrive $0xFFFF  }
0xae: {  	_ =	strace $0x90000047  }
0xaf: {  	s0 =	stileid.u32;
	[bflag:$0x2] =	sbarrier.arrive $0xFFFF  }
0xb0: {  	p0 =	sne.s32 s0, $0x0;
	s0 =	rddreg [dreg:$0x3]  }
0xb1: {  	s0 =	sadd.s32 @!p0 $0x100000, s0  }
0xb2: {  	[sflag:s0] =	ssyncadd.tile.s32 @!p0 $0x1;
	_ =	shalt  }
.Lfunc_end2:
_tile_overlayer_lowered:
.L_overlay_start_2:
0xb3: {  	(tag) =	ssettag $0x2  }
0xb4: {  	s0 =	rddreg [dreg:$0x0];
	s2 =	stileid.u32  }
0xb5: {  	s1 =	rddreg [dreg:$0x1];
	p0 =	sne.s32 s2, $0x0  }
0xb6: {  	s3 =	rddreg [dreg:$0x2];
	[bflag:$0x3] =	sbarrier.arrive $0xFFFF;
	s2 =	simm.s32 @!p0 $0x1C05  }
0xb7: {  	[timem:s3], [sflag:s2] =	dma.local @!p0 [hbm:s0], s1  }
0xb8: {  	s0 =	simm.s32 @!p0 $0x5  }
0xb9: {  	_ =	swait.ge @!p0 [sflag:s0], s1  }
0xba: {  	s1 =	ssub.s32 @!p0 $0x0, s1;
	[sflag:s0] =	ssyncset.done @!p0 $0x0  }
0xbb: {  	[sflag:s0] =	ssyncadd.s32 @!p0 s1  }
0xbc: {  	[bflag:$0x3] =	sbarrier.arrive $0xFFFF  }
0xbd: {  	_ =	shalt  }

// kernel: kernel.15.cloned.1.call-start
scs
__scs_entry_jumppad:
0x0: {  	(pc) =	sbr.rel $0x88, $3  }
0x1: {  	(tag) =	ssettag $0x0;
	lr =	simm.s32 $0x1  }
0x2: {  	[smem:$0x3F96] =	sst lr;
	_ =	strace $0xD0000000  }
0x3: {  	_ = 	snop  }
0x4: {  	_ = 	snop  }
0x5: {  	_ = 	snop  }
0x6: {  	_ = 	snop  }
0x7: {  	_ = 	snop  }
__scs_overlays_trampoline_lowered:
0x8: {  	[smem:$0x3FA5] =	sst s0  }
0x9: {  	[smem:$0x3FA6] =	sst s1  }
0xa: {  	[smem:$0x3FA7] =	sst s2  }
0xb: {  	[smem:$0x3FA8] =	sst s3  }
0xc: {  	[smem:$0x3FA9] =	sst s4  }
0xd: {  	[smem:$0x3FAA] =	sst s5  }
0xe: {  	[smem:$0x3FAB] =	sst s6  }
0xf: {  	[smem:$0x3FAC] =	sst s7  }
0x10: {  	[smem:$0x3FAD] =	sst s8  }
0x11: {  	[smem:$0x3FAE] =	sst s9;
	s0 =	simm.s32 @!p0 $0x0  }
0x12: {  	s1 =	sld [smem:$0x3F94];
	s0 =	simm.s32 @p0 $0x1  }
0x13: {  	[smem:$0x3FAF] =	sst s0;
	s0 =	simm.s32 @!p1 $0x0  }
0x14: {  	s2 =	sld [smem:$0x3F93];
	s0 =	simm.s32 @p1 $0x1  }
0x15: {  	[smem:$0x3FB0] =	sst s0;
	s0 =	simm.s32 @!p2 $0x0  }
0x16: {  	s3 =	sld [smem:$0x3FDB];
	s0 =	simm.s32 @p2 $0x1  }
0x17: {  	s4 =	simm.s32 $0x1BF5;
	[smem:$0x3FB2] =	sst s0  }
0x18: {  	s0 =	sld [smem:$0x3F95];
	_ =	swait.ge [sflag:s4], $0x0  }
0x19: {  	s7 =	sld [smem:$0x3F96]  }
0x1a: {  	s8 =	sadd.s32 $0xFFFFE003, lr  }
0x1b: {  	s9 =	sadd.s32 $0xFFFFFEF7, lr;
	s5 =	simm.s32 $0xFFFFFFFF;
	p2 =	slt.u32 s8, $0xFFFFF086  }
0x1c: {  	p1 =	slt.u32 s9, $0xF7A;
	s5 =	simm.s32 @!p2 $0x0  }
0x1d: {  	s5 =	simm.s32 @p1 $0x1;
	p0 =	seq.s32 s7, s2  }
0x1e: {  	s7 =	smul.u32 @!p0 $0xF7A, s2;
	p2 =	seq.s32 @!p0 s5, $0x0  }
0x1f: {  	s9 =	smul.u32 $0xF7A, s1;
	s8 =	simm.s32 @!p0 $0x1BF5;
	p2 =	por !p2, p0  }
0x20: {  	[sflag:s8] =	ssyncset.s32 @!p0 $0xFFFFF086;
	s6 =	sadd.s32 @!p0 s3, s7;
	s7 =	simm.s32 @!p0 $0x108  }
0x21: {  	s3 =	sadd.s32 s3, s9;
	s6 =	sadd.s32 @!p0 $0x88, s6;
	s7 =	simm.s32 @p2 $0x1082  }
0x22: {  	[simem:s7], [sflag:s8] =	dma.local @!p0 [hbm:s6], $0xF7A  }
0x23: {  	s9 =	sor.u32 $0xD0000000, s2;
	s6 =	simm.s32 $0x108;
	_ =	swait.ge @!p0 [sflag:s8], $0x0  }
0x24: {  	s3 =	sadd.s32 $0x88, s3;
	s6 =	simm.s32 @!p1 $0x1082;
	[sflag:s4] =	ssyncset.s32 $0xFFFFF086  }
0x25: {  	[simem:s6], [sflag:s4] =	dma.local [hbm:s3], $0xF7A  }
0x26: {  	[smem:$0x3F96] =	sst s1;
	(tag) =	ssettag s2;
	_ =	strace s9  }
0x27: {  	s1 =	sld [smem:$0x3FA6]  }
0x28: {  	s2 =	sld [smem:$0x3FA7]  }
0x29: {  	s4 =	sld [smem:$0x3FA9]  }
0x2a: {  	p0 =	seq.s32 s5, $0x0;
	s5 =	sld [smem:$0x3FAA]  }
0x2b: {  	s6 =	sld [smem:$0x3FAB]  }
0x2c: {  	s7 =	sld [smem:$0x3FAC]  }
0x2d: {  	s3 =	simm.s32 $0x108;
	s8 =	sld [smem:$0x3FAD]  }
0x2e: {  	s3 =	simm.s32 @!p0 $0x1082;
	s9 =	sld [smem:$0x3FAE]  }
0x2f: {  	lr =	sadd.s32 s0, s3;
	s0 =	sld [smem:$0x3FA5]  }
0x30: {  	s3 =	sld [smem:$0x3FA8]  }
0x31: {  	[smem:$0x3FB1] =	sst s10  }
0x32: {  	s10 =	sld [smem:$0x3FAF];
	_ =	sdelay $0x3  }
0x33: {  	p0 =	seq.s32 s10, $0x1;
	s10 =	sld [smem:$0x3FB1];
	_ =	sdelay $0x3  }
0x34: {  	[smem:$0x3FB1] =	sst s10  }
0x35: {  	s10 =	sld [smem:$0x3FB0];
	_ =	sdelay $0x3  }
0x36: {  	p1 =	seq.s32 s10, $0x1;
	s10 =	sld [smem:$0x3FB1];
	_ =	sdelay $0x3  }
0x37: {  	[smem:$0x3FB1] =	sst s10  }
0x38: {  	s10 =	sld [smem:$0x3FB2]  }
0x39: {  	_ = 	snop;
	(pc) =	sbr.ind lr, $3  }
0x3a: {  	_ = 	snop  }
0x3b: {  	_ = 	snop  }
0x3c: {  	p2 =	seq.s32 s10, $0x1;
	s10 =	sld [smem:$0x3FB1]  }
0x3d: {  	_ =	shalt  }
0x3e: {  	_ =	shalt  }
0x3f: {  	_ =	shalt  }
0x40: {  	_ =	shalt  }
0x41: {  	_ =	shalt  }
0x42: {  	_ =	shalt  }
0x43: {  	_ =	shalt  }
0x44: {  	_ =	shalt  }
0x45: {  	_ =	shalt  }
0x46: {  	_ =	shalt  }
0x47: {  	_ =	shalt  }
0x48: {  	_ =	shalt  }
0x49: {  	_ =	shalt  }
0x4a: {  	_ =	shalt  }
0x4b: {  	_ =	shalt  }
0x4c: {  	_ =	shalt  }
0x4d: {  	_ =	shalt  }
0x4e: {  	_ =	shalt  }
0x4f: {  	_ =	shalt  }
0x50: {  	_ =	shalt  }
0x51: {  	_ =	shalt  }
0x52: {  	_ =	shalt  }
0x53: {  	_ =	shalt  }
0x54: {  	_ =	shalt  }
0x55: {  	_ =	shalt  }
0x56: {  	_ =	shalt  }
0x57: {  	_ =	shalt  }
0x58: {  	_ =	shalt  }
0x59: {  	_ =	shalt  }
0x5a: {  	_ =	shalt  }
0x5b: {  	_ =	shalt  }
0x5c: {  	_ =	shalt  }
0x5d: {  	_ =	shalt  }
0x5e: {  	_ =	shalt  }
0x5f: {  	_ =	shalt  }
0x60: {  	_ =	shalt  }
0x61: {  	_ =	shalt  }
0x62: {  	_ =	shalt  }
0x63: {  	_ =	shalt  }
0x64: {  	_ =	shalt  }
0x65: {  	_ =	shalt  }
0x66: {  	_ =	shalt  }
0x67: {  	_ =	shalt  }
0x68: {  	_ =	shalt  }
0x69: {  	_ =	shalt  }
0x6a: {  	_ =	shalt  }
0x6b: {  	_ =	shalt  }
0x6c: {  	_ =	shalt  }
0x6d: {  	_ =	shalt  }
0x6e: {  	_ =	shalt  }
0x6f: {  	_ =	shalt  }
0x70: {  	_ =	shalt  }
0x71: {  	_ =	shalt  }
0x72: {  	_ =	shalt  }
0x73: {  	_ =	shalt  }
0x74: {  	_ =	shalt  }
0x75: {  	_ =	shalt  }
0x76: {  	_ =	shalt  }
0x77: {  	_ =	shalt  }
0x78: {  	_ =	shalt  }
0x79: {  	_ =	shalt  }
0x7a: {  	_ =	shalt  }
0x7b: {  	_ =	shalt  }
0x7c: {  	_ =	shalt  }
0x7d: {  	_ =	shalt  }
0x7e: {  	_ =	shalt  }
0x7f: {  	_ =	shalt  }
0x80: {  	_ =	shalt  }
0x81: {  	_ =	shalt  }
0x82: {  	_ =	shalt  }
0x83: {  	_ =	shalt  }
0x84: {  	_ =	shalt  }
0x85: {  	_ =	shalt  }
0x86: {  	_ =	shalt  }
0x87: {  	_ =	shalt  }
.Lfunc_end0:
.L_simem_size_0:
called_computation.2_lowered:
.L_overlay_start_0:
0x88: {  	s2 =	sld [smem:$0x3FD9]  }
0x89: {  	s3 =	sld [smem:$0x3FFE];
	_ =	sdelay $0x1  }
0x8a: {  	s1 =	srdreg.scid  }
0x8b: {  	s0 =	sand.u32 $0x1, s1  }
0x8c: {  	s17 =	sshll.u32 s0, $0xA;
	s2 =	sadd.s32 s3, s2  }
0x8d: {  	s2 =	sadd.s32 s2, s17  }
0x8e: {  	[smem:$0x3FBD] =	sst s2  }
0x8f: {  	_ = 	snop  }
0x90: {  	s2 =	sld [smem:$0x3FD0];
	(tm) =	ssettm $0x1  }
0x91: {  	s18 =	sld [smem:$0x3FFB];
	_ =	sdelay $0x3  }
0x92: {  	_ =	strace s18  }
0x93: {  	s3 =	sld [smem:$0x3FFC];
	_ =	sdelay $0x3  }
0x94: {  	_ =	strace s3  }
0x95: {  	s3 =	sld [smem:$0x3FFD];
	_ =	sdelay $0x3  }
0x96: {  	_ =	strace s3  }
0x97: {  	_ =	strace $0x8FFFFFFF  }
0x98: {  	s19 =	sld [smem:$0x3FDB];
	_ =	sdelay $0x1  }
0x99: {  	s4 =	simm.s32 $_scs_section_size  }
0x9a: {  	s5 =	simm.s32 $_size__tile_overlayer_lowered;
	s6 =	simm.s32 $_tile_overlayer_lowered  }
0x9b: {  	s22 =	simm.s32 $0x1BFF;
	s21 =	sshll.u32 s6, $0x1;
	s3 =	sadd.s32 s4, s19  }
0x9c: {  	s7 =	simm.s32 $0x0;
	s20 =	sshll.u32 s5, $0x1;
	s5 =	sadd.s32 s21, s3  }
0x9d: {  	[timem:s7], [sflag:s22] =	dma.local [hbm:s5], s20  }
0x9e: {  	_ =	swait.ge [sflag:s22], s20  }
0x9f: {  	s4 =	ssub.s32 $0x0, s20;
	[sflag:s22] =	ssyncset.done $0x0  }
0xa0: {  	[sflag:s22] =	ssyncadd.s32 s4;
	_ =	sdelay $0x1  }
0xa1: {  	s23 =	simm.s32 $0x1B8B  }
0xa2: {  	_ =	swait.ge [sflag:s23], $0x1  }
0xa3: {  	[sflag:s23] =	ssyncset.done $0x0  }
0xa4: {  	s25 =	simm.s32 $0x1B8E;
	s24 =	sld [smem:$0x3FFE];
	[sflag:s23] =	ssyncadd.s32 $0xFFFFFFFF  }
0xa5: {  	s26 =	simm.s32 $execute0_lowered;
	[smem:$0x3FD2] =	sst s25  }
0xa6: {  	s5 =	sshll.u32 s26, $0x1;
	_ =	strace $0x8000004C;
	[dreg:$0x1] =	wrdreg $0xFFFFFFFF  }
0xa7: {  	s28 =	simm.s32 $_size_execute0_lowered;
	s3 =	sadd.s32 s3, s5;
	[dreg:$0x0] =	wrdreg $0x0  }
0xa8: {  	s5 =	sshll.u32 s28, $0x1;
	[dreg:$0x2] =	wrdreg s3  }
0xa9: {  	[dreg:$0x3] =	wrdreg s5  }
0xaa: {  	[dreg:$0x4] =	wrdreg $0xC0  }
0xab: {  	_ =	task [dreg:s7], $0x5FFFF  }
0xac: {  	[dreg:$0x1] =	wrdreg $0xFFFFFFFF  }
0xad: {  	[dreg:$0x0] =	wrdreg $0x60  }
0xae: {  	[dreg:$0x2] =	wrdreg s2  }
0xaf: {  	[dreg:$0x3] =	wrdreg s24  }
0xb0: {  	[dreg:$0x4] =	wrdreg $0x82000  }
0xb1: {  	[dreg:$0x5] =	wrdreg $0x9  }
0xb2: {  	_ =	task.clear_ibuf [dreg:s7], $0x6FFFF;
	_ =	strace $0x9000004C  }
0xb3: {  	s29 =	simm.s32 $0x9;
	_ =	strace $0x8000004E  }
0xb4: {  	_ =	swait.ge [sflag:s29], $0x1  }
0xb5: {  	[sflag:s29] =	ssyncadd.s32 $0xFFFFFFFF  }
0xb6: {  	_ =	strace $0x9000004E  }
0xb7: {  	_ =	sfence  }
0xb8: {  	s30 =	sld [smem:$0x0];
	_ =	sdelay $0x2  }
0xb9: {  	s31 =	sshll.u32 s1, $0xD;
	s1 =	sshrl.u32 s1, $0x2  }
0xba: {  	s3 =	sand.u32 $0x4000, s31;
	s1 =	sadd.s32 s1, s30  }
0xbb: {  	s0 =	sor.u32 s3, s0;
	s1 =	sshll.u32 s1, $0x11  }
0xbc: {  	s0 =	sor.u32 s1, s0  }
0xbd: {  	s0 =	sadd.s32 $0x8F2B, s0  }
0xbe: {  	[sflag:s0] =	ssyncadd.remote.s32 $0x1  }
0xbf: {  	_ =	sfence.sel $0xFFFF  }
0xc0: {  	[dreg:$0x0] =	wrdreg $0xFFFFFFFF;
	(pc) =	sbr.abs _section_cstart, $3  }
0xc1: {  	[dreg:$0x1] =	wrdreg $0xFFFFFFFF  }
0xc2: {  	_ =	task.clear_ibuf [dreg:s7], $0x2FFFF;
	_ =	strace $0x9FFFFFFF  }
0xc3: {  	(tm) =	ssettm $0x7FFFFFFF  }
tec
execute0_lowered:
.L_overlay_start_1:
0x0: {  	(tag) =	ssettag $0x1  }
0x1: {  	s1 =	rddreg [dreg:$0x0]  }
0x2: {  	s0 =	rddreg [dreg:$0x1]  }
0x3: {  	s2 =	rddreg [dreg:$0x2]  }
0x4: {  	s3 =	srdreg.scid;
	s9 =	stileid.u32  }
0x5: {  	s4 =	simm.s32 $0x0;
	s28 =	simm.s32 $0x4200;
	s7 =	smul.u32 $0x13C00, s9  }
0x6: {  	s29 =	simm.s32 $0x2;
	s30 =	simm.s32 $0x4;
	s18 =	smul.u32 $0x4F000, s9  }
0x7: {  	s31 =	simm.s32 $0x0;
	s3 =	sand.u32 $0x1, s3;
	s20 =	smul.u32 $0x2800, s9  }
0x8: {  	[smem:$0x7FF] =	sst s4;
	s5 =	sadd.s32 $0x8400, s0;
	s11 =	smul.u32 $0x5000, s9  }
0x9: {  	s16 =	sadd.s32 $0x3400, s0;
	s6 =	smul.u32 $0x13C000, s3;
	s8 =	ssub.s32 $0x2, s3  }
0xa: {  	_ =	strace $0x8000004D;
	s3 =	sshll.u32 s3, $0x7;
	s19 =	sshrl.u32 s8, $0x1  }
0xb: {  	s12 =	sshrl.u32 s20, $0x7;
	s6 =	sadd.s32 s7, s6;
	s7 =	sshrl.u32 s18, $0x2  }
0xc: {  	s17 =	ssub.s32 s8, s19;
	s19 =	sor.u32 s3, s11;
	s13 =	sor.u32 $0x1, s12  }
0xd: {  	s18 =	smul.u32 $0x500, s9;
	s6 =	sshrl.u32 s6, $0x3;
	s11 =	sshrl.u32 s19, $0x3  }
0xe: {  	s14 =	sshll.u32 s13, $0x8;
	s24 =	sshll.u32 s13, $0x4;
	s25 =	sor.u32 $0x300, s19  }
0xf: {  	s19 =	sor.u32 $0x200, s19;
	s0 =	sadd.s32 s6, s0;
	s6 =	sadd.s32 s7, s2  }
0x10: {  	s7 =	sshrl.u32 s20, $0x3;
	s11 =	sadd.s32 s5, s11;
	s3 =	sor.u32 s3, s14  }
0x11: {  	s14 =	sadd.s32 s16, s24;
	s26 =	sadd.s32 s18, s16;
	s20 =	simm.s32 $0x100  }
0x12: {  	s24 =	simm.s32 $0x4100;
	s21 =	sadd.s32 $0x4000, s6;
	s22 =	sadd.s32 $0x8000, s6  }
0x13: {  	s23 =	sadd.s32 $0xC000, s6;
	s10 =	sadd.s32 $0x10000, s6;
	s12 =	sadd.s32 s16, s7  }
0x14: {  	s3 =	sshrl.u32 s3, $0x3;
	s15 =	sadd.s32 $0x12400, s0;
	[dreg:$0x4] =	wrdreg s21  }
0x15: {  	s16 =	smax.u32 s17, $0x1;
	s17 =	sadd.s32 $0x30, s26;
	[dreg:$0x5] =	wrdreg s22  }
0x16: {  	s26 =	simm.s32 $0x3;
	[dreg:$0x6] =	wrdreg s23;
	s13 =	sadd.s32 s5, s3  }
0x17: {  	s3 =	sshrl.u32 s25, $0x3;
	s21 =	simm.s32 $0x5;
	s22 =	simm.s32 $0x80  }
0x18: {  	v0 =	vimm.f32 $0.0e+00;
	s23 =	simm.s32 $0x1;
	s25 =	simm.s32 $0x4180;
	s18 =	sadd.s32 s3, s5  }
.LBB2_1:
0x19: {  	s0 =	simm.s32 $0x0;
	s3 =	simm.s32 $0x200  }
.LBB2_2:
0x1a: {  	p0 =	sne.s32 s3, $0xFE00;
	[tilespmem:s0+$0x170] =	vst v0  }
0x1b: {  	[tilespmem:s0+$0x100] =	vst v0  }
0x1c: {  	[tilespmem:s0+$0x110] =	vst v0  }
.Ltmp0:
0x1d: {  	[tilespmem:s0+$0x120] =	vst v0;
	(pc) =	sbr.rel @p0 .LBB2_2-.Ltmp0, $4  }
0x1e: {  	[tilespmem:s0+$0x130] =	vst v0  }
0x1f: {  	[tilespmem:s0+$0x140] =	vst v0  }
0x20: {  	[tilespmem:s0+$0x150] =	vst v0  }
0x21: {  	[tilespmem:s0+$0x160] =	vst v0;
	s0 =	sshra.s32 s3, $0x2;
	s3 =	sadd.s32 $0x200, s3  }
0x22: {  	[tilespmem:s0+$0x170] =	vst v0  }
0x23: {  	[tilespmem:s0+$0x100] =	vst v0  }
0x24: {  	[tilespmem:s0+$0x110] =	vst v0  }
0x25: {  	[tilespmem:s0+$0x120] =	vst v0  }
0x26: {  	[tilespmem:s0+$0x130] =	vst v0  }
0x27: {  	[tilespmem:s0+$0x140] =	vst v0  }
0x28: {  	[tilespmem:s0+$0x150] =	vst v0  }
0x29: {  	[tilespmem:s0+$0x160] =	vst v0  }
0x2a: {  	[spmem:s6] =	stream.linear.scatter [tilespmem:s20], [sflag:$0x5], $0x4000, $0x38;
	[tilespmem:$0x1BE00] =	vst v63  }
0x2b: {  	_ =	swait.ge [sflag:s21], $0x4000  }
0x2c: {  	[sflag:s21] =	ssyncset.done $0x0  }
0x2d: {  	s7 =	rddreg [dreg:$0x4];
	[sflag:s21] =	ssyncadd.s32 $0xFFFFC000  }
0x2e: {  	[spmem:s7] =	stream.linear.scatter [tilespmem:s20], [sflag:$0x5], $0x4000, $0x38;
	[tilespmem:$0x1BE00] =	vst v63  }
0x2f: {  	_ =	swait.ge [sflag:s21], $0x4000  }
0x30: {  	[sflag:s21] =	ssyncset.done $0x0  }
0x31: {  	s8 =	rddreg [dreg:$0x5];
	[sflag:s21] =	ssyncadd.s32 $0xFFFFC000  }
0x32: {  	[spmem:s8] =	stream.linear.scatter [tilespmem:s20], [sflag:$0x5], $0x4000, $0x38;
	[tilespmem:$0x1BE00] =	vst v63  }
0x33: {  	_ =	swait.ge [sflag:s21], $0x4000  }
0x34: {  	[sflag:s21] =	ssyncset.done $0x0  }
0x35: {  	s9 =	rddreg [dreg:$0x6];
	[sflag:s21] =	ssyncadd.s32 $0xFFFFC000  }
0x36: {  	[spmem:s9] =	stream.linear.scatter [tilespmem:s20], [sflag:$0x5], $0x4000, $0x38;
	[tilespmem:$0x1BE00] =	vst v63  }
0x37: {  	_ =	swait.ge [sflag:s21], $0x4000  }
0x38: {  	[sflag:s21] =	ssyncset.done $0x0  }
0x39: {  	[sflag:s21] =	ssyncadd.s32 $0xFFFFC000  }
0x3a: {  	[spmem:s10] =	stream.linear.scatter [tilespmem:s20], [sflag:$0x5], $0x3C00, $0x38;
	[tilespmem:$0x1BE00] =	vst v63  }
0x3b: {  	_ =	swait.ge [sflag:s21], $0x3C00  }
0x3c: {  	[sflag:s21] =	ssyncset.done $0x0  }
0x3d: {  	[sflag:s21] =	ssyncadd.s32 $0xFFFFC400  }
0x3e: {  	s3 =	simm.s32 $0x0;
	[bflag:$0x0] =	sbarrier.arrive $0xFFFF  }
0x3f: {  	[tilespmem:s3], [sflag:$0x1] =	stream.linear.gather [hbm4b:s11+s3], $0x80, $0x38;
	[tilespmem:$0x1BE00] =	vst v63  }
0x40: {  	_ = 	snop  }
0x41: {  	[tilespmem:s22], [sflag:$0x1] =	stream.linear.gather [hbm4b:s12+s3], $0x80, $0x38;
	[tilespmem:$0x1BE00] =	vst v63  }
0x42: {  	_ =	swait.ge [sflag:s23], $0x80  }
0x43: {  	[sflag:s23] =	ssyncset.done $0x0  }
0x44: {  	[sflag:s23] =	ssyncadd.s32 $0xFFFFFF80  }
0x45: {  	_ =	swait.ge [sflag:s23], $0x80  }
0x46: {  	[sflag:s23] =	ssyncset.done $0x0  }
0x47: {  	[sflag:s23] =	ssyncadd.s32 $0xFFFFFF80  }
0x48: {  	[tilespmem:s20], [sflag:$0x1] =	stream.indirect.gather [hbm4b:s1+s22], $0x80, s3, s22, $0xb8;
	[tilespmem:$0x1BE00] =	vst v63  }
0x49: {  	_ = 	snop  }
0x4a: {  	[tilespmem:s24], [sflag:$0x3] =	stream.linear.gather [hbm4b:s13+s3], $0x80, $0x38;
	[tilespmem:$0x1BE00] =	vst v63  }
0x4b: {  	_ = 	snop  }
0x4c: {  	[tilespmem:s25], [sflag:$0x3] =	stream.linear.gather [hbm4b:s14+s3], $0x80, $0x38;
	[tilespmem:$0x1BE00] =	vst v63  }
0x4d: {  	_ =	swait.ge [sflag:s26], $0x80  }
0x4e: {  	[sflag:s26] =	ssyncset.done $0x0  }
0x4f: {  	[sflag:s26] =	ssyncadd.s32 $0xFFFFFF80  }
0x50: {  	_ =	swait.ge [sflag:s26], $0x80  }
0x51: {  	[sflag:s26] =	ssyncset.done $0x0  }
0x52: {  	[sflag:s26] =	ssyncadd.s32 $0xFFFFFF80  }
0x53: {  	[tilespmem:s28], [sflag:$0x3] =	stream.indirect.gather [hbm4b:s1+s22], $0x80, s24, s22, $0xb8;
	[tilespmem:$0x1BE00] =	vst v63  }
0x54: {  	_ =	swait.ge [sflag:s23], $0x4000  }
0x55: {  	[sflag:s23] =	ssyncset.done $0x0  }
0x56: {  	[sflag:s23] =	ssyncadd.s32 $0xFFFFC000  }
0x57: {  	[spmem:s2] =	stream.indirect.scatter.add.f32 [tilespmem:s20], [sflag:$0x2], $0x80, s22, s22, $0xb8;
	[tilespmem:$0x1BE00] =	vst v63  }
0x58: {  	_ =	swait.ge [sflag:s26], $0x4000  }
0x59: {  	[sflag:s26] =	ssyncset.done $0x0  }
0x5a: {  	[sflag:s26] =	ssyncadd.s32 $0xFFFFC000  }
0x5b: {  	[spmem:s2] =	stream.indirect.scatter.add.f32 [tilespmem:s28], [sflag:$0x4], $0x80, s25, s22, $0xb8;
	[tilespmem:$0x1BE00] =	vst v63  }
0x5c: {  	_ =	swait.ge [sflag:s29], $0x4000  }
0x5d: {  	s7 =	sshrl.u32 s19, $0x3;
	[sflag:s29] =	ssyncset.done $0x0  }
0x5e: {  	s0 =	sadd.s32 s5, s7;
	[sflag:s29] =	ssyncadd.s32 $0xFFFFC000  }
0x5f: {  	[tilespmem:s4], [sflag:$0x1] =	stream.linear.gather [hbm4b:s0+s4], $0x80, $0x38;
	[tilespmem:$0x1BE00] =	vst v63  }
0x60: {  	s8 =	sadd.s32 $0xFFFFFFF0, s17  }
0x61: {  	[tilespmem:s22], [sflag:$0x1] =	stream.linear.gather [hbm4b:s8+s4], $0x80, $0x38;
	[tilespmem:$0x1BE00] =	vst v63  }
0x62: {  	_ =	swait.ge [sflag:s23], $0x80  }
0x63: {  	[sflag:s23] =	ssyncset.done $0x0  }
0x64: {  	[sflag:s23] =	ssyncadd.s32 $0xFFFFFF80  }
0x65: {  	_ =	swait.ge [sflag:s23], $0x80  }
0x66: {  	[sflag:s23] =	ssyncset.done $0x0  }
0x67: {  	[sflag:s23] =	ssyncadd.s32 $0xFFFFFF80  }
0x68: {  	[tilespmem:s20], [sflag:$0x1] =	stream.indirect.gather [hbm4b:s1+s22], $0x80, s4, s22, $0xb8;
	[tilespmem:$0x1BE00] =	vst v63  }
0x69: {  	_ =	swait.ge [sflag:s30], $0x4000  }
0x6a: {  	[sflag:s30] =	ssyncset.done $0x0  }
0x6b: {  	s9 =	sadd.s32 $0x0, s18;
	[sflag:s30] =	ssyncadd.s32 $0xFFFFC000  }
0x6c: {  	[tilespmem:s24], [sflag:$0x3] =	stream.linear.gather [hbm4b:s9+s4], $0x80, $0x38;
	[tilespmem:$0x1BE00] =	vst v63  }
0x6d: {  	_ = 	snop  }
0x6e: {  	[tilespmem:s25], [sflag:$0x3] =	stream.linear.gather [hbm4b:s17+s4], $0x80, $0x38;
	[tilespmem:$0x1BE00] =	vst v63  }
0x6f: {  	_ =	swait.ge [sflag:s26], $0x80  }
0x70: {  	[sflag:s26] =	ssyncset.done $0x0  }
0x71: {  	[sflag:s26] =	ssyncadd.s32 $0xFFFFFF80  }
0x72: {  	_ =	swait.ge [sflag:s26], $0x80  }
0x73: {  	s7 =	sadd.s32 $0x200, s19;
	[sflag:s26] =	ssyncset.done $0x0  }
0x74: {  	s3 =	sadd.s32 $0x20, s17;
	s0 =	simm.s32 $0x40;
	[sflag:s26] =	ssyncadd.s32 $0xFFFFFF80  }
.LBB2_4:
0x75: {  	[tilespmem:s28], [sflag:$0x3] =	stream.indirect.gather [hbm4b:s1+s22], $0x80, s24, s22, $0xb8;
	[tilespmem:$0x1BE00] =	vst v63  }
0x76: {  	s8 =	smov.u32 s0  }
0x77: {  	p0 =	sne.s32 s0, $0x980;
	s0 =	sadd.s32 $0x40, s0;
	_ =	swait.ge [sflag:s23], $0x4000  }
0x78: {  	[sflag:s23] =	ssyncset.done $0x0  }
0x79: {  	[sflag:s23] =	ssyncadd.s32 $0xFFFFC000  }
0x7a: {  	[spmem:s2] =	stream.indirect.scatter.add.f32 [tilespmem:s20], [sflag:$0x2], $0x80, s22, s22, $0xb8;
	[tilespmem:$0x1BE00] =	vst v63  }
0x7b: {  	_ =	swait.ge [sflag:s26], $0x4000  }
0x7c: {  	[sflag:s26] =	ssyncset.done $0x0  }
0x7d: {  	[sflag:s26] =	ssyncadd.s32 $0xFFFFC000  }
0x7e: {  	[spmem:s2] =	stream.indirect.scatter.add.f32 [tilespmem:s28], [sflag:$0x4], $0x80, s25, s22, $0xb8;
	[tilespmem:$0x1BE00] =	vst v63  }
0x7f: {  	_ =	swait.ge [sflag:s29], $0x4000  }
0x80: {  	s9 =	sshrl.u32 s7, $0x3;
	[sflag:s29] =	ssyncset.done $0x0  }
0x81: {  	s9 =	sadd.s32 s5, s9;
	[sflag:s29] =	ssyncadd.s32 $0xFFFFC000  }
0x82: {  	[tilespmem:s4], [sflag:$0x1] =	stream.linear.gather [hbm4b:s9+s4], $0x80, $0x38;
	[tilespmem:$0x1BE00] =	vst v63  }
0x83: {  	s9 =	sadd.s32 $0xFFFFFFF0, s3  }
0x84: {  	[tilespmem:s22], [sflag:$0x1] =	stream.linear.gather [hbm4b:s9+s4], $0x80, $0x38;
	[tilespmem:$0x1BE00] =	vst v63  }
0x85: {  	_ =	swait.ge [sflag:s23], $0x80  }
0x86: {  	[sflag:s23] =	ssyncset.done $0x0  }
0x87: {  	[sflag:s23] =	ssyncadd.s32 $0xFFFFFF80  }
0x88: {  	_ =	swait.ge [sflag:s23], $0x80  }
0x89: {  	[sflag:s23] =	ssyncset.done $0x0  }
0x8a: {  	[sflag:s23] =	ssyncadd.s32 $0xFFFFFF80  }
0x8b: {  	[tilespmem:s20], [sflag:$0x1] =	stream.indirect.gather [hbm4b:s1+s22], $0x80, s4, s22, $0xb8;
	[tilespmem:$0x1BE00] =	vst v63  }
0x8c: {  	_ =	swait.ge [sflag:s30], $0x4000  }
0x8d: {  	[sflag:s30] =	ssyncset.done $0x0  }
0x8e: {  	s8 =	sadd.s32 s8, s18;
	[sflag:s30] =	ssyncadd.s32 $0xFFFFC000  }
0x8f: {  	[tilespmem:s24], [sflag:$0x3] =	stream.linear.gather [hbm4b:s8+s4], $0x80, $0x38;
	[tilespmem:$0x1BE00] =	vst v63  }
0x90: {  	_ = 	snop  }
0x91: {  	[tilespmem:s25], [sflag:$0x3] =	stream.linear.gather [hbm4b:s3+s4], $0x80, $0x38;
	[tilespmem:$0x1BE00] =	vst v63  }
0x92: {  	_ =	swait.ge [sflag:s26], $0x80  }
.Ltmp1:
0x93: {  	[sflag:s26] =	ssyncset.done $0x0;
	(pc) =	sbr.rel @p0 .LBB2_4-.Ltmp1, $4  }
0x94: {  	[sflag:s26] =	ssyncadd.s32 $0xFFFFFF80  }
0x95: {  	_ =	swait.ge [sflag:s26], $0x80  }
0x96: {  	[sflag:s26] =	ssyncset.done $0x0  }
0x97: {  	s7 =	sadd.s32 $0x200, s7;
	s3 =	sadd.s32 $0x20, s3;
	[sflag:s26] =	ssyncadd.s32 $0xFFFFFF80  }
0x98: {  	[tilespmem:s28], [sflag:$0x3] =	stream.indirect.gather [hbm4b:s1+s22], $0x80, s24, s22, $0xb8;
	[tilespmem:$0x1BE00] =	vst v63  }
0x99: {  	_ =	swait.ge [sflag:s23], $0x4000  }
0x9a: {  	[sflag:s23] =	ssyncset.done $0x0  }
0x9b: {  	[sflag:s23] =	ssyncadd.s32 $0xFFFFC000  }
0x9c: {  	[spmem:s2] =	stream.indirect.scatter.add.f32 [tilespmem:s20], [sflag:$0x2], $0x80, s22, s22, $0xb8;
	[tilespmem:$0x1BE00] =	vst v63  }
0x9d: {  	_ =	swait.ge [sflag:s26], $0x4000  }
0x9e: {  	[sflag:s26] =	ssyncset.done $0x0  }
0x9f: {  	[sflag:s26] =	ssyncadd.s32 $0xFFFFC000  }
0xa0: {  	[spmem:s2] =	stream.indirect.scatter.add.f32 [tilespmem:s28], [sflag:$0x4], $0x80, s25, s22, $0xb8;
	[tilespmem:$0x1BE00] =	vst v63  }
0xa1: {  	_ =	swait.ge [sflag:s29], $0x4000  }
0xa2: {  	[sflag:s29] =	ssyncset.done $0x0  }
0xa3: {  	[sflag:s29] =	ssyncadd.s32 $0xFFFFC000  }
0xa4: {  	s0 =	stileid.u32;
	_ =	swait.ge [sflag:s30], $0x4000  }
0xa5: {  	s3 =	sshrl.u32 s6, $0x3;
	s31 =	sadd.s32 $0x1, s31;
	[sflag:s30] =	ssyncset.done $0x0  }
0xa6: {  	s0 =	sshll.u32 s0, $0x6;
	p0 =	sne.s32 s31, s16;
	[sflag:s30] =	ssyncadd.s32 $0xFFFFC000  }
.Ltmp2:
0xa7: {  	s0 =	sor.u32 $0x1C05, s0;
	[bflag:$0x0] =	sbarrier.arrive $0xFFFF;
	(pc) =	sbr.rel @p0 .LBB2_1-.Ltmp2, $4  }
0xa8: {  	[hbm:s15], [sflag:s0] =	dma.local [spmem:s3], $0x2780  }
0xa9: {  	_ =	swait.ge [sflag:s21], $0x2780  }
0xaa: {  	[sflag:s21] =	ssyncset.done $0x0  }
0xab: {  	[sflag:s21] =	ssyncadd.s32 $0xFFFFD880  }
0xac: {  	_ =	sfence.sel $0x180000  }
0xad: {  	[bflag:$0x0] =	sbarrier.arrive $0xFFFF  }
0xae: {  	_ =	strace $0x9000004D  }
0xaf: {  	s0 =	stileid.u32;
	[bflag:$0x2] =	sbarrier.arrive $0xFFFF  }
0xb0: {  	p0 =	sne.s32 s0, $0x0;
	s0 =	rddreg [dreg:$0x3]  }
0xb1: {  	s0 =	sadd.s32 @!p0 $0x100000, s0  }
0xb2: {  	[sflag:s0] =	ssyncadd.tile.s32 @!p0 $0x1;
	_ =	shalt  }
.Lfunc_end2:
_tile_overlayer_lowered:
.L_overlay_start_2:
0xb3: {  	(tag) =	ssettag $0x2  }
0xb4: {  	s0 =	rddreg [dreg:$0x0];
	s2 =	stileid.u32  }
0xb5: {  	s1 =	rddreg [dreg:$0x1];
	p0 =	sne.s32 s2, $0x0  }
0xb6: {  	s3 =	rddreg [dreg:$0x2];
	[bflag:$0x3] =	sbarrier.arrive $0xFFFF;
	s2 =	simm.s32 @!p0 $0x1C05  }
0xb7: {  	[timem:s3], [sflag:s2] =	dma.local @!p0 [hbm:s0], s1  }
0xb8: {  	s0 =	simm.s32 @!p0 $0x5  }
0xb9: {  	_ =	swait.ge @!p0 [sflag:s0], s1  }
0xba: {  	s1 =	ssub.s32 @!p0 $0x0, s1;
	[sflag:s0] =	ssyncset.done @!p0 $0x0  }
0xbb: {  	[sflag:s0] =	ssyncadd.s32 @!p0 s1  }
0xbc: {  	[bflag:$0x3] =	sbarrier.arrive $0xFFFF  }
0xbd: {  	_ =	shalt  }

// kernel: kernel.18.cloned.1.call-start
scs
__scs_entry_jumppad:
0x0: {  	(pc) =	sbr.rel $0x88, $3  }
0x1: {  	(tag) =	ssettag $0x0;
	lr =	simm.s32 $0x1  }
0x2: {  	[smem:$0x3F96] =	sst lr;
	_ =	strace $0xD0000000  }
0x3: {  	_ = 	snop  }
0x4: {  	_ = 	snop  }
0x5: {  	_ = 	snop  }
0x6: {  	_ = 	snop  }
0x7: {  	_ = 	snop  }
__scs_overlays_trampoline_lowered:
0x8: {  	[smem:$0x3FA5] =	sst s0  }
0x9: {  	[smem:$0x3FA6] =	sst s1  }
0xa: {  	[smem:$0x3FA7] =	sst s2  }
0xb: {  	[smem:$0x3FA8] =	sst s3  }
0xc: {  	[smem:$0x3FA9] =	sst s4  }
0xd: {  	[smem:$0x3FAA] =	sst s5  }
0xe: {  	[smem:$0x3FAB] =	sst s6  }
0xf: {  	[smem:$0x3FAC] =	sst s7  }
0x10: {  	[smem:$0x3FAD] =	sst s8  }
0x11: {  	[smem:$0x3FAE] =	sst s9;
	s0 =	simm.s32 @!p0 $0x0  }
0x12: {  	s1 =	sld [smem:$0x3F94];
	s0 =	simm.s32 @p0 $0x1  }
0x13: {  	[smem:$0x3FAF] =	sst s0;
	s0 =	simm.s32 @!p1 $0x0  }
0x14: {  	s2 =	sld [smem:$0x3F93];
	s0 =	simm.s32 @p1 $0x1  }
0x15: {  	[smem:$0x3FB0] =	sst s0;
	s0 =	simm.s32 @!p2 $0x0  }
0x16: {  	s3 =	sld [smem:$0x3FDB];
	s0 =	simm.s32 @p2 $0x1  }
0x17: {  	s4 =	simm.s32 $0x1BF5;
	[smem:$0x3FB2] =	sst s0  }
0x18: {  	s0 =	sld [smem:$0x3F95];
	_ =	swait.ge [sflag:s4], $0x0  }
0x19: {  	s7 =	sld [smem:$0x3F96]  }
0x1a: {  	s8 =	sadd.s32 $0xFFFFE003, lr  }
0x1b: {  	s9 =	sadd.s32 $0xFFFFFEF7, lr;
	s5 =	simm.s32 $0xFFFFFFFF;
	p2 =	slt.u32 s8, $0xFFFFF086  }
0x1c: {  	p1 =	slt.u32 s9, $0xF7A;
	s5 =	simm.s32 @!p2 $0x0  }
0x1d: {  	s5 =	simm.s32 @p1 $0x1;
	p0 =	seq.s32 s7, s2  }
0x1e: {  	s7 =	smul.u32 @!p0 $0xF7A, s2;
	p2 =	seq.s32 @!p0 s5, $0x0  }
0x1f: {  	s9 =	smul.u32 $0xF7A, s1;
	s8 =	simm.s32 @!p0 $0x1BF5;
	p2 =	por !p2, p0  }
0x20: {  	[sflag:s8] =	ssyncset.s32 @!p0 $0xFFFFF086;
	s6 =	sadd.s32 @!p0 s3, s7;
	s7 =	simm.s32 @!p0 $0x108  }
0x21: {  	s3 =	sadd.s32 s3, s9;
	s6 =	sadd.s32 @!p0 $0x88, s6;
	s7 =	simm.s32 @p2 $0x1082  }
0x22: {  	[simem:s7], [sflag:s8] =	dma.local @!p0 [hbm:s6], $0xF7A  }
0x23: {  	s9 =	sor.u32 $0xD0000000, s2;
	s6 =	simm.s32 $0x108;
	_ =	swait.ge @!p0 [sflag:s8], $0x0  }
0x24: {  	s3 =	sadd.s32 $0x88, s3;
	s6 =	simm.s32 @!p1 $0x1082;
	[sflag:s4] =	ssyncset.s32 $0xFFFFF086  }
0x25: {  	[simem:s6], [sflag:s4] =	dma.local [hbm:s3], $0xF7A  }
0x26: {  	[smem:$0x3F96] =	sst s1;
	(tag) =	ssettag s2;
	_ =	strace s9  }
0x27: {  	s1 =	sld [smem:$0x3FA6]  }
0x28: {  	s2 =	sld [smem:$0x3FA7]  }
0x29: {  	s4 =	sld [smem:$0x3FA9]  }
0x2a: {  	p0 =	seq.s32 s5, $0x0;
	s5 =	sld [smem:$0x3FAA]  }
0x2b: {  	s6 =	sld [smem:$0x3FAB]  }
0x2c: {  	s7 =	sld [smem:$0x3FAC]  }
0x2d: {  	s3 =	simm.s32 $0x108;
	s8 =	sld [smem:$0x3FAD]  }
0x2e: {  	s3 =	simm.s32 @!p0 $0x1082;
	s9 =	sld [smem:$0x3FAE]  }
0x2f: {  	lr =	sadd.s32 s0, s3;
	s0 =	sld [smem:$0x3FA5]  }
0x30: {  	s3 =	sld [smem:$0x3FA8]  }
0x31: {  	[smem:$0x3FB1] =	sst s10  }
0x32: {  	s10 =	sld [smem:$0x3FAF];
	_ =	sdelay $0x3  }
0x33: {  	p0 =	seq.s32 s10, $0x1;
	s10 =	sld [smem:$0x3FB1];
	_ =	sdelay $0x3  }
0x34: {  	[smem:$0x3FB1] =	sst s10  }
0x35: {  	s10 =	sld [smem:$0x3FB0];
	_ =	sdelay $0x3  }
0x36: {  	p1 =	seq.s32 s10, $0x1;
	s10 =	sld [smem:$0x3FB1];
	_ =	sdelay $0x3  }
0x37: {  	[smem:$0x3FB1] =	sst s10  }
0x38: {  	s10 =	sld [smem:$0x3FB2]  }
0x39: {  	_ = 	snop;
	(pc) =	sbr.ind lr, $3  }
0x3a: {  	_ = 	snop  }
0x3b: {  	_ = 	snop  }
0x3c: {  	p2 =	seq.s32 s10, $0x1;
	s10 =	sld [smem:$0x3FB1]  }
0x3d: {  	_ =	shalt  }
0x3e: {  	_ =	shalt  }
0x3f: {  	_ =	shalt  }
0x40: {  	_ =	shalt  }
0x41: {  	_ =	shalt  }
0x42: {  	_ =	shalt  }
0x43: {  	_ =	shalt  }
0x44: {  	_ =	shalt  }
0x45: {  	_ =	shalt  }
0x46: {  	_ =	shalt  }
0x47: {  	_ =	shalt  }
0x48: {  	_ =	shalt  }
0x49: {  	_ =	shalt  }
0x4a: {  	_ =	shalt  }
0x4b: {  	_ =	shalt  }
0x4c: {  	_ =	shalt  }
0x4d: {  	_ =	shalt  }
0x4e: {  	_ =	shalt  }
0x4f: {  	_ =	shalt  }
0x50: {  	_ =	shalt  }
0x51: {  	_ =	shalt  }
0x52: {  	_ =	shalt  }
0x53: {  	_ =	shalt  }
0x54: {  	_ =	shalt  }
0x55: {  	_ =	shalt  }
0x56: {  	_ =	shalt  }
0x57: {  	_ =	shalt  }
0x58: {  	_ =	shalt  }
0x59: {  	_ =	shalt  }
0x5a: {  	_ =	shalt  }
0x5b: {  	_ =	shalt  }
0x5c: {  	_ =	shalt  }
0x5d: {  	_ =	shalt  }
0x5e: {  	_ =	shalt  }
0x5f: {  	_ =	shalt  }
0x60: {  	_ =	shalt  }
0x61: {  	_ =	shalt  }
0x62: {  	_ =	shalt  }
0x63: {  	_ =	shalt  }
0x64: {  	_ =	shalt  }
0x65: {  	_ =	shalt  }
0x66: {  	_ =	shalt  }
0x67: {  	_ =	shalt  }
0x68: {  	_ =	shalt  }
0x69: {  	_ =	shalt  }
0x6a: {  	_ =	shalt  }
0x6b: {  	_ =	shalt  }
0x6c: {  	_ =	shalt  }
0x6d: {  	_ =	shalt  }
0x6e: {  	_ =	shalt  }
0x6f: {  	_ =	shalt  }
0x70: {  	_ =	shalt  }
0x71: {  	_ =	shalt  }
0x72: {  	_ =	shalt  }
0x73: {  	_ =	shalt  }
0x74: {  	_ =	shalt  }
0x75: {  	_ =	shalt  }
0x76: {  	_ =	shalt  }
0x77: {  	_ =	shalt  }
0x78: {  	_ =	shalt  }
0x79: {  	_ =	shalt  }
0x7a: {  	_ =	shalt  }
0x7b: {  	_ =	shalt  }
0x7c: {  	_ =	shalt  }
0x7d: {  	_ =	shalt  }
0x7e: {  	_ =	shalt  }
0x7f: {  	_ =	shalt  }
0x80: {  	_ =	shalt  }
0x81: {  	_ =	shalt  }
0x82: {  	_ =	shalt  }
0x83: {  	_ =	shalt  }
0x84: {  	_ =	shalt  }
0x85: {  	_ =	shalt  }
0x86: {  	_ =	shalt  }
0x87: {  	_ =	shalt  }
.Lfunc_end0:
.L_simem_size_0:
called_computation.3_lowered:
.L_overlay_start_0:
0x88: {  	s2 =	sld [smem:$0x3FD9]  }
0x89: {  	s3 =	sld [smem:$0x3FFE];
	_ =	sdelay $0x1  }
0x8a: {  	s1 =	srdreg.scid  }
0x8b: {  	s0 =	sand.u32 $0x1, s1  }
0x8c: {  	s17 =	sshll.u32 s0, $0xA;
	s2 =	sadd.s32 s3, s2  }
0x8d: {  	s2 =	sadd.s32 s2, s17  }
0x8e: {  	[smem:$0x3FBD] =	sst s2  }
0x8f: {  	_ = 	snop  }
0x90: {  	s2 =	sld [smem:$0x3FD0];
	(tm) =	ssettm $0x1  }
0x91: {  	s18 =	sld [smem:$0x3FFB];
	_ =	sdelay $0x3  }
0x92: {  	_ =	strace s18  }
0x93: {  	s3 =	sld [smem:$0x3FFC];
	_ =	sdelay $0x3  }
0x94: {  	_ =	strace s3  }
0x95: {  	s3 =	sld [smem:$0x3FFD];
	_ =	sdelay $0x3  }
0x96: {  	_ =	strace s3  }
0x97: {  	_ =	strace $0x8FFFFFFF  }
0x98: {  	s19 =	sld [smem:$0x3FDB];
	_ =	sdelay $0x1  }
0x99: {  	s4 =	simm.s32 $_scs_section_size  }
0x9a: {  	s5 =	simm.s32 $_size__tile_overlayer_lowered;
	s6 =	simm.s32 $_tile_overlayer_lowered  }
0x9b: {  	s22 =	simm.s32 $0x1BFF;
	s21 =	sshll.u32 s6, $0x1;
	s3 =	sadd.s32 s4, s19  }
0x9c: {  	s7 =	simm.s32 $0x0;
	s20 =	sshll.u32 s5, $0x1;
	s5 =	sadd.s32 s21, s3  }
0x9d: {  	[timem:s7], [sflag:s22] =	dma.local [hbm:s5], s20  }
0x9e: {  	_ =	swait.ge [sflag:s22], s20  }
0x9f: {  	s4 =	ssub.s32 $0x0, s20;
	[sflag:s22] =	ssyncset.done $0x0  }
0xa0: {  	[sflag:s22] =	ssyncadd.s32 s4;
	_ =	sdelay $0x1  }
0xa1: {  	s23 =	simm.s32 $0x1B8B  }
0xa2: {  	_ =	swait.ge [sflag:s23], $0x1  }
0xa3: {  	[sflag:s23] =	ssyncset.done $0x0  }
0xa4: {  	s25 =	simm.s32 $0x1B8E;
	s24 =	sld [smem:$0x3FFE];
	[sflag:s23] =	ssyncadd.s32 $0xFFFFFFFF  }
0xa5: {  	s26 =	simm.s32 $execute0_lowered;
	[smem:$0x3FD2] =	sst s25  }
0xa6: {  	s5 =	sshll.u32 s26, $0x1;
	_ =	strace $0x8000004F;
	[dreg:$0x1] =	wrdreg $0xFFFFFFFF  }
0xa7: {  	s28 =	simm.s32 $_size_execute0_lowered;
	s3 =	sadd.s32 s3, s5;
	[dreg:$0x0] =	wrdreg $0x0  }
0xa8: {  	s5 =	sshll.u32 s28, $0x1;
	[dreg:$0x2] =	wrdreg s3  }
0xa9: {  	[dreg:$0x3] =	wrdreg s5  }
0xaa: {  	[dreg:$0x4] =	wrdreg $0xC0  }
0xab: {  	_ =	task [dreg:s7], $0x5FFFF  }
0xac: {  	[dreg:$0x1] =	wrdreg $0xFFFFFFFF  }
0xad: {  	[dreg:$0x0] =	wrdreg $0x60  }
0xae: {  	[dreg:$0x2] =	wrdreg s2  }
0xaf: {  	[dreg:$0x3] =	wrdreg s24  }
0xb0: {  	[dreg:$0x4] =	wrdreg $0x82000  }
0xb1: {  	[dreg:$0x5] =	wrdreg $0x9  }
0xb2: {  	_ =	task.clear_ibuf [dreg:s7], $0x6FFFF;
	_ =	strace $0x9000004F  }
0xb3: {  	s29 =	simm.s32 $0x9;
	_ =	strace $0x80000051  }
0xb4: {  	_ =	swait.ge [sflag:s29], $0x1  }
0xb5: {  	[sflag:s29] =	ssyncadd.s32 $0xFFFFFFFF  }
0xb6: {  	_ =	strace $0x90000051  }
0xb7: {  	_ =	sfence  }
0xb8: {  	s30 =	sld [smem:$0x0];
	_ =	sdelay $0x2  }
0xb9: {  	s31 =	sshll.u32 s1, $0xD;
	s1 =	sshrl.u32 s1, $0x2  }
0xba: {  	s3 =	sand.u32 $0x4000, s31;
	s1 =	sadd.s32 s1, s30  }
0xbb: {  	s0 =	sor.u32 s3, s0;
	s1 =	sshll.u32 s1, $0x11  }
0xbc: {  	s0 =	sor.u32 s1, s0  }
0xbd: {  	s0 =	sadd.s32 $0x8F2B, s0  }
0xbe: {  	[sflag:s0] =	ssyncadd.remote.s32 $0x1  }
0xbf: {  	_ =	sfence.sel $0xFFFF  }
0xc0: {  	[dreg:$0x0] =	wrdreg $0xFFFFFFFF;
	(pc) =	sbr.abs _section_cstart, $3  }
0xc1: {  	[dreg:$0x1] =	wrdreg $0xFFFFFFFF  }
0xc2: {  	_ =	task.clear_ibuf [dreg:s7], $0x2FFFF;
	_ =	strace $0x9FFFFFFF  }
0xc3: {  	(tm) =	ssettm $0x7FFFFFFF  }
tec
execute0_lowered:
.L_overlay_start_1:
0x0: {  	(tag) =	ssettag $0x1  }
0x1: {  	s1 =	rddreg [dreg:$0x0]  }
0x2: {  	s0 =	rddreg [dreg:$0x1]  }
0x3: {  	s2 =	rddreg [dreg:$0x2]  }
0x4: {  	s3 =	srdreg.scid;
	s9 =	stileid.u32  }
0x5: {  	s4 =	simm.s32 $0x0;
	s28 =	simm.s32 $0x4200;
	s7 =	smul.u32 $0x13C00, s9  }
0x6: {  	s29 =	simm.s32 $0x2;
	s30 =	simm.s32 $0x4;
	s18 =	smul.u32 $0x4F000, s9  }
0x7: {  	s31 =	simm.s32 $0x0;
	s3 =	sand.u32 $0x1, s3;
	s20 =	smul.u32 $0x2800, s9  }
0x8: {  	[smem:$0x7FF] =	sst s4;
	s5 =	sadd.s32 $0x8400, s0;
	s11 =	smul.u32 $0x5000, s9  }
0x9: {  	s16 =	sadd.s32 $0x3400, s0;
	s6 =	smul.u32 $0x13C000, s3;
	s8 =	ssub.s32 $0x2, s3  }
0xa: {  	_ =	strace $0x80000050;
	s3 =	sshll.u32 s3, $0x7;
	s19 =	sshrl.u32 s8, $0x1  }
0xb: {  	s12 =	sshrl.u32 s20, $0x7;
	s6 =	sadd.s32 s7, s6;
	s7 =	sshrl.u32 s18, $0x2  }
0xc: {  	s17 =	ssub.s32 s8, s19;
	s19 =	sor.u32 s3, s11;
	s13 =	sor.u32 $0x1, s12  }
0xd: {  	s18 =	smul.u32 $0x500, s9;
	s6 =	sshrl.u32 s6, $0x3;
	s11 =	sshrl.u32 s19, $0x3  }
0xe: {  	s14 =	sshll.u32 s13, $0x8;
	s24 =	sshll.u32 s13, $0x4;
	s25 =	sor.u32 $0x300, s19  }
0xf: {  	s19 =	sor.u32 $0x200, s19;
	s0 =	sadd.s32 s6, s0;
	s6 =	sadd.s32 s7, s2  }
0x10: {  	s7 =	sshrl.u32 s20, $0x3;
	s11 =	sadd.s32 s5, s11;
	s3 =	sor.u32 s3, s14  }
0x11: {  	s14 =	sadd.s32 s16, s24;
	s26 =	sadd.s32 s18, s16;
	s20 =	simm.s32 $0x100  }
0x12: {  	s24 =	simm.s32 $0x4100;
	s21 =	sadd.s32 $0x4000, s6;
	s22 =	sadd.s32 $0x8000, s6  }
0x13: {  	s23 =	sadd.s32 $0xC000, s6;
	s10 =	sadd.s32 $0x10000, s6;
	s12 =	sadd.s32 s16, s7  }
0x14: {  	s3 =	sshrl.u32 s3, $0x3;
	s15 =	sadd.s32 $0x12400, s0;
	[dreg:$0x4] =	wrdreg s21  }
0x15: {  	s16 =	smax.u32 s17, $0x1;
	s17 =	sadd.s32 $0x30, s26;
	[dreg:$0x5] =	wrdreg s22  }
0x16: {  	s26 =	simm.s32 $0x3;
	[dreg:$0x6] =	wrdreg s23;
	s13 =	sadd.s32 s5, s3  }
0x17: {  	s3 =	sshrl.u32 s25, $0x3;
	s21 =	simm.s32 $0x5;
	s22 =	simm.s32 $0x80  }
0x18: {  	v0 =	vimm.f32 $0.0e+00;
	s23 =	simm.s32 $0x1;
	s25 =	simm.s32 $0x4180;
	s18 =	sadd.s32 s3, s5  }
.LBB2_1:
0x19: {  	s0 =	simm.s32 $0x0;
	s3 =	simm.s32 $0x200  }
.LBB2_2:
0x1a: {  	p0 =	sne.s32 s3, $0xFE00;
	[tilespmem:s0+$0x170] =	vst v0  }
0x1b: {  	[tilespmem:s0+$0x100] =	vst v0  }
0x1c: {  	[tilespmem:s0+$0x110] =	vst v0  }
.Ltmp0:
0x1d: {  	[tilespmem:s0+$0x120] =	vst v0;
	(pc) =	sbr.rel @p0 .LBB2_2-.Ltmp0, $4  }
0x1e: {  	[tilespmem:s0+$0x130] =	vst v0  }
0x1f: {  	[tilespmem:s0+$0x140] =	vst v0  }
0x20: {  	[tilespmem:s0+$0x150] =	vst v0  }
0x21: {  	[tilespmem:s0+$0x160] =	vst v0;
	s0 =	sshra.s32 s3, $0x2;
	s3 =	sadd.s32 $0x200, s3  }
0x22: {  	[tilespmem:s0+$0x170] =	vst v0  }
0x23: {  	[tilespmem:s0+$0x100] =	vst v0  }
0x24: {  	[tilespmem:s0+$0x110] =	vst v0  }
0x25: {  	[tilespmem:s0+$0x120] =	vst v0  }
0x26: {  	[tilespmem:s0+$0x130] =	vst v0  }
0x27: {  	[tilespmem:s0+$0x140] =	vst v0  }
0x28: {  	[tilespmem:s0+$0x150] =	vst v0  }
0x29: {  	[tilespmem:s0+$0x160] =	vst v0  }
0x2a: {  	[spmem:s6] =	stream.linear.scatter [tilespmem:s20], [sflag:$0x5], $0x4000, $0x38;
	[tilespmem:$0x1BE00] =	vst v63  }
0x2b: {  	_ =	swait.ge [sflag:s21], $0x4000  }
0x2c: {  	[sflag:s21] =	ssyncset.done $0x0  }
0x2d: {  	s7 =	rddreg [dreg:$0x4];
	[sflag:s21] =	ssyncadd.s32 $0xFFFFC000  }
0x2e: {  	[spmem:s7] =	stream.linear.scatter [tilespmem:s20], [sflag:$0x5], $0x4000, $0x38;
	[tilespmem:$0x1BE00] =	vst v63  }
0x2f: {  	_ =	swait.ge [sflag:s21], $0x4000  }
0x30: {  	[sflag:s21] =	ssyncset.done $0x0  }
0x31: {  	s8 =	rddreg [dreg:$0x5];
	[sflag:s21] =	ssyncadd.s32 $0xFFFFC000  }
0x32: {  	[spmem:s8] =	stream.linear.scatter [tilespmem:s20], [sflag:$0x5], $0x4000, $0x38;
	[tilespmem:$0x1BE00] =	vst v63  }
0x33: {  	_ =	swait.ge [sflag:s21], $0x4000  }
0x34: {  	[sflag:s21] =	ssyncset.done $0x0  }
0x35: {  	s9 =	rddreg [dreg:$0x6];
	[sflag:s21] =	ssyncadd.s32 $0xFFFFC000  }
0x36: {  	[spmem:s9] =	stream.linear.scatter [tilespmem:s20], [sflag:$0x5], $0x4000, $0x38;
	[tilespmem:$0x1BE00] =	vst v63  }
0x37: {  	_ =	swait.ge [sflag:s21], $0x4000  }
0x38: {  	[sflag:s21] =	ssyncset.done $0x0  }
0x39: {  	[sflag:s21] =	ssyncadd.s32 $0xFFFFC000  }
0x3a: {  	[spmem:s10] =	stream.linear.scatter [tilespmem:s20], [sflag:$0x5], $0x3C00, $0x38;
	[tilespmem:$0x1BE00] =	vst v63  }
0x3b: {  	_ =	swait.ge [sflag:s21], $0x3C00  }
0x3c: {  	[sflag:s21] =	ssyncset.done $0x0  }
0x3d: {  	[sflag:s21] =	ssyncadd.s32 $0xFFFFC400  }
0x3e: {  	s3 =	simm.s32 $0x0;
	[bflag:$0x0] =	sbarrier.arrive $0xFFFF  }
0x3f: {  	[tilespmem:s3], [sflag:$0x1] =	stream.linear.gather [hbm4b:s11+s3], $0x80, $0x38;
	[tilespmem:$0x1BE00] =	vst v63  }
0x40: {  	_ = 	snop  }
0x41: {  	[tilespmem:s22], [sflag:$0x1] =	stream.linear.gather [hbm4b:s12+s3], $0x80, $0x38;
	[tilespmem:$0x1BE00] =	vst v63  }
0x42: {  	_ =	swait.ge [sflag:s23], $0x80  }
0x43: {  	[sflag:s23] =	ssyncset.done $0x0  }
0x44: {  	[sflag:s23] =	ssyncadd.s32 $0xFFFFFF80  }
0x45: {  	_ =	swait.ge [sflag:s23], $0x80  }
0x46: {  	[sflag:s23] =	ssyncset.done $0x0  }
0x47: {  	[sflag:s23] =	ssyncadd.s32 $0xFFFFFF80  }
0x48: {  	[tilespmem:s20], [sflag:$0x1] =	stream.indirect.gather [hbm4b:s1+s22], $0x80, s3, s22, $0xb8;
	[tilespmem:$0x1BE00] =	vst v63  }
0x49: {  	_ = 	snop  }
0x4a: {  	[tilespmem:s24], [sflag:$0x3] =	stream.linear.gather [hbm4b:s13+s3], $0x80, $0x38;
	[tilespmem:$0x1BE00] =	vst v63  }
0x4b: {  	_ = 	snop  }
0x4c: {  	[tilespmem:s25], [sflag:$0x3] =	stream.linear.gather [hbm4b:s14+s3], $0x80, $0x38;
	[tilespmem:$0x1BE00] =	vst v63  }
0x4d: {  	_ =	swait.ge [sflag:s26], $0x80  }
0x4e: {  	[sflag:s26] =	ssyncset.done $0x0  }
0x4f: {  	[sflag:s26] =	ssyncadd.s32 $0xFFFFFF80  }
0x50: {  	_ =	swait.ge [sflag:s26], $0x80  }
0x51: {  	[sflag:s26] =	ssyncset.done $0x0  }
0x52: {  	[sflag:s26] =	ssyncadd.s32 $0xFFFFFF80  }
0x53: {  	[tilespmem:s28], [sflag:$0x3] =	stream.indirect.gather [hbm4b:s1+s22], $0x80, s24, s22, $0xb8;
	[tilespmem:$0x1BE00] =	vst v63  }
0x54: {  	_ =	swait.ge [sflag:s23], $0x4000  }
0x55: {  	[sflag:s23] =	ssyncset.done $0x0  }
0x56: {  	[sflag:s23] =	ssyncadd.s32 $0xFFFFC000  }
0x57: {  	[spmem:s2] =	stream.indirect.scatter.add.f32 [tilespmem:s20], [sflag:$0x2], $0x80, s22, s22, $0xb8;
	[tilespmem:$0x1BE00] =	vst v63  }
0x58: {  	_ =	swait.ge [sflag:s26], $0x4000  }
0x59: {  	[sflag:s26] =	ssyncset.done $0x0  }
0x5a: {  	[sflag:s26] =	ssyncadd.s32 $0xFFFFC000  }
0x5b: {  	[spmem:s2] =	stream.indirect.scatter.add.f32 [tilespmem:s28], [sflag:$0x4], $0x80, s25, s22, $0xb8;
	[tilespmem:$0x1BE00] =	vst v63  }
0x5c: {  	_ =	swait.ge [sflag:s29], $0x4000  }
0x5d: {  	s7 =	sshrl.u32 s19, $0x3;
	[sflag:s29] =	ssyncset.done $0x0  }
0x5e: {  	s0 =	sadd.s32 s5, s7;
	[sflag:s29] =	ssyncadd.s32 $0xFFFFC000  }
0x5f: {  	[tilespmem:s4], [sflag:$0x1] =	stream.linear.gather [hbm4b:s0+s4], $0x80, $0x38;
	[tilespmem:$0x1BE00] =	vst v63  }
0x60: {  	s8 =	sadd.s32 $0xFFFFFFF0, s17  }
0x61: {  	[tilespmem:s22], [sflag:$0x1] =	stream.linear.gather [hbm4b:s8+s4], $0x80, $0x38;
	[tilespmem:$0x1BE00] =	vst v63  }
0x62: {  	_ =	swait.ge [sflag:s23], $0x80  }
0x63: {  	[sflag:s23] =	ssyncset.done $0x0  }
0x64: {  	[sflag:s23] =	ssyncadd.s32 $0xFFFFFF80  }
0x65: {  	_ =	swait.ge [sflag:s23], $0x80  }
0x66: {  	[sflag:s23] =	ssyncset.done $0x0  }
0x67: {  	[sflag:s23] =	ssyncadd.s32 $0xFFFFFF80  }
0x68: {  	[tilespmem:s20], [sflag:$0x1] =	stream.indirect.gather [hbm4b:s1+s22], $0x80, s4, s22, $0xb8;
	[tilespmem:$0x1BE00] =	vst v63  }
0x69: {  	_ =	swait.ge [sflag:s30], $0x4000  }
0x6a: {  	[sflag:s30] =	ssyncset.done $0x0  }
0x6b: {  	s9 =	sadd.s32 $0x0, s18;
	[sflag:s30] =	ssyncadd.s32 $0xFFFFC000  }
0x6c: {  	[tilespmem:s24], [sflag:$0x3] =	stream.linear.gather [hbm4b:s9+s4], $0x80, $0x38;
	[tilespmem:$0x1BE00] =	vst v63  }
0x6d: {  	_ = 	snop  }
0x6e: {  	[tilespmem:s25], [sflag:$0x3] =	stream.linear.gather [hbm4b:s17+s4], $0x80, $0x38;
	[tilespmem:$0x1BE00] =	vst v63  }
0x6f: {  	_ =	swait.ge [sflag:s26], $0x80  }
0x70: {  	[sflag:s26] =	ssyncset.done $0x0  }
0x71: {  	[sflag:s26] =	ssyncadd.s32 $0xFFFFFF80  }
0x72: {  	_ =	swait.ge [sflag:s26], $0x80  }
0x73: {  	s7 =	sadd.s32 $0x200, s19;
	[sflag:s26] =	ssyncset.done $0x0  }
0x74: {  	s3 =	sadd.s32 $0x20, s17;
	s0 =	simm.s32 $0x40;
	[sflag:s26] =	ssyncadd.s32 $0xFFFFFF80  }
.LBB2_4:
0x75: {  	[tilespmem:s28], [sflag:$0x3] =	stream.indirect.gather [hbm4b:s1+s22], $0x80, s24, s22, $0xb8;
	[tilespmem:$0x1BE00] =	vst v63  }
0x76: {  	s8 =	smov.u32 s0  }
0x77: {  	p0 =	sne.s32 s0, $0x980;
	s0 =	sadd.s32 $0x40, s0;
	_ =	swait.ge [sflag:s23], $0x4000  }
0x78: {  	[sflag:s23] =	ssyncset.done $0x0  }
0x79: {  	[sflag:s23] =	ssyncadd.s32 $0xFFFFC000  }
0x7a: {  	[spmem:s2] =	stream.indirect.scatter.add.f32 [tilespmem:s20], [sflag:$0x2], $0x80, s22, s22, $0xb8;
	[tilespmem:$0x1BE00] =	vst v63  }
0x7b: {  	_ =	swait.ge [sflag:s26], $0x4000  }
0x7c: {  	[sflag:s26] =	ssyncset.done $0x0  }
0x7d: {  	[sflag:s26] =	ssyncadd.s32 $0xFFFFC000  }
0x7e: {  	[spmem:s2] =	stream.indirect.scatter.add.f32 [tilespmem:s28], [sflag:$0x4], $0x80, s25, s22, $0xb8;
	[tilespmem:$0x1BE00] =	vst v63  }
0x7f: {  	_ =	swait.ge [sflag:s29], $0x4000  }
0x80: {  	s9 =	sshrl.u32 s7, $0x3;
	[sflag:s29] =	ssyncset.done $0x0  }
0x81: {  	s9 =	sadd.s32 s5, s9;
	[sflag:s29] =	ssyncadd.s32 $0xFFFFC000  }
0x82: {  	[tilespmem:s4], [sflag:$0x1] =	stream.linear.gather [hbm4b:s9+s4], $0x80, $0x38;
	[tilespmem:$0x1BE00] =	vst v63  }
0x83: {  	s9 =	sadd.s32 $0xFFFFFFF0, s3  }
0x84: {  	[tilespmem:s22], [sflag:$0x1] =	stream.linear.gather [hbm4b:s9+s4], $0x80, $0x38;
	[tilespmem:$0x1BE00] =	vst v63  }
0x85: {  	_ =	swait.ge [sflag:s23], $0x80  }
0x86: {  	[sflag:s23] =	ssyncset.done $0x0  }
0x87: {  	[sflag:s23] =	ssyncadd.s32 $0xFFFFFF80  }
0x88: {  	_ =	swait.ge [sflag:s23], $0x80  }
0x89: {  	[sflag:s23] =	ssyncset.done $0x0  }
0x8a: {  	[sflag:s23] =	ssyncadd.s32 $0xFFFFFF80  }
0x8b: {  	[tilespmem:s20], [sflag:$0x1] =	stream.indirect.gather [hbm4b:s1+s22], $0x80, s4, s22, $0xb8;
	[tilespmem:$0x1BE00] =	vst v63  }
0x8c: {  	_ =	swait.ge [sflag:s30], $0x4000  }
0x8d: {  	[sflag:s30] =	ssyncset.done $0x0  }
0x8e: {  	s8 =	sadd.s32 s8, s18;
	[sflag:s30] =	ssyncadd.s32 $0xFFFFC000  }
0x8f: {  	[tilespmem:s24], [sflag:$0x3] =	stream.linear.gather [hbm4b:s8+s4], $0x80, $0x38;
	[tilespmem:$0x1BE00] =	vst v63  }
0x90: {  	_ = 	snop  }
0x91: {  	[tilespmem:s25], [sflag:$0x3] =	stream.linear.gather [hbm4b:s3+s4], $0x80, $0x38;
	[tilespmem:$0x1BE00] =	vst v63  }
0x92: {  	_ =	swait.ge [sflag:s26], $0x80  }
.Ltmp1:
0x93: {  	[sflag:s26] =	ssyncset.done $0x0;
	(pc) =	sbr.rel @p0 .LBB2_4-.Ltmp1, $4  }
0x94: {  	[sflag:s26] =	ssyncadd.s32 $0xFFFFFF80  }
0x95: {  	_ =	swait.ge [sflag:s26], $0x80  }
0x96: {  	[sflag:s26] =	ssyncset.done $0x0  }
0x97: {  	s7 =	sadd.s32 $0x200, s7;
	s3 =	sadd.s32 $0x20, s3;
	[sflag:s26] =	ssyncadd.s32 $0xFFFFFF80  }
0x98: {  	[tilespmem:s28], [sflag:$0x3] =	stream.indirect.gather [hbm4b:s1+s22], $0x80, s24, s22, $0xb8;
	[tilespmem:$0x1BE00] =	vst v63  }
0x99: {  	_ =	swait.ge [sflag:s23], $0x4000  }
0x9a: {  	[sflag:s23] =	ssyncset.done $0x0  }
0x9b: {  	[sflag:s23] =	ssyncadd.s32 $0xFFFFC000  }
0x9c: {  	[spmem:s2] =	stream.indirect.scatter.add.f32 [tilespmem:s20], [sflag:$0x2], $0x80, s22, s22, $0xb8;
	[tilespmem:$0x1BE00] =	vst v63  }
0x9d: {  	_ =	swait.ge [sflag:s26], $0x4000  }
0x9e: {  	[sflag:s26] =	ssyncset.done $0x0  }
0x9f: {  	[sflag:s26] =	ssyncadd.s32 $0xFFFFC000  }
0xa0: {  	[spmem:s2] =	stream.indirect.scatter.add.f32 [tilespmem:s28], [sflag:$0x4], $0x80, s25, s22, $0xb8;
	[tilespmem:$0x1BE00] =	vst v63  }
0xa1: {  	_ =	swait.ge [sflag:s29], $0x4000  }
0xa2: {  	[sflag:s29] =	ssyncset.done $0x0  }
0xa3: {  	[sflag:s29] =	ssyncadd.s32 $0xFFFFC000  }
0xa4: {  	s0 =	stileid.u32;
	_ =	swait.ge [sflag:s30], $0x4000  }
0xa5: {  	s3 =	sshrl.u32 s6, $0x3;
	s31 =	sadd.s32 $0x1, s31;
	[sflag:s30] =	ssyncset.done $0x0  }
0xa6: {  	s0 =	sshll.u32 s0, $0x6;
	p0 =	sne.s32 s31, s16;
	[sflag:s30] =	ssyncadd.s32 $0xFFFFC000  }
.Ltmp2:
0xa7: {  	s0 =	sor.u32 $0x1C05, s0;
	[bflag:$0x0] =	sbarrier.arrive $0xFFFF;
	(pc) =	sbr.rel @p0 .LBB2_1-.Ltmp2, $4  }
0xa8: {  	[hbm:s15], [sflag:s0] =	dma.local [spmem:s3], $0x2780  }
0xa9: {  	_ =	swait.ge [sflag:s21], $0x2780  }
0xaa: {  	[sflag:s21] =	ssyncset.done $0x0  }
0xab: {  	[sflag:s21] =	ssyncadd.s32 $0xFFFFD880  }
0xac: {  	_ =	sfence.sel $0x180000  }
0xad: {  	[bflag:$0x0] =	sbarrier.arrive $0xFFFF  }
0xae: {  	_ =	strace $0x90000050  }
0xaf: {  	s0 =	stileid.u32;
	[bflag:$0x2] =	sbarrier.arrive $0xFFFF  }
0xb0: {  	p0 =	sne.s32 s0, $0x0;
	s0 =	rddreg [dreg:$0x3]  }
0xb1: {  	s0 =	sadd.s32 @!p0 $0x100000, s0  }
0xb2: {  	[sflag:s0] =	ssyncadd.tile.s32 @!p0 $0x1;
	_ =	shalt  }
.Lfunc_end2:
_tile_overlayer_lowered:
.L_overlay_start_2:
0xb3: {  	(tag) =	ssettag $0x2  }
0xb4: {  	s0 =	rddreg [dreg:$0x0];
	s2 =	stileid.u32  }
0xb5: {  	s1 =	rddreg [dreg:$0x1];
	p0 =	sne.s32 s2, $0x0  }
0xb6: {  	s3 =	rddreg [dreg:$0x2];
	[bflag:$0x3] =	sbarrier.arrive $0xFFFF;
	s2 =	simm.s32 @!p0 $0x1C05  }
0xb7: {  	[timem:s3], [sflag:s2] =	dma.local @!p0 [hbm:s0], s1  }
0xb8: {  	s0 =	simm.s32 @!p0 $0x5  }
0xb9: {  	_ =	swait.ge @!p0 [sflag:s0], s1  }
0xba: {  	s1 =	ssub.s32 @!p0 $0x0, s1;
	[sflag:s0] =	ssyncset.done @!p0 $0x0  }
0xbb: {  	[sflag:s0] =	ssyncadd.s32 @!p0 s1  }
0xbc: {  	[bflag:$0x3] =	sbarrier.arrive $0xFFFF  }
0xbd: {  	_ =	shalt  }

// kernel: kernel.9.cloned.1.call-start
scs
__scs_entry_jumppad:
0x0: {  	(pc) =	sbr.rel $0x88, $3  }
0x1: {  	(tag) =	ssettag $0x0;
	lr =	simm.s32 $0x1  }
0x2: {  	[smem:$0x3F96] =	sst lr;
	_ =	strace $0xD0000000  }
0x3: {  	_ = 	snop  }
0x4: {  	_ = 	snop  }
0x5: {  	_ = 	snop  }
0x6: {  	_ = 	snop  }
0x7: {  	_ = 	snop  }
__scs_overlays_trampoline_lowered:
0x8: {  	[smem:$0x3FA5] =	sst s0  }
0x9: {  	[smem:$0x3FA6] =	sst s1  }
0xa: {  	[smem:$0x3FA7] =	sst s2  }
0xb: {  	[smem:$0x3FA8] =	sst s3  }
0xc: {  	[smem:$0x3FA9] =	sst s4  }
0xd: {  	[smem:$0x3FAA] =	sst s5  }
0xe: {  	[smem:$0x3FAB] =	sst s6  }
0xf: {  	[smem:$0x3FAC] =	sst s7  }
0x10: {  	[smem:$0x3FAD] =	sst s8  }
0x11: {  	[smem:$0x3FAE] =	sst s9;
	s0 =	simm.s32 @!p0 $0x0  }
0x12: {  	s1 =	sld [smem:$0x3F94];
	s0 =	simm.s32 @p0 $0x1  }
0x13: {  	[smem:$0x3FAF] =	sst s0;
	s0 =	simm.s32 @!p1 $0x0  }
0x14: {  	s2 =	sld [smem:$0x3F93];
	s0 =	simm.s32 @p1 $0x1  }
0x15: {  	[smem:$0x3FB0] =	sst s0;
	s0 =	simm.s32 @!p2 $0x0  }
0x16: {  	s3 =	sld [smem:$0x3FDB];
	s0 =	simm.s32 @p2 $0x1  }
0x17: {  	s4 =	simm.s32 $0x1BF5;
	[smem:$0x3FB2] =	sst s0  }
0x18: {  	s0 =	sld [smem:$0x3F95];
	_ =	swait.ge [sflag:s4], $0x0  }
0x19: {  	s7 =	sld [smem:$0x3F96]  }
0x1a: {  	s8 =	sadd.s32 $0xFFFFE003, lr  }
0x1b: {  	s9 =	sadd.s32 $0xFFFFFEF7, lr;
	s5 =	simm.s32 $0xFFFFFFFF;
	p2 =	slt.u32 s8, $0xFFFFF086  }
0x1c: {  	p1 =	slt.u32 s9, $0xF7A;
	s5 =	simm.s32 @!p2 $0x0  }
0x1d: {  	s5 =	simm.s32 @p1 $0x1;
	p0 =	seq.s32 s7, s2  }
0x1e: {  	s7 =	smul.u32 @!p0 $0xF7A, s2;
	p2 =	seq.s32 @!p0 s5, $0x0  }
0x1f: {  	s9 =	smul.u32 $0xF7A, s1;
	s8 =	simm.s32 @!p0 $0x1BF5;
	p2 =	por !p2, p0  }
0x20: {  	[sflag:s8] =	ssyncset.s32 @!p0 $0xFFFFF086;
	s6 =	sadd.s32 @!p0 s3, s7;
	s7 =	simm.s32 @!p0 $0x108  }
0x21: {  	s3 =	sadd.s32 s3, s9;
	s6 =	sadd.s32 @!p0 $0x88, s6;
	s7 =	simm.s32 @p2 $0x1082  }
0x22: {  	[simem:s7], [sflag:s8] =	dma.local @!p0 [hbm:s6], $0xF7A  }
0x23: {  	s9 =	sor.u32 $0xD0000000, s2;
	s6 =	simm.s32 $0x108;
	_ =	swait.ge @!p0 [sflag:s8], $0x0  }
0x24: {  	s3 =	sadd.s32 $0x88, s3;
	s6 =	simm.s32 @!p1 $0x1082;
	[sflag:s4] =	ssyncset.s32 $0xFFFFF086  }
0x25: {  	[simem:s6], [sflag:s4] =	dma.local [hbm:s3], $0xF7A  }
0x26: {  	[smem:$0x3F96] =	sst s1;
	(tag) =	ssettag s2;
	_ =	strace s9  }
0x27: {  	s1 =	sld [smem:$0x3FA6]  }
0x28: {  	s2 =	sld [smem:$0x3FA7]  }
0x29: {  	s4 =	sld [smem:$0x3FA9]  }
0x2a: {  	p0 =	seq.s32 s5, $0x0;
	s5 =	sld [smem:$0x3FAA]  }
0x2b: {  	s6 =	sld [smem:$0x3FAB]  }
0x2c: {  	s7 =	sld [smem:$0x3FAC]  }
0x2d: {  	s3 =	simm.s32 $0x108;
	s8 =	sld [smem:$0x3FAD]  }
0x2e: {  	s3 =	simm.s32 @!p0 $0x1082;
	s9 =	sld [smem:$0x3FAE]  }
0x2f: {  	lr =	sadd.s32 s0, s3;
	s0 =	sld [smem:$0x3FA5]  }
0x30: {  	s3 =	sld [smem:$0x3FA8]  }
0x31: {  	[smem:$0x3FB1] =	sst s10  }
0x32: {  	s10 =	sld [smem:$0x3FAF];
	_ =	sdelay $0x3  }
0x33: {  	p0 =	seq.s32 s10, $0x1;
	s10 =	sld [smem:$0x3FB1];
	_ =	sdelay $0x3  }
0x34: {  	[smem:$0x3FB1] =	sst s10  }
0x35: {  	s10 =	sld [smem:$0x3FB0];
	_ =	sdelay $0x3  }
0x36: {  	p1 =	seq.s32 s10, $0x1;
	s10 =	sld [smem:$0x3FB1];
	_ =	sdelay $0x3  }
0x37: {  	[smem:$0x3FB1] =	sst s10  }
0x38: {  	s10 =	sld [smem:$0x3FB2]  }
0x39: {  	_ = 	snop;
	(pc) =	sbr.ind lr, $3  }
0x3a: {  	_ = 	snop  }
0x3b: {  	_ = 	snop  }
0x3c: {  	p2 =	seq.s32 s10, $0x1;
	s10 =	sld [smem:$0x3FB1]  }
0x3d: {  	_ =	shalt  }
0x3e: {  	_ =	shalt  }
0x3f: {  	_ =	shalt  }
0x40: {  	_ =	shalt  }
0x41: {  	_ =	shalt  }
0x42: {  	_ =	shalt  }
0x43: {  	_ =	shalt  }
0x44: {  	_ =	shalt  }
0x45: {  	_ =	shalt  }
0x46: {  	_ =	shalt  }
0x47: {  	_ =	shalt  }
0x48: {  	_ =	shalt  }
0x49: {  	_ =	shalt  }
0x4a: {  	_ =	shalt  }
0x4b: {  	_ =	shalt  }
0x4c: {  	_ =	shalt  }
0x4d: {  	_ =	shalt  }
0x4e: {  	_ =	shalt  }
0x4f: {  	_ =	shalt  }
0x50: {  	_ =	shalt  }
0x51: {  	_ =	shalt  }
0x52: {  	_ =	shalt  }
0x53: {  	_ =	shalt  }
0x54: {  	_ =	shalt  }
0x55: {  	_ =	shalt  }
0x56: {  	_ =	shalt  }
0x57: {  	_ =	shalt  }
0x58: {  	_ =	shalt  }
0x59: {  	_ =	shalt  }
0x5a: {  	_ =	shalt  }
0x5b: {  	_ =	shalt  }
0x5c: {  	_ =	shalt  }
0x5d: {  	_ =	shalt  }
0x5e: {  	_ =	shalt  }
0x5f: {  	_ =	shalt  }
0x60: {  	_ =	shalt  }
0x61: {  	_ =	shalt  }
0x62: {  	_ =	shalt  }
0x63: {  	_ =	shalt  }
0x64: {  	_ =	shalt  }
0x65: {  	_ =	shalt  }
0x66: {  	_ =	shalt  }
0x67: {  	_ =	shalt  }
0x68: {  	_ =	shalt  }
0x69: {  	_ =	shalt  }
0x6a: {  	_ =	shalt  }
0x6b: {  	_ =	shalt  }
0x6c: {  	_ =	shalt  }
0x6d: {  	_ =	shalt  }
0x6e: {  	_ =	shalt  }
0x6f: {  	_ =	shalt  }
0x70: {  	_ =	shalt  }
0x71: {  	_ =	shalt  }
0x72: {  	_ =	shalt  }
0x73: {  	_ =	shalt  }
0x74: {  	_ =	shalt  }
0x75: {  	_ =	shalt  }
0x76: {  	_ =	shalt  }
0x77: {  	_ =	shalt  }
0x78: {  	_ =	shalt  }
0x79: {  	_ =	shalt  }
0x7a: {  	_ =	shalt  }
0x7b: {  	_ =	shalt  }
0x7c: {  	_ =	shalt  }
0x7d: {  	_ =	shalt  }
0x7e: {  	_ =	shalt  }
0x7f: {  	_ =	shalt  }
0x80: {  	_ =	shalt  }
0x81: {  	_ =	shalt  }
0x82: {  	_ =	shalt  }
0x83: {  	_ =	shalt  }
0x84: {  	_ =	shalt  }
0x85: {  	_ =	shalt  }
0x86: {  	_ =	shalt  }
0x87: {  	_ =	shalt  }
.Lfunc_end0:
.L_simem_size_0:
called_computation_lowered:
.L_overlay_start_0:
0x88: {  	s2 =	sld [smem:$0x3FD9]  }
0x89: {  	s3 =	sld [smem:$0x3FFE];
	_ =	sdelay $0x1  }
0x8a: {  	s1 =	srdreg.scid  }
0x8b: {  	s0 =	sand.u32 $0x1, s1  }
0x8c: {  	s17 =	sshll.u32 s0, $0xA;
	s2 =	sadd.s32 s3, s2  }
0x8d: {  	s2 =	sadd.s32 s2, s17  }
0x8e: {  	[smem:$0x3FBD] =	sst s2  }
0x8f: {  	_ = 	snop  }
0x90: {  	(tm) =	ssettm $0x1  }
0x91: {  	s18 =	sld [smem:$0x3FFB];
	_ =	sdelay $0x3  }
0x92: {  	_ =	strace s18  }
0x93: {  	s2 =	sld [smem:$0x3FFC];
	_ =	sdelay $0x3  }
0x94: {  	_ =	strace s2  }
0x95: {  	s2 =	sld [smem:$0x3FFD];
	_ =	sdelay $0x3  }
0x96: {  	_ =	strace s2  }
0x97: {  	_ =	strace $0x8FFFFFFF  }
0x98: {  	s19 =	sld [smem:$0x3FDB];
	_ =	sdelay $0x1  }
0x99: {  	s20 =	simm.s32 $_scs_section_size  }
0x9a: {  	s4 =	simm.s32 $_size__tile_overlayer_lowered;
	s5 =	simm.s32 $_tile_overlayer_lowered  }
0x9b: {  	s6 =	simm.s32 $0x1BFF;
	s21 =	sshll.u32 s5, $0x1;
	s3 =	sadd.s32 s20, s19  }
0x9c: {  	s22 =	simm.s32 $0x0;
	s4 =	sshll.u32 s4, $0x1;
	s5 =	sadd.s32 s21, s3  }
0x9d: {  	[timem:s22], [sflag:s6] =	dma.local [hbm:s5], s4  }
0x9e: {  	_ =	swait.ge [sflag:s6], s4  }
0x9f: {  	s4 =	ssub.s32 $0x0, s4;
	[sflag:s6] =	ssyncset.done $0x0  }
0xa0: {  	[sflag:s6] =	ssyncadd.s32 s4;
	_ =	sdelay $0x1  }
0xa1: {  	s23 =	simm.s32 $0x1B8B  }
0xa2: {  	_ =	swait.ge [sflag:s23], $0x1  }
0xa3: {  	[sflag:s23] =	ssyncset.done $0x0  }
0xa4: {  	[sflag:s23] =	ssyncadd.s32 $0xFFFFFFFF  }
0xa5: {  	s4 =	sld [smem:$0x0]  }
0xa6: {  	s5 =	sand.u32 $0xFFFFFFFE, s1  }
0xa7: {  	p0 =	sne.s32 s1, s5  }
0xa8: {  	s5 =	sshll.u32 @p0 s5, $0xE  }
0xa9: {  	s5 =	sadd.s32 @p0 $0x11B8D, s5;
	s6 =	sshll.u32 @p0 s4, $0x11  }
0xaa: {  	s5 =	sor.u32 @p0 s6, s5  }
0xab: {  	[sflag:s5] =	ssyncadd.remote.s32 @p0 $0x1;
	_ =	sdelay $0x1  }
0xac: {  	s5 =	simm.s32 @p0 $0x1B8D  }
0xad: {  	_ =	swait.eq @p0 [sflag:s5], $0x1  }
0xae: {  	[sflag:s5] =	ssyncadd.s32 @p0 $0xFFFFFFFF  }
0xaf: {  	s6 =	sshll.u32 @!p0 s1, $0xE  }
0xb0: {  	s6 =	sor.u32 @!p0 $0x4000, s6;
	s5 =	simm.s32 @!p0 $0x1B8D  }
0xb1: {  	s4 =	sshll.u32 @!p0 s4, $0x11;
	s6 =	sadd.s32 @!p0 $0x11B8D, s6;
	_ =	swait.eq @!p0 [sflag:s5], $0x1  }
0xb2: {  	s4 =	sor.u32 @!p0 s4, s6;
	[sflag:s5] =	ssyncadd.s32 @!p0 $0xFFFFFFFF  }
0xb3: {  	s25 =	simm.s32 $0x1B8E;
	s24 =	sld [smem:$0x3FFE];
	[sflag:s4] =	ssyncadd.remote.s32 @!p0 $0x1  }
0xb4: {  	s26 =	simm.s32 $execute0_lowered;
	[smem:$0x3FD2] =	sst s25  }
0xb5: {  	s5 =	sshll.u32 s26, $0x1;
	_ =	strace $0x80000049;
	[dreg:$0x1] =	wrdreg $0xFFFFFFFF  }
0xb6: {  	s28 =	simm.s32 $_size_execute0_lowered;
	s3 =	sadd.s32 s3, s5;
	[dreg:$0x0] =	wrdreg $0x0  }
0xb7: {  	s5 =	sshll.u32 s28, $0x1;
	[dreg:$0x2] =	wrdreg s3  }
0xb8: {  	[dreg:$0x3] =	wrdreg s5  }
0xb9: {  	[dreg:$0x4] =	wrdreg $0xC0  }
0xba: {  	_ =	task [dreg:s22], $0x5FFFF  }
0xbb: {  	[dreg:$0x1] =	wrdreg $0xFFFFFFFF  }
0xbc: {  	[dreg:$0x0] =	wrdreg $0x60  }
0xbd: {  	[dreg:$0x2] =	wrdreg s24  }
0xbe: {  	[dreg:$0x3] =	wrdreg $0x45000  }
0xbf: {  	[dreg:$0x4] =	wrdreg $0x9  }
0xc0: {  	_ =	task.clear_ibuf [dreg:s22], $0x5FFFF;
	_ =	strace $0x90000049  }
0xc1: {  	s29 =	simm.s32 $0x9;
	_ =	strace $0x8000004B  }
0xc2: {  	_ =	swait.ge [sflag:s29], $0x1  }
0xc3: {  	[sflag:s29] =	ssyncadd.s32 $0xFFFFFFFF  }
0xc4: {  	_ =	strace $0x9000004B  }
0xc5: {  	_ =	sfence  }
0xc6: {  	s30 =	sld [smem:$0x0];
	_ =	sdelay $0x2  }
0xc7: {  	s31 =	sshll.u32 s1, $0xD;
	s1 =	sshrl.u32 s1, $0x2  }
0xc8: {  	s4 =	sand.u32 $0x4000, s31;
	s1 =	sadd.s32 s1, s30  }
0xc9: {  	s0 =	sor.u32 s4, s0;
	s1 =	sshll.u32 s1, $0x11  }
0xca: {  	s0 =	sor.u32 s1, s0  }
0xcb: {  	s0 =	sadd.s32 $0x8F2B, s0  }
0xcc: {  	[sflag:s0] =	ssyncadd.remote.s32 $0x1  }
0xcd: {  	_ =	sfence.sel $0xFFFF  }
0xce: {  	[dreg:$0x0] =	wrdreg $0xFFFFFFFF;
	(pc) =	sbr.abs _section_cstart, $3  }
0xcf: {  	[dreg:$0x1] =	wrdreg $0xFFFFFFFF  }
0xd0: {  	_ =	task.clear_ibuf [dreg:s22], $0x2FFFF;
	_ =	strace $0x9FFFFFFF  }
0xd1: {  	(tm) =	ssettm $0x7FFFFFFF  }
tec
execute0_lowered:
.L_overlay_start_1:
0x0: {  	(tag) =	ssettag $0x1  }
0x1: {  	s4 =	rddreg [dreg:$0x0]  }
0x2: {  	s1 =	rddreg [dreg:$0x1]  }
0x3: {  	s2 =	srdreg.scid;
	s0 =	rddreg [dreg:$0x2];
	s3 =	simm.s32 $0x0  }
0x4: {  	s13 =	simm.s32 $0x1;
	s14 =	simm.s32 $0x80;
	s15 =	simm.s32 $0x3  }
0x5: {  	s16 =	simm.s32 $0x100;
	s17 =	simm.s32 $0x2;
	s5 =	sand.u32 $0x1, s2  }
0x6: {  	s18 =	simm.s32 $0x4;
	s2 =	stileid.u32;
	s6 =	smul.u32 $0x13C000, s5  }
0x7: {  	s19 =	simm.s32 $0x0;
	[smem:$0x7FF] =	sst s3;
	s7 =	smul.u32 $0x13C00, s2  }
0x8: {  	s10 =	sadd.s32 $0x3400, s4;
	s8 =	sshll.u32 s5, $0x4;
	s9 =	smul.u32 $0x4F000, s2  }
0x9: {  	_ =	strace $0x8000004A;
	s24 =	ssub.s32 $0x2, s5;
	s11 =	smul.u32 $0x14000, s5  }
0xa: {  	s26 =	smul.u32 $0x1400, s2;
	s8 =	sor.u32 s2, s8;
	s25 =	sshrl.u32 s24, $0x1  }
0xb: {  	s6 =	sadd.s32 s7, s6;
	s23 =	smul.u32 $0x1400, s8;
	s8 =	ssub.s32 s24, s25  }
0xc: {  	s28 =	sshrl.u32 s9, $0x2;
	s30 =	sadd.s32 s26, s11;
	s6 =	sshrl.u32 s6, $0x3  }
0xd: {  	s31 =	sor.u32 $0x180, s30;
	s11 =	sor.u32 $0x100, s30;
	s8 =	smax.u32 s8, $0x1  }
0xe: {  	s12 =	sadd.s32 s6, s4;
	s29 =	sshrl.u32 s23, $0x3;
	s4 =	sadd.s32 s28, s1  }
0xf: {  	s9 =	sshrl.u32 s31, $0x3;
	s11 =	sshrl.u32 s11, $0x3;
	s5 =	sadd.s32 s10, s29  }
0x10: {  	s7 =	sadd.s32 $0x61400, s12;
	s9 =	sadd.s32 s9, s10;
	s10 =	sadd.s32 s11, s10  }
0x11: {  	v0 =	vimm.f32 $1.000000000e+00;
	v1 =	vimm.f32 $0.0e+00;
	s11 =	simm.s32 $0x4100;
	s12 =	simm.s32 $0x5;
	s6 =	sadd.s32 $0x10, s5  }
.LBB2_1:
0x12: {  	s20 =	simm.s32 $0x0;
	s21 =	simm.s32 $0x200  }
.LBB2_2:
0x13: {  	p0 =	sne.s32 s21, $0xFE00;
	[tilespmem:s20+$0x170] =	vst v0  }
0x14: {  	[tilespmem:s20+$0x100] =	vst v0  }
0x15: {  	[tilespmem:s20+$0x110] =	vst v0  }
.Ltmp0:
0x16: {  	[tilespmem:s20+$0x120] =	vst v0;
	(pc) =	sbr.rel @p0 .LBB2_2-.Ltmp0, $4  }
0x17: {  	[tilespmem:s20+$0x130] =	vst v0  }
0x18: {  	[tilespmem:s20+$0x140] =	vst v0  }
0x19: {  	[tilespmem:s20+$0x150] =	vst v0  }
0x1a: {  	[tilespmem:s20+$0x160] =	vst v0;
	s20 =	sshra.s32 s21, $0x2;
	s21 =	sadd.s32 $0x200, s21  }
0x1b: {  	[tilespmem:s20+$0x170] =	vst v0  }
0x1c: {  	[tilespmem:s20+$0x100] =	vst v0  }
0x1d: {  	[tilespmem:s20+$0x110] =	vst v0  }
0x1e: {  	[tilespmem:s20+$0x120] =	vst v0  }
0x1f: {  	[tilespmem:s20+$0x130] =	vst v0  }
0x20: {  	[tilespmem:s20+$0x140] =	vst v0  }
0x21: {  	[tilespmem:s20+$0x150] =	vst v0  }
0x22: {  	[tilespmem:s20+$0x160] =	vst v0  }
0x23: {  	[tilespmem:$0x4100] =	vst v1  }
0x24: {  	[tilespmem:$0x4110] =	vst v1  }
0x25: {  	[tilespmem:$0x4120] =	vst v1  }
0x26: {  	[tilespmem:$0x4130] =	vst v1  }
0x27: {  	[tilespmem:$0x4140] =	vst v1  }
0x28: {  	[tilespmem:$0x4150] =	vst v1  }
0x29: {  	[tilespmem:$0x4160] =	vst v1  }
0x2a: {  	[tilespmem:$0x4170] =	vst v1  }
0x2b: {  	[tilespmem:$0x4180] =	vst v1  }
0x2c: {  	[tilespmem:$0x4190] =	vst v1  }
0x2d: {  	[tilespmem:$0x41A0] =	vst v1  }
0x2e: {  	[tilespmem:$0x41B0] =	vst v1  }
0x2f: {  	[tilespmem:$0x41C0] =	vst v1  }
0x30: {  	[tilespmem:$0x41D0] =	vst v1  }
0x31: {  	[tilespmem:$0x41E0] =	vst v1  }
0x32: {  	[tilespmem:$0x41F0] =	vst v1  }
0x33: {  	[tilespmem:$0x4200] =	vst v1  }
0x34: {  	[tilespmem:$0x4210] =	vst v1  }
0x35: {  	[tilespmem:$0x4220] =	vst v1  }
0x36: {  	[tilespmem:$0x4230] =	vst v1  }
0x37: {  	[tilespmem:$0x4240] =	vst v1  }
0x38: {  	[tilespmem:$0x4250] =	vst v1  }
0x39: {  	[tilespmem:$0x4260] =	vst v1  }
0x3a: {  	[tilespmem:$0x4270] =	vst v1  }
0x3b: {  	[tilespmem:$0x4280] =	vst v1  }
0x3c: {  	[tilespmem:$0x4290] =	vst v1  }
0x3d: {  	[tilespmem:$0x42A0] =	vst v1  }
0x3e: {  	[tilespmem:$0x42B0] =	vst v1  }
0x3f: {  	[tilespmem:$0x42C0] =	vst v1  }
0x40: {  	[tilespmem:$0x42D0] =	vst v1  }
0x41: {  	[tilespmem:$0x42E0] =	vst v1  }
0x42: {  	[tilespmem:$0x42F0] =	vst v1  }
0x43: {  	[tilespmem:$0x4300] =	vst v1  }
0x44: {  	[tilespmem:$0x4310] =	vst v1  }
0x45: {  	[tilespmem:$0x4320] =	vst v1  }
0x46: {  	[tilespmem:$0x4330] =	vst v1  }
0x47: {  	[tilespmem:$0x4340] =	vst v1  }
0x48: {  	[tilespmem:$0x4350] =	vst v1  }
0x49: {  	[tilespmem:$0x4360] =	vst v1  }
0x4a: {  	[tilespmem:$0x4370] =	vst v1  }
0x4b: {  	[tilespmem:$0x4380] =	vst v1  }
0x4c: {  	[tilespmem:$0x4390] =	vst v1  }
0x4d: {  	[tilespmem:$0x43A0] =	vst v1  }
0x4e: {  	[tilespmem:$0x43B0] =	vst v1  }
0x4f: {  	[tilespmem:$0x43C0] =	vst v1  }
0x50: {  	[tilespmem:$0x43D0] =	vst v1  }
0x51: {  	[tilespmem:$0x43E0] =	vst v1  }
0x52: {  	[tilespmem:$0x43F0] =	vst v1  }
0x53: {  	[tilespmem:$0x4400] =	vst v1  }
0x54: {  	[tilespmem:$0x4410] =	vst v1  }
0x55: {  	[tilespmem:$0x4420] =	vst v1  }
0x56: {  	[tilespmem:$0x4430] =	vst v1  }
0x57: {  	[tilespmem:$0x4440] =	vst v1  }
0x58: {  	[tilespmem:$0x4450] =	vst v1  }
0x59: {  	[tilespmem:$0x4460] =	vst v1  }
0x5a: {  	[tilespmem:$0x4470] =	vst v1  }
0x5b: {  	[tilespmem:$0x4480] =	vst v1  }
0x5c: {  	[tilespmem:$0x4490] =	vst v1  }
0x5d: {  	[tilespmem:$0x44A0] =	vst v1  }
0x5e: {  	[tilespmem:$0x44B0] =	vst v1  }
0x5f: {  	[tilespmem:$0x44C0] =	vst v1  }
0x60: {  	[tilespmem:$0x44D0] =	vst v1  }
0x61: {  	[tilespmem:$0x44E0] =	vst v1  }
0x62: {  	s31 =	sadd.s32 $0x0, s4;
	[tilespmem:$0x44F0] =	vst v1  }
0x63: {  	[spmem:s31] =	stream.linear.scatter [tilespmem:s11], [sflag:$0x5], $0x400, $0x38;
	[tilespmem:$0x18100] =	vst v63  }
0x64: {  	s20 =	simm.s32 $0x1000;
	_ =	swait.ge [sflag:s12], $0x400  }
.LBB2_4:
0x65: {  	s21 =	sshra.s32 s20, $0x2;
	[sflag:s12] =	ssyncset.done $0x0;
	p0 =	sne.s32 s20, $0x4E000  }
.Ltmp1:
0x66: {  	s21 =	sadd.s32 s21, s4;
	[sflag:s12] =	ssyncadd.s32 $0xFFFFFC00;
	(pc) =	sbr.rel @p0 .LBB2_4-.Ltmp1, $3  }
0x67: {  	[spmem:s21] =	stream.linear.scatter [tilespmem:s11], [sflag:$0x5], $0x400, $0x38;
	[tilespmem:$0x18100] =	vst v63  }
0x68: {  	s20 =	sadd.s32 $0x1000, s20;
	_ =	sdelay $0x1  }
0x69: {  	_ =	swait.ge [sflag:s12], $0x400  }
0x6a: {  	[sflag:s12] =	ssyncset.done $0x0  }
0x6b: {  	[sflag:s12] =	ssyncadd.s32 $0xFFFFFC00  }
0x6c: {  	s20 =	simm.s32 $0x0;
	[bflag:$0x0] =	sbarrier.arrive $0xFFFF  }
0x6d: {  	[tilespmem:s20], [sflag:$0x1] =	stream.linear.gather [hbm4b:s5+s20], $0x80, $0x38;
	[tilespmem:$0x18100] =	vst v63  }
0x6e: {  	_ =	swait.ge [sflag:s13], $0x80  }
0x6f: {  	[sflag:s13] =	ssyncset.done $0x0  }
0x70: {  	[sflag:s13] =	ssyncadd.s32 $0xFFFFFF80  }
0x71: {  	[tilespmem:s14], [sflag:$0x3] =	stream.linear.gather [hbm4b:s6+s20], $0x80, $0x38;
	[tilespmem:$0x18100] =	vst v63  }
0x72: {  	_ =	swait.ge [sflag:s15], $0x80  }
0x73: {  	[sflag:s15] =	ssyncset.done $0x0  }
0x74: {  	[sflag:s15] =	ssyncadd.s32 $0xFFFFFF80  }
0x75: {  	[spmem:s1] =	stream.indirect.scatter.add.f32 [tilespmem:s16], [sflag:$0x2], $0x80, s3, s14, $0xb8;
	[tilespmem:$0x18100] =	vst v63  }
0x76: {  	_ = 	snop  }
0x77: {  	[spmem:s1] =	stream.indirect.scatter.add.f32 [tilespmem:s16], [sflag:$0x4], $0x80, s14, s14, $0xb8;
	[tilespmem:$0x18100] =	vst v63  }
0x78: {  	_ =	swait.ge [sflag:s17], $0x4000  }
0x79: {  	[sflag:s17] =	ssyncset.done $0x0  }
0x7a: {  	s30 =	sadd.s32 $0x0, s10;
	[sflag:s17] =	ssyncadd.s32 $0xFFFFC000  }
0x7b: {  	[tilespmem:s3], [sflag:$0x1] =	stream.linear.gather [hbm4b:s30+s3], $0x80, $0x38;
	[tilespmem:$0x18100] =	vst v63  }
0x7c: {  	_ =	swait.ge [sflag:s13], $0x80  }
0x7d: {  	[sflag:s13] =	ssyncset.done $0x0  }
0x7e: {  	[sflag:s13] =	ssyncadd.s32 $0xFFFFFF80  }
0x7f: {  	_ =	swait.ge [sflag:s18], $0x4000  }
0x80: {  	[sflag:s18] =	ssyncset.done $0x0  }
0x81: {  	s31 =	sadd.s32 $0x0, s9;
	[sflag:s18] =	ssyncadd.s32 $0xFFFFC000  }
0x82: {  	[tilespmem:s14], [sflag:$0x3] =	stream.linear.gather [hbm4b:s31+s3], $0x80, $0x38;
	[tilespmem:$0x18100] =	vst v63  }
0x83: {  	_ =	swait.ge [sflag:s15], $0x80  }
0x84: {  	s20 =	simm.s32 $0x20;
	[sflag:s15] =	ssyncset.done $0x0  }
.LBB2_6:
0x85: {  	p0 =	sne.s32 s20, $0x240  }
0x86: {  	[sflag:s15] =	ssyncadd.s32 $0xFFFFFF80;
	s21 =	smov.u32 s20;
	s20 =	sadd.s32 $0x20, s20  }
0x87: {  	[spmem:s1] =	stream.indirect.scatter.add.f32 [tilespmem:s16], [sflag:$0x2], $0x80, s3, s14, $0xb8;
	[tilespmem:$0x18100] =	vst v63  }
0x88: {  	_ = 	snop  }
0x89: {  	[spmem:s1] =	stream.indirect.scatter.add.f32 [tilespmem:s16], [sflag:$0x4], $0x80, s14, s14, $0xb8;
	[tilespmem:$0x18100] =	vst v63  }
0x8a: {  	_ =	swait.ge [sflag:s17], $0x4000  }
0x8b: {  	[sflag:s17] =	ssyncset.done $0x0  }
0x8c: {  	s22 =	sadd.s32 s21, s10;
	[sflag:s17] =	ssyncadd.s32 $0xFFFFC000  }
0x8d: {  	[tilespmem:s3], [sflag:$0x1] =	stream.linear.gather [hbm4b:s22+s3], $0x80, $0x38;
	[tilespmem:$0x18100] =	vst v63  }
0x8e: {  	_ =	swait.ge [sflag:s13], $0x80  }
0x8f: {  	[sflag:s13] =	ssyncset.done $0x0  }
0x90: {  	[sflag:s13] =	ssyncadd.s32 $0xFFFFFF80  }
0x91: {  	_ =	swait.ge [sflag:s18], $0x4000  }
.Ltmp2:
0x92: {  	[sflag:s18] =	ssyncset.done $0x0;
	(pc) =	sbr.rel @p0 .LBB2_6-.Ltmp2, $4  }
0x93: {  	s21 =	sadd.s32 s21, s9;
	[sflag:s18] =	ssyncadd.s32 $0xFFFFC000  }
0x94: {  	[tilespmem:s14], [sflag:$0x3] =	stream.linear.gather [hbm4b:s21+s3], $0x80, $0x38;
	[tilespmem:$0x18100] =	vst v63  }
0x95: {  	_ =	swait.ge [sflag:s15], $0x80  }
0x96: {  	[sflag:s15] =	ssyncset.done $0x0  }
0x97: {  	[sflag:s15] =	ssyncadd.s32 $0xFFFFFF80  }
0x98: {  	[spmem:s1] =	stream.indirect.scatter.add.f32 [tilespmem:s16], [sflag:$0x2], $0x80, s3, s14, $0xb8;
	[tilespmem:$0x18100] =	vst v63  }
0x99: {  	_ = 	snop  }
0x9a: {  	[spmem:s1] =	stream.indirect.scatter.add.f32 [tilespmem:s16], [sflag:$0x4], $0x80, s14, s14, $0xb8;
	[tilespmem:$0x18100] =	vst v63  }
0x9b: {  	_ =	swait.ge [sflag:s17], $0x4000  }
0x9c: {  	[sflag:s17] =	ssyncset.done $0x0  }
0x9d: {  	[sflag:s17] =	ssyncadd.s32 $0xFFFFC000  }
0x9e: {  	_ =	swait.ge [sflag:s18], $0x4000  }
0x9f: {  	s20 =	sshll.u32 s2, $0x6;
	s19 =	sadd.s32 $0x1, s19;
	[sflag:s18] =	ssyncset.done $0x0  }
0xa0: {  	s21 =	sshrl.u32 s4, $0x3;
	p0 =	sne.s32 s19, s8;
	[sflag:s18] =	ssyncadd.s32 $0xFFFFC000  }
.Ltmp3:
0xa1: {  	s20 =	sor.u32 $0x1C05, s20;
	[bflag:$0x0] =	sbarrier.arrive $0xFFFF;
	(pc) =	sbr.rel @p0 .LBB2_1-.Ltmp3, $4  }
0xa2: {  	[hbm:s7], [sflag:s20] =	dma.local [spmem:s21], $0x2780  }
0xa3: {  	_ =	swait.ge [sflag:s12], $0x2780  }
0xa4: {  	[sflag:s12] =	ssyncset.done $0x0  }
0xa5: {  	[sflag:s12] =	ssyncadd.s32 $0xFFFFD880  }
0xa6: {  	_ =	sfence.sel $0x180000  }
0xa7: {  	[bflag:$0x0] =	sbarrier.arrive $0xFFFF  }
0xa8: {  	p0 =	sne.s32 s2, $0x0;
	_ =	strace $0x9000004A  }
0xa9: {  	s0 =	sadd.s32 @!p0 $0x100000, s0;
	[bflag:$0x2] =	sbarrier.arrive $0xFFFF  }
0xaa: {  	[sflag:s0] =	ssyncadd.tile.s32 @!p0 $0x1;
	_ =	shalt  }
.Lfunc_end2:
_tile_overlayer_lowered:
.L_overlay_start_2:
0xab: {  	(tag) =	ssettag $0x2  }
0xac: {  	s0 =	rddreg [dreg:$0x0];
	s2 =	stileid.u32  }
0xad: {  	s1 =	rddreg [dreg:$0x1];
	p0 =	sne.s32 s2, $0x0  }
0xae: {  	s3 =	rddreg [dreg:$0x2];
	[bflag:$0x3] =	sbarrier.arrive $0xFFFF;
	s2 =	simm.s32 @!p0 $0x1C05  }
0xaf: {  	[timem:s3], [sflag:s2] =	dma.local @!p0 [hbm:s0], s1  }
0xb0: {  	s0 =	simm.s32 @!p0 $0x5  }
0xb1: {  	_ =	swait.ge @!p0 [sflag:s0], s1  }
0xb2: {  	s1 =	ssub.s32 @!p0 $0x0, s1;
	[sflag:s0] =	ssyncset.done @!p0 $0x0  }
0xb3: {  	[sflag:s0] =	ssyncadd.s32 @!p0 s1  }
0xb4: {  	[bflag:$0x3] =	sbarrier.arrive $0xFFFF  }
0xb5: {  	_ =	shalt  }

</sc_bundles>
